<compile_context>
chip_gen: v7x
topology: tpu7x:2x2x1
jax: 0.10.2.dev20260603
libtpu: 0.0.44.dev20260713+nightly
codegen_flags: <defaults>
</compile_context>

<pallas_src>
import dataclasses
import functools

import jax
import jax.numpy as jnp
from jax import lax
from jax.experimental import pallas as pl
from jax.experimental.pallas import tpu as pltpu
from jax.experimental.pallas import tpu_sc as plsc

N = 10000
NP = 10240
E = 320000
NFEAT = 128
NHID = 8
NHEADS = 4
LIN = 64
NCLASS = 10
ALPHA = 0.2

BL = 1024
NBL = NP // BL
NWORKERS = 32


def _elu(v):
    return jnp.where(v > 0, v, jnp.exp(jnp.minimum(v, 0.0)) - 1.0)


def _leaky(v):
    return jnp.maximum(v, ALPHA * v)


def _dgt(a, b):
    return lax.dot_general(a, b, (((0,), (0,)), ((), ())),
                           preferred_element_type=jnp.float32)


def _prep1_body(x_ref, w1_ref, as1_ref, ad1_ref,
                htab_ref, astab_ref, adtab_ref, btab_ref, mx_ref):
    nb = pl.program_id(1)
    hh = pl.program_id(0)
    xb = x_ref[...]
    hb = jnp.dot(xb, w1_ref[0], preferred_element_type=jnp.float32)
    htab_ref[...] = jnp.concatenate(
        [hb, jnp.zeros((BL, NHID), jnp.float32)], axis=1)
    va_s = jnp.dot(w1_ref[0], as1_ref[0],
                   preferred_element_type=jnp.float32)
    va_d = jnp.dot(w1_ref[0], ad1_ref[0],
                   preferred_element_type=jnp.float32)
    asv = lax.dot_general(va_s, xb, (((0,), (1,)), ((), ())),
                          preferred_element_type=jnp.float32)
    adv = lax.dot_general(va_d, xb, (((0,), (1,)), ((), ())),
                          preferred_element_type=jnp.float32)
    astab_ref[...] = asv[None]
    adtab_ref[...] = adv[None]
    m_as = jnp.max(asv)
    m_ad = jnp.max(adv)

    @pl.when(nb == 0)
    def _():
        mx_ref[0] = m_as
        mx_ref[1] = m_ad

    @pl.when(nb != 0)
    def _():
        mx_ref[0] = jnp.maximum(mx_ref[0], m_as)
        mx_ref[1] = jnp.maximum(mx_ref[1], m_ad)

    @pl.when(nb == NBL - 1)
    def _():
        btab_ref[...] = jnp.full((1, 1, 16), _leaky(mx_ref[0] + mx_ref[1]),
                                 jnp.float32)


def _prep1(xp, W1, a_src1, a_dst1):
    return pl.pallas_call(
        _prep1_body,
        grid=(NHEADS, NBL),
        in_specs=[
            pl.BlockSpec((BL, NFEAT), lambda hh, nb: (nb, 0)),
            pl.BlockSpec((1, NFEAT, NHID), lambda hh, nb: (hh, 0, 0)),
            pl.BlockSpec((1, NHID, 1), lambda hh, nb: (hh, 0, 0)),
            pl.BlockSpec((1, NHID, 1), lambda hh, nb: (hh, 0, 0)),
        ],
        out_specs=[
            pl.BlockSpec((BL, 16), lambda hh, nb: (hh * NBL + nb, 0)),
            pl.BlockSpec((1, 1, BL), lambda hh, nb: (hh, 0, nb)),
            pl.BlockSpec((1, 1, BL), lambda hh, nb: (hh, 0, nb)),
            pl.BlockSpec((1, 1, 16), lambda hh, nb: (hh, 0, 0)),
        ],
        out_shape=[
            jax.ShapeDtypeStruct((NHEADS * NP, 16), jnp.float32),
            jax.ShapeDtypeStruct((NHEADS, 1, NP), jnp.float32),
            jax.ShapeDtypeStruct((NHEADS, 1, NP), jnp.float32),
            jax.ShapeDtypeStruct((NHEADS, 1, 16), jnp.float32),
        ],
        scratch_shapes=[pltpu.SMEM((2,), jnp.float32)],
    )(xp, W1, a_src1.reshape(NHEADS, NHID, 1), a_dst1.reshape(NHEADS, NHID, 1))


C = 800


def _edge_pass_body(NH, NC,
                    htab, astab, adtab, btab, src_h, dst_h,
                    acc_o, den_o,
                    as_t, ad_t, bt, acc, den, srcb, dstb, gidxb, wbuf,
                    hrows, sem0, sem1):
    EPW = E // NC
    NCH = EPW // C
    cid = lax.axis_index("c")
    sid = lax.axis_index("s")
    wid = sid * 2 + cid
    h = wid % NH
    c = wid // NH

    pltpu.sync_copy(astab.at[h, 0], as_t)
    pltpu.sync_copy(adtab.at[h, 0], ad_t)
    pltpu.sync_copy(btab.at[h, 0], bt)

    zf = jnp.zeros((16,), jnp.float32)

    for j in range(NHID):
        @plsc.parallel_loop(0, NP, 16, unroll=8)
        def _(i):
            acc[j, pl.ds(i, 16)] = zf

    @plsc.parallel_loop(0, NP, 16, unroll=8)
    def _(i):
        den[pl.ds(i, 16)] = zf

    bv = bt[...]
    iot = lax.iota(jnp.int32, 16)
    col8 = lax.rem(iot, 8)
    rep8 = lax.div(iot, 8)
    hoff = h * NP

    @pl.loop(0, NCH)
    def _(k):
        base = c * EPW + k * C
        dsrc = pltpu.async_copy(src_h.at[pl.ds(base, C)], srcb, sem0)
        ddst = pltpu.async_copy(dst_h.at[pl.ds(base, C)], dstb, sem1)
        dsrc.wait()

        @plsc.parallel_loop(0, C, 16, unroll=10)
        def _(i):
            gidxb[pl.ds(i, 16)] = srcb[pl.ds(i, 16)] + hoff

        dgat = pltpu.async_copy(htab.at[gidxb], hrows, sem0)
        ddst.wait()

        @plsc.parallel_loop(0, C, 16, unroll=4)
        def _(i):
            sv = srcb[pl.ds(i, 16)]
            dv = dstb[pl.ds(i, 16)]
            asv = plsc.load_gather(as_t, [sv])
            adv = plsc.load_gather(ad_t, [dv])
            e = asv + adv
            e = jnp.maximum(e, ALPHA * e) - bv
            w = jnp.exp(e)
            wbuf[pl.ds(i, 16)] = w
            plsc.addupdate_scatter(den, [dv], w)

        dgat.wait()

        @plsc.parallel_loop(0, C, 2, unroll=8, carry=rep8)
        def _(i, iv):
            hv = plsc.load_gather(hrows, [iv, col8])
            wv = plsc.load_gather(wbuf, [iv])
            dv2 = plsc.load_gather(dstb, [iv])
            prod = hv * wv
            plsc.addupdate_scatter(acc, [col8, dv2], prod)
            return iv + 2

    pltpu.sync_copy(acc, acc_o.at[c, h])
    pltpu.sync_copy(den, den_o.at[c, h])


def _sc_compiler_params():
    cp = pltpu.CompilerParams()
    fields = pltpu.CompilerParams.__dataclass_fields__
    if "needs_layout_passes" in fields:
        cp = dataclasses.replace(cp, needs_layout_passes=False)
    if "use_tc_tiling_on_sc" in fields:
        cp = dataclasses.replace(cp, use_tc_tiling_on_sc=False)
    return cp


def _make_edge_pass(NH, NC):
    mesh = plsc.VectorSubcoreMesh(core_axis_name="c", subcore_axis_name="s")
    return pl.kernel(
        functools.partial(_edge_pass_body, NH, NC),
        out_type=[
            jax.ShapeDtypeStruct((NC, NH, NHID, NP), jnp.float32),
            jax.ShapeDtypeStruct((NC, NH, NP), jnp.float32),
        ],
        mesh=mesh,
        scratch_types=[
            pltpu.VMEM((NP,), jnp.float32),
            pltpu.VMEM((NP,), jnp.float32),
            pltpu.VMEM((16,), jnp.float32),
            pltpu.VMEM((NHID, NP), jnp.float32),
            pltpu.VMEM((NP,), jnp.float32),
            pltpu.VMEM((C,), jnp.int32),
            pltpu.VMEM((C,), jnp.int32),
            pltpu.VMEM((C,), jnp.int32),
            pltpu.VMEM((C,), jnp.float32),
            pltpu.VMEM((C, 16), jnp.float32),
            pltpu.SemaphoreType.DMA,
            pltpu.SemaphoreType.DMA,
        ],
        compiler_params=_sc_compiler_params(),
    )


def _prep2_body(acc_ref, den_ref, wl1_ref, bl1_ref, w2_ref, a2s_ref, a2d_ref,
                htab_ref, astab_ref, adtab_ref, btab_ref, mx_ref):
    nb = pl.program_id(0)
    a = jnp.sum(acc_ref[...], axis=0)
    d = jnp.sum(den_ref[...], axis=0)
    zs = []
    for h in range(NHEADS):
        oT = a[h] / (d[h][None, :] + 1e-16)
        oT = _elu(oT)
        zT = _elu(_dgt(wl1_ref[h], oT) + bl1_ref[h])
        zs.append(zT)
    hcatT = jnp.concatenate(zs, axis=0)
    h2T = _dgt(w2_ref[...], hcatT)
    h2 = _dgt(h2T, jnp.eye(NHID, dtype=jnp.float32))
    htab_ref[...] = jnp.concatenate(
        [h2, jnp.zeros((BL, NHID), jnp.float32)], axis=1)
    asv = _dgt(a2s_ref[...], h2T)
    adv = _dgt(a2d_ref[...], h2T)
    astab_ref[...] = asv[None]
    adtab_ref[...] = adv[None]
    m_as = jnp.max(asv)
    m_ad = jnp.max(adv)

    @pl.when(nb == 0)
    def _():
        mx_ref[0] = m_as
        mx_ref[1] = m_ad

    @pl.when(nb != 0)
    def _():
        mx_ref[0] = jnp.maximum(mx_ref[0], m_as)
        mx_ref[1] = jnp.maximum(mx_ref[1], m_ad)

    @pl.when(nb == NBL - 1)
    def _():
        btab_ref[...] = jnp.full((1, 1, 16), _leaky(mx_ref[0] + mx_ref[1]),
                                 jnp.float32)


def _prep2(acc1, den1, Wl1, bl1, W2, a2s, a2d):
    return pl.pallas_call(
        _prep2_body,
        grid=(NBL,),
        in_specs=[
            pl.BlockSpec((8, NHEADS, NHID, BL), lambda nb: (0, 0, 0, nb)),
            pl.BlockSpec((8, NHEADS, BL), lambda nb: (0, 0, nb)),
            pl.BlockSpec((NHEADS, NHID, NHID), lambda nb: (0, 0, 0)),
            pl.BlockSpec((NHEADS, NHID, 1), lambda nb: (0, 0, 0)),
            pl.BlockSpec((NHEADS * NHID, NHID), lambda nb: (0, 0)),
            pl.BlockSpec((NHID, 1), lambda nb: (0, 0)),
            pl.BlockSpec((NHID, 1), lambda nb: (0, 0)),
        ],
        out_specs=[
            pl.BlockSpec((BL, 16), lambda nb: (nb, 0)),
            pl.BlockSpec((1, 1, BL), lambda nb: (0, 0, nb)),
            pl.BlockSpec((1, 1, BL), lambda nb: (0, 0, nb)),
            pl.BlockSpec((1, 1, 16), lambda nb: (0, 0, 0)),
        ],
        out_shape=[
            jax.ShapeDtypeStruct((NP, 16), jnp.float32),
            jax.ShapeDtypeStruct((1, 1, NP), jnp.float32),
            jax.ShapeDtypeStruct((1, 1, NP), jnp.float32),
            jax.ShapeDtypeStruct((1, 1, 16), jnp.float32),
        ],
        scratch_shapes=[pltpu.SMEM((2,), jnp.float32)],
    )(acc1, den1, Wl1, bl1.reshape(NHEADS, NHID, 1), W2,
      a2s.reshape(NHID, 1), a2d.reshape(NHID, 1))


def _readout_body(acc_ref, den_ref, wl2_ref, bl2_ref, wlin1_ref, blin1_ref,
                  wlin2_ref, blin2_ref, out_ref, g_ref):
    nb = pl.program_id(0)
    oT = jnp.sum(acc_ref[:, 0], axis=0)
    d = jnp.sum(den_ref[:, 0], axis=0)
    oT = _elu(oT / (d[None, :] + 1e-16))
    t1 = _elu(_dgt(wl2_ref[...], oT) + bl2_ref[...])
    t1 = _elu(t1)
    t2 = _elu(_dgt(wlin1_ref[...], t1) + blin1_ref[...])
    gidx = nb * BL + lax.broadcasted_iota(jnp.int32, (2 * LIN, BL), 1)
    t2 = jnp.where(gidx < N, t2, 0.0)
    gp = jnp.sum(t2, axis=1, keepdims=True)

    @pl.when(nb == 0)
    def _():
        g_ref[...] = gp

    @pl.when(nb != 0)
    def _():
        g_ref[...] = g_ref[...] + gp

    @pl.when(nb == NBL - 1)
    def _():
        logits = (_dgt(g_ref[...], wlin2_ref[...])
                  + blin2_ref[...])
        m = jnp.max(logits)
        ls = logits - m
        out_ref[...] = ls - jnp.log(jnp.sum(jnp.exp(ls)))


def _readout(acc2, den2, Wl2, bl2, W_lin1, b_lin1, W_lin2, b_lin2):
    return pl.pallas_call(
        _readout_body,
        grid=(NBL,),
        in_specs=[
            pl.BlockSpec((NWORKERS, 1, NHID, BL), lambda nb: (0, 0, 0, nb)),
            pl.BlockSpec((NWORKERS, 1, BL), lambda nb: (0, 0, nb)),
            pl.BlockSpec((NHID, LIN), lambda nb: (0, 0)),
            pl.BlockSpec((LIN, 1), lambda nb: (0, 0)),
            pl.BlockSpec((LIN, 2 * LIN), lambda nb: (0, 0)),
            pl.BlockSpec((2 * LIN, 1), lambda nb: (0, 0)),
            pl.BlockSpec((2 * LIN, NCLASS), lambda nb: (0, 0)),
            pl.BlockSpec((1, NCLASS), lambda nb: (0, 0)),
        ],
        out_specs=[pl.BlockSpec((1, NCLASS), lambda nb: (0, 0))],
        out_shape=[jax.ShapeDtypeStruct((1, NCLASS), jnp.float32)],
        scratch_shapes=[pltpu.VMEM((2 * LIN, 1), jnp.float32)],
    )(acc2, den2, Wl2, bl2, W_lin1, b_lin1, W_lin2, b_lin2)


def kernel(x, edge_index, W1, a_src1, a_dst1, Wl1, bl1, W2, a_src2, a_dst2,
           Wl2, bl2, W_lin1, b_lin1, W_lin2, b_lin2):
    src = edge_index[0]
    dst = edge_index[1]
    xp = jnp.pad(x, ((0, NP - N), (0, 0)))

    htab1, astab1, adtab1, btab1 = _prep1(xp, W1, a_src1, a_dst1)

    l1 = _make_edge_pass(NH=NHEADS, NC=8)
    acc1, den1 = l1(htab1, astab1, adtab1, btab1, src, dst)

    htab2, astab2, adtab2, btab2 = _prep2(acc1, den1, Wl1, bl1, W2,
                                          a_src2, a_dst2)

    l2 = _make_edge_pass(NH=1, NC=NWORKERS)
    acc2, den2 = l2(htab2, astab2, adtab2, btab2, src, dst)

    (out,) = _readout(acc2, den2,
                      Wl2, bl2.reshape(LIN, 1),
                      W_lin1, b_lin1.reshape(2 * LIN, 1),
                      W_lin2, b_lin2.reshape(1, NCLASS))
    return out

# --- scband reference (transcript-rebuilt; emitter-appended) ---
"""Pipeline reference for scband-gatordered-graph-classification-88175678587741 (READ-ONLY COPY).

The authoritative reference and input builder live on the scoring server;
editing this copy changes nothing except your own understanding.
"""

import jax, jax.numpy as jnp
import numpy as np

N = 10000
E = 320000
NFEAT = 128
NHID = 8
NHEADS = 4
LSTM1 = 8
LIN = 64
NCLASS = 10
ALPHA = 0.2


def setup_inputs(seed: int = 0) -> dict:
    key = jax.random.key(seed)
    ks = jax.random.split(key, 18)
    x = jax.random.normal(ks[0], (N, NFEAT), dtype=jnp.float32)
    edge_index = jax.random.randint(ks[1], (2, E), 0, N, dtype=jnp.int32)
    s = 0.1
    W1 = jax.random.normal(ks[2], (NHEADS, NFEAT, NHID), dtype=jnp.float32) * s
    a_src1 = jax.random.normal(ks[3], (NHEADS, NHID), dtype=jnp.float32) * s
    a_dst1 = jax.random.normal(ks[4], (NHEADS, NHID), dtype=jnp.float32) * s
    Wl1 = jax.random.normal(ks[5], (NHEADS, NHID, LSTM1), dtype=jnp.float32) * s
    bl1 = jnp.zeros((NHEADS, LSTM1), dtype=jnp.float32)
    W2 = jax.random.normal(ks[6], (NHEADS * LSTM1, NHID), dtype=jnp.float32) * s
    a_src2 = jax.random.normal(ks[7], (NHID,), dtype=jnp.float32) * s
    a_dst2 = jax.random.normal(ks[8], (NHID,), dtype=jnp.float32) * s
    Wl2 = jax.random.normal(ks[9], (NHID, LIN), dtype=jnp.float32) * s
    bl2 = jnp.zeros((LIN,), dtype=jnp.float32)
    W_lin1 = jax.random.normal(ks[10], (LIN, 2 * LIN), dtype=jnp.float32) * s
    b_lin1 = jnp.zeros((2 * LIN,), dtype=jnp.float32)
    W_lin2 = jax.random.normal(ks[11], (2 * LIN, NCLASS), dtype=jnp.float32) * s
    b_lin2 = jnp.zeros((NCLASS,), dtype=jnp.float32)
    return {"x": x, "edge_index": edge_index, "W1": W1, "a_src1": a_src1,
            "a_dst1": a_dst1, "Wl1": Wl1, "bl1": bl1, "W2": W2, "a_src2": a_src2,
            "a_dst2": a_dst2, "Wl2": Wl2, "bl2": bl2, "W_lin1": W_lin1,
            "b_lin1": b_lin1, "W_lin2": W_lin2, "b_lin2": b_lin2}


def _gat_head(x, src, dst, W, a_s, a_d, Wl, bl):
    h = x @ W
    e = jax.nn.leaky_relu(h[src] @ a_s + h[dst] @ a_d, negative_slope=ALPHA)
    emax = jax.ops.segment_max(e, dst, num_segments=N)
    ee = jnp.exp(e - emax[dst])
    denom = jax.ops.segment_sum(ee, dst, num_segments=N)
    attn = ee / (denom[dst] + 1e-16)
    out = jax.ops.segment_sum(attn[:, None] * h[src], dst, num_segments=N)
    out = jax.nn.elu(out)
    return jax.nn.elu(out @ Wl + bl)


def reference(x, edge_index, W1, a_src1, a_dst1, Wl1, bl1, W2, a_src2, a_dst2,
              Wl2, bl2, W_lin1, b_lin1, W_lin2, b_lin2):
    src = edge_index[0]
    dst = edge_index[1]
    heads = [_gat_head(x, src, dst, W1[i], a_src1[i], a_dst1[i], Wl1[i], bl1[i])
             for i in range(NHEADS)]
    h = jnp.concatenate(heads, axis=1)
    h = jax.nn.elu(_gat_head(h, src, dst, W2, a_src2, a_dst2, Wl2, bl2))
    h = jax.nn.elu(h @ W_lin1 + b_lin1)
    g = jnp.sum(h, axis=0)
    logits = (g @ W_lin2 + b_lin2)[None, :]
    return jax.nn.log_softmax(logits, axis=1)

if __name__ == "__main__":
    import jax
    _d = setup_inputs()
    print(jax.jit(kernel)(*tuple(_d.values())))

</pallas_src>

<mosaic_0001>
#map = affine_map<(d0, d1) -> (0, 0)>
#map1 = affine_map<(d0, d1) -> (0, 0, 0)>
#map2 = affine_map<(d0, d1) -> (0)>
#map3 = affine_map<(d0, d1) -> (0, 0, 0, 0)>
module attributes {stable_mosaic.version = 14 : i64} {
  func.func @_edge_pass_body(%arg0: i32, %arg1: i32, %arg2: memref<40960x16xf32, #tpu.memory_space<hbm>>, %arg3: memref<4x1x10240xf32, #tpu.memory_space<hbm>>, %arg4: memref<4x1x10240xf32, #tpu.memory_space<hbm>>, %arg5: memref<4x1x16xf32, #tpu.memory_space<hbm>>, %arg6: memref<320000xi32, #tpu.memory_space<hbm>>, %arg7: memref<320000xi32, #tpu.memory_space<hbm>>, %arg8: memref<8x4x8x10240xf32, #tpu.memory_space<hbm>>, %arg9: memref<8x4x10240xf32, #tpu.memory_space<hbm>>, %arg10: memref<10240xf32, #tpu.memory_space<vmem>>, %arg11: memref<10240xf32, #tpu.memory_space<vmem>>, %arg12: memref<16xf32, #tpu.memory_space<vmem>>, %arg13: memref<8x10240xf32, #tpu.memory_space<vmem>>, %arg14: memref<10240xf32, #tpu.memory_space<vmem>>, %arg15: memref<800xi32, #tpu.memory_space<vmem>>, %arg16: memref<800xi32, #tpu.memory_space<vmem>>, %arg17: memref<800xi32, #tpu.memory_space<vmem>>, %arg18: memref<800xf32, #tpu.memory_space<vmem>>, %arg19: memref<800x16xf32, #tpu.memory_space<vmem>>, %arg20: memref<!tpu.dma_semaphore, #tpu.memory_space<semaphore_mem>>, %arg21: memref<!tpu.dma_semaphore, #tpu.memory_space<semaphore_mem>>) attributes {dimension_semantics = [#tpu.dimension_semantics<core_parallel>, #tpu.dimension_semantics<subcore_parallel>], iteration_bounds = array<i64: 2, 16>, scalar_prefetch = 0 : i64, scratch_operands = 12 : i64, tpu.core_type = #tpu.core_type<sc_vector_subcore>, window_params = [{transform_indices = #map}, {transform_indices = #map1}, {transform_indices = #map1}, {transform_indices = #map1}, {transform_indices = #map2}, {transform_indices = #map2}, {transform_indices = #map3}, {transform_indices = #map1}]} {
    %mul3A = arith.constant 2 : i32
    %mul3A_0 = arith.muli %arg1, %mul3A : i32
    %add3A = arith.addi %mul3A_0, %arg0 : i32
    %jit3A = arith.constant 4 : i32
    %eq3A = arith.constant 0 : i32
    %eq3A_1 = arith.cmpi eq, %jit3A, %eq3A : i32
    %jit3A_2 = arith.constant 1 : i32
    %select_n3A = arith.select %eq3A_1, %jit3A_2, %jit3A : i32
    %rem3A = arith.remsi %add3A, %select_n3A : i32
    %ne3A = arith.constant 0 : i32
    %ne3A_3 = arith.cmpi ne, %rem3A, %ne3A : i32
    %lt3A = arith.constant 0 : i32
    %lt3A_4 = arith.cmpi slt, %rem3A, %lt3A : i32
    %lt3A_5 = arith.constant 0 : i32
    %lt3A_6 = arith.cmpi slt, %select_n3A, %lt3A_5 : i32
    %ne3A_7 = arith.xori %lt3A_4, %lt3A_6 : i1
    %and3A = arith.andi %ne3A_7, %ne3A_3 : i1
    %add3A_8 = arith.addi %rem3A, %select_n3A : i32
    %select_n3A_9 = arith.select %and3A, %add3A_8, %rem3A : i32
    %jit3A_10 = arith.constant 4 : i32
    %div3A = arith.divsi %add3A, %jit3A_10 : i32
    %sign3A = arith.constant 0 : i32
    %sign3A_11 = arith.cmpi sgt, %add3A, %sign3A : i32
    %sign3A_12 = arith.extui %sign3A_11 : i1 to i32
    %sign3A_13 = arith.constant 0 : i32
    %sign3A_14 = arith.cmpi slt, %add3A, %sign3A_13 : i32
    %sign3A_15 = arith.extui %sign3A_14 : i1 to i32
    %sign3A_16 = arith.subi %sign3A_12, %sign3A_15 : i32
    %sign3A_17 = arith.constant 0 : i32
    %sign3A_18 = arith.cmpi sgt, %jit3A_10, %sign3A_17 : i32
    %sign3A_19 = arith.extui %sign3A_18 : i1 to i32
    %sign3A_20 = arith.constant 0 : i32
    %sign3A_21 = arith.cmpi slt, %jit3A_10, %sign3A_20 : i32
    %sign3A_22 = arith.extui %sign3A_21 : i1 to i32
    %sign3A_23 = arith.subi %sign3A_19, %sign3A_22 : i32
    %ne3A_24 = arith.cmpi ne, %sign3A_16, %sign3A_23 : i32
    %rem3A_25 = arith.remsi %add3A, %jit3A_10 : i32
    %ne3A_26 = arith.constant 0 : i32
    %ne3A_27 = arith.cmpi ne, %rem3A_25, %ne3A_26 : i32
    %and3A_28 = arith.andi %ne3A_24, %ne3A_27 : i1
    %sub3A = arith.constant 1 : i32
    %sub3A_29 = arith.subi %div3A, %sub3A : i32
    %select_n3A_30 = arith.select %and3A_28, %sub3A_29, %div3A : i32
    %run_scoped3A = arith.constant 0 : i32
    "tpu.region"() ({
      %run_scoped3A_73 = tpu.sem_alloc : memref<!tpu.dma_semaphore, #tpu.memory_space<semaphore_mem>>
      %dma_start3A = arith.constant 0 : i32
      %dma_start3A_74 = tpu.memref_slice %arg3[%select_n3A_9, %run_scoped3A, %dma_start3A] : memref<4x1x10240xf32, #tpu.memory_space<hbm>> -> memref<1x1x10240xf32, #tpu.memory_space<hbm>>
      %dma_start3A_75 = tpu.memref_squeeze %dma_start3A_74 : memref<1x1x10240xf32, #tpu.memory_space<hbm>> -> memref<10240xf32, #tpu.memory_space<hbm>>
      %dma_start3A_76 = arith.constant 0 : i32
      %dma_start3A_77 = tpu.memref_slice %arg3[%select_n3A_9, %run_scoped3A, %dma_start3A_76] : memref<4x1x10240xf32, #tpu.memory_space<hbm>> -> memref<1x1x10240xf32, #tpu.memory_space<hbm>>
      %dma_start3A_78 = tpu.memref_squeeze %dma_start3A_77 : memref<1x1x10240xf32, #tpu.memory_space<hbm>> -> memref<10240xf32, #tpu.memory_space<hbm>>
      tpu.enqueue_dma source(%dma_start3A_78 : memref<10240xf32, #tpu.memory_space<hbm>>) target(%arg10 : memref<10240xf32, #tpu.memory_space<vmem>>) target_semaphore(%run_scoped3A_73 : memref<!tpu.dma_semaphore, #tpu.memory_space<semaphore_mem>>)
      %dma_wait3A = arith.constant 0 : i32
      %dma_wait3A_79 = tpu.memref_slice %arg3[%select_n3A_9, %run_scoped3A, %dma_wait3A] : memref<4x1x10240xf32, #tpu.memory_space<hbm>> -> memref<1x1x10240xf32, #tpu.memory_space<hbm>>
      %dma_wait3A_80 = tpu.memref_squeeze %dma_wait3A_79 : memref<1x1x10240xf32, #tpu.memory_space<hbm>> -> memref<10240xf32, #tpu.memory_space<hbm>>
      %dma_wait3A_81 = arith.constant 0 : i32
      %dma_wait3A_82 = tpu.memref_slice %arg3[%select_n3A_9, %run_scoped3A, %dma_wait3A_81] : memref<4x1x10240xf32, #tpu.memory_space<hbm>> -> memref<1x1x10240xf32, #tpu.memory_space<hbm>>
      %dma_wait3A_83 = tpu.memref_squeeze %dma_wait3A_82 : memref<1x1x10240xf32, #tpu.memory_space<hbm>> -> memref<10240xf32, #tpu.memory_space<hbm>>
      tpu.wait_dma2 semaphore(%run_scoped3A_73 : memref<!tpu.dma_semaphore, #tpu.memory_space<semaphore_mem>>) src(%dma_wait3A_83 : memref<10240xf32, #tpu.memory_space<hbm>>) dst(%arg10 : memref<10240xf32, #tpu.memory_space<vmem>>)
      tpu.yield
    }) : () -> ()
    %run_scoped3A_31 = arith.constant 0 : i32
    "tpu.region"() ({
      %run_scoped3A_73 = tpu.sem_alloc : memref<!tpu.dma_semaphore, #tpu.memory_space<semaphore_mem>>
      %dma_start3A = arith.constant 0 : i32
      %dma_start3A_74 = tpu.memref_slice %arg4[%select_n3A_9, %run_scoped3A_31, %dma_start3A] : memref<4x1x10240xf32, #tpu.memory_space<hbm>> -> memref<1x1x10240xf32, #tpu.memory_space<hbm>>
      %dma_start3A_75 = tpu.memref_squeeze %dma_start3A_74 : memref<1x1x10240xf32, #tpu.memory_space<hbm>> -> memref<10240xf32, #tpu.memory_space<hbm>>
      %dma_start3A_76 = arith.constant 0 : i32
      %dma_start3A_77 = tpu.memref_slice %arg4[%select_n3A_9, %run_scoped3A_31, %dma_start3A_76] : memref<4x1x10240xf32, #tpu.memory_space<hbm>> -> memref<1x1x10240xf32, #tpu.memory_space<hbm>>
      %dma_start3A_78 = tpu.memref_squeeze %dma_start3A_77 : memref<1x1x10240xf32, #tpu.memory_space<hbm>> -> memref<10240xf32, #tpu.memory_space<hbm>>
      tpu.enqueue_dma source(%dma_start3A_78 : memref<10240xf32, #tpu.memory_space<hbm>>) target(%arg11 : memref<10240xf32, #tpu.memory_space<vmem>>) target_semaphore(%run_scoped3A_73 : memref<!tpu.dma_semaphore, #tpu.memory_space<semaphore_mem>>)
      %dma_wait3A = arith.constant 0 : i32
      %dma_wait3A_79 = tpu.memref_slice %arg4[%select_n3A_9, %run_scoped3A_31, %dma_wait3A] : memref<4x1x10240xf32, #tpu.memory_space<hbm>> -> memref<1x1x10240xf32, #tpu.memory_space<hbm>>
      %dma_wait3A_80 = tpu.memref_squeeze %dma_wait3A_79 : memref<1x1x10240xf32, #tpu.memory_space<hbm>> -> memref<10240xf32, #tpu.memory_space<hbm>>
      %dma_wait3A_81 = arith.constant 0 : i32
      %dma_wait3A_82 = tpu.memref_slice %arg4[%select_n3A_9, %run_scoped3A_31, %dma_wait3A_81] : memref<4x1x10240xf32, #tpu.memory_space<hbm>> -> memref<1x1x10240xf32, #tpu.memory_space<hbm>>
      %dma_wait3A_83 = tpu.memref_squeeze %dma_wait3A_82 : memref<1x1x10240xf32, #tpu.memory_space<hbm>> -> memref<10240xf32, #tpu.memory_space<hbm>>
      tpu.wait_dma2 semaphore(%run_scoped3A_73 : memref<!tpu.dma_semaphore, #tpu.memory_space<semaphore_mem>>) src(%dma_wait3A_83 : memref<10240xf32, #tpu.memory_space<hbm>>) dst(%arg11 : memref<10240xf32, #tpu.memory_space<vmem>>)
      tpu.yield
    }) : () -> ()
    %run_scoped3A_32 = arith.constant 0 : i32
    "tpu.region"() ({
      %run_scoped3A_73 = tpu.sem_alloc : memref<!tpu.dma_semaphore, #tpu.memory_space<semaphore_mem>>
      %dma_start3A = arith.constant 0 : i32
      %dma_start3A_74 = tpu.memref_slice %arg5[%select_n3A_9, %run_scoped3A_32, %dma_start3A] : memref<4x1x16xf32, #tpu.memory_space<hbm>> -> memref<1x1x16xf32, #tpu.memory_space<hbm>>
      %dma_start3A_75 = tpu.memref_squeeze %dma_start3A_74 : memref<1x1x16xf32, #tpu.memory_space<hbm>> -> memref<16xf32, #tpu.memory_space<hbm>>
      %dma_start3A_76 = arith.constant 0 : i32
      %dma_start3A_77 = tpu.memref_slice %arg5[%select_n3A_9, %run_scoped3A_32, %dma_start3A_76] : memref<4x1x16xf32, #tpu.memory_space<hbm>> -> memref<1x1x16xf32, #tpu.memory_space<hbm>>
      %dma_start3A_78 = tpu.memref_squeeze %dma_start3A_77 : memref<1x1x16xf32, #tpu.memory_space<hbm>> -> memref<16xf32, #tpu.memory_space<hbm>>
      tpu.enqueue_dma source(%dma_start3A_78 : memref<16xf32, #tpu.memory_space<hbm>>) target(%arg12 : memref<16xf32, #tpu.memory_space<vmem>>) target_semaphore(%run_scoped3A_73 : memref<!tpu.dma_semaphore, #tpu.memory_space<semaphore_mem>>)
      %dma_wait3A = arith.constant 0 : i32
      %dma_wait3A_79 = tpu.memref_slice %arg5[%select_n3A_9, %run_scoped3A_32, %dma_wait3A] : memref<4x1x16xf32, #tpu.memory_space<hbm>> -> memref<1x1x16xf32, #tpu.memory_space<hbm>>
      %dma_wait3A_80 = tpu.memref_squeeze %dma_wait3A_79 : memref<1x1x16xf32, #tpu.memory_space<hbm>> -> memref<16xf32, #tpu.memory_space<hbm>>
      %dma_wait3A_81 = arith.constant 0 : i32
      %dma_wait3A_82 = tpu.memref_slice %arg5[%select_n3A_9, %run_scoped3A_32, %dma_wait3A_81] : memref<4x1x16xf32, #tpu.memory_space<hbm>> -> memref<1x1x16xf32, #tpu.memory_space<hbm>>
      %dma_wait3A_83 = tpu.memref_squeeze %dma_wait3A_82 : memref<1x1x16xf32, #tpu.memory_space<hbm>> -> memref<16xf32, #tpu.memory_space<hbm>>
      tpu.wait_dma2 semaphore(%run_scoped3A_73 : memref<!tpu.dma_semaphore, #tpu.memory_space<semaphore_mem>>) src(%dma_wait3A_83 : memref<16xf32, #tpu.memory_space<hbm>>) dst(%arg12 : memref<16xf32, #tpu.memory_space<vmem>>)
      tpu.yield
    }) : () -> ()
    %broadcast_in_dim3A = arith.constant 0.000000e+00 : f32
    %broadcast_in_dim3A_33 = vector.broadcast %broadcast_in_dim3A : f32 to vector<16xf32>
    %parallel_loop3A = arith.constant 0 : i32
    %parallel_loop3A_34 = arith.constant 10240 : i32
    %parallel_loop3A_35 = arith.constant 16 : i32
    scf.for %parallel_loop3A_73 = %parallel_loop3A to %parallel_loop3A_34 step %parallel_loop3A_35  : i32 {
      %parallel_loop3A_74 = arith.constant 0 : i32
      %parallel_loop3A_75 = arith.index_cast %parallel_loop3A_74 : i32 to index
      %parallel_loop3A_76 = arith.index_cast %parallel_loop3A_73 : i32 to index
      %parallel_loop3A_77 = tpu.vector_load %arg13[%parallel_loop3A_75, %parallel_loop3A_76] {strides = array<i32>} : memref<8x10240xf32, #tpu.memory_space<vmem>>, vector<16xf32>,
      tpu.vector_store %arg13[%parallel_loop3A_75, %parallel_loop3A_76], %broadcast_in_dim3A_33 {strides = array<i32>} : memref<8x10240xf32, #tpu.memory_space<vmem>>, vector<16xf32>,
    } {sc.loop_unroll_factor = 8 : i64, sc.parallel_access}
    %parallel_loop3A_36 = arith.constant 0 : i32
    %parallel_loop3A_37 = arith.constant 10240 : i32
    %parallel_loop3A_38 = arith.constant 16 : i32
    scf.for %parallel_loop3A_73 = %parallel_loop3A_36 to %parallel_loop3A_37 step %parallel_loop3A_38  : i32 {
      %parallel_loop3A_74 = arith.constant 1 : i32
      %parallel_loop3A_75 = arith.index_cast %parallel_loop3A_74 : i32 to index
      %parallel_loop3A_76 = arith.index_cast %parallel_loop3A_73 : i32 to index
      %parallel_loop3A_77 = tpu.vector_load %arg13[%parallel_loop3A_75, %parallel_loop3A_76] {strides = array<i32>} : memref<8x10240xf32, #tpu.memory_space<vmem>>, vector<16xf32>,
      tpu.vector_store %arg13[%parallel_loop3A_75, %parallel_loop3A_76], %broadcast_in_dim3A_33 {strides = array<i32>} : memref<8x10240xf32, #tpu.memory_space<vmem>>, vector<16xf32>,
    } {sc.loop_unroll_factor = 8 : i64, sc.parallel_access}
    %parallel_loop3A_39 = arith.constant 0 : i32
    %parallel_loop3A_40 = arith.constant 10240 : i32
    %parallel_loop3A_41 = arith.constant 16 : i32
    scf.for %parallel_loop3A_73 = %parallel_loop3A_39 to %parallel_loop3A_40 step %parallel_loop3A_41  : i32 {
      %parallel_loop3A_74 = arith.constant 2 : i32
      %parallel_loop3A_75 = arith.index_cast %parallel_loop3A_74 : i32 to index
      %parallel_loop3A_76 = arith.index_cast %parallel_loop3A_73 : i32 to index
      %parallel_loop3A_77 = tpu.vector_load %arg13[%parallel_loop3A_75, %parallel_loop3A_76] {strides = array<i32>} : memref<8x10240xf32, #tpu.memory_space<vmem>>, vector<16xf32>,
      tpu.vector_store %arg13[%parallel_loop3A_75, %parallel_loop3A_76], %broadcast_in_dim3A_33 {strides = array<i32>} : memref<8x10240xf32, #tpu.memory_space<vmem>>, vector<16xf32>,
    } {sc.loop_unroll_factor = 8 : i64, sc.parallel_access}
    %parallel_loop3A_42 = arith.constant 0 : i32
    %parallel_loop3A_43 = arith.constant 10240 : i32
    %parallel_loop3A_44 = arith.constant 16 : i32
    scf.for %parallel_loop3A_73 = %parallel_loop3A_42 to %parallel_loop3A_43 step %parallel_loop3A_44  : i32 {
      %parallel_loop3A_74 = arith.constant 3 : i32
      %parallel_loop3A_75 = arith.index_cast %parallel_loop3A_74 : i32 to index
      %parallel_loop3A_76 = arith.index_cast %parallel_loop3A_73 : i32 to index
      %parallel_loop3A_77 = tpu.vector_load %arg13[%parallel_loop3A_75, %parallel_loop3A_76] {strides = array<i32>} : memref<8x10240xf32, #tpu.memory_space<vmem>>, vector<16xf32>,
      tpu.vector_store %arg13[%parallel_loop3A_75, %parallel_loop3A_76], %broadcast_in_dim3A_33 {strides = array<i32>} : memref<8x10240xf32, #tpu.memory_space<vmem>>, vector<16xf32>,
    } {sc.loop_unroll_factor = 8 : i64, sc.parallel_access}
    %parallel_loop3A_45 = arith.constant 0 : i32
    %parallel_loop3A_46 = arith.constant 10240 : i32
    %parallel_loop3A_47 = arith.constant 16 : i32
    scf.for %parallel_loop3A_73 = %parallel_loop3A_45 to %parallel_loop3A_46 step %parallel_loop3A_47  : i32 {
      %parallel_loop3A_74 = arith.constant 4 : i32
      %parallel_loop3A_75 = arith.index_cast %parallel_loop3A_74 : i32 to index
      %parallel_loop3A_76 = arith.index_cast %parallel_loop3A_73 : i32 to index
      %parallel_loop3A_77 = tpu.vector_load %arg13[%parallel_loop3A_75, %parallel_loop3A_76] {strides = array<i32>} : memref<8x10240xf32, #tpu.memory_space<vmem>>, vector<16xf32>,
      tpu.vector_store %arg13[%parallel_loop3A_75, %parallel_loop3A_76], %broadcast_in_dim3A_33 {strides = array<i32>} : memref<8x10240xf32, #tpu.memory_space<vmem>>, vector<16xf32>,
    } {sc.loop_unroll_factor = 8 : i64, sc.parallel_access}
    %parallel_loop3A_48 = arith.constant 0 : i32
    %parallel_loop3A_49 = arith.constant 10240 : i32
    %parallel_loop3A_50 = arith.constant 16 : i32
    scf.for %parallel_loop3A_73 = %parallel_loop3A_48 to %parallel_loop3A_49 step %parallel_loop3A_50  : i32 {
      %parallel_loop3A_74 = arith.constant 5 : i32
      %parallel_loop3A_75 = arith.index_cast %parallel_loop3A_74 : i32 to index
      %parallel_loop3A_76 = arith.index_cast %parallel_loop3A_73 : i32 to index
      %parallel_loop3A_77 = tpu.vector_load %arg13[%parallel_loop3A_75, %parallel_loop3A_76] {strides = array<i32>} : memref<8x10240xf32, #tpu.memory_space<vmem>>, vector<16xf32>,
      tpu.vector_store %arg13[%parallel_loop3A_75, %parallel_loop3A_76], %broadcast_in_dim3A_33 {strides = array<i32>} : memref<8x10240xf32, #tpu.memory_space<vmem>>, vector<16xf32>,
    } {sc.loop_unroll_factor = 8 : i64, sc.parallel_access}
    %parallel_loop3A_51 = arith.constant 0 : i32
    %parallel_loop3A_52 = arith.constant 10240 : i32
    %parallel_loop3A_53 = arith.constant 16 : i32
    scf.for %parallel_loop3A_73 = %parallel_loop3A_51 to %parallel_loop3A_52 step %parallel_loop3A_53  : i32 {
      %parallel_loop3A_74 = arith.constant 6 : i32
      %parallel_loop3A_75 = arith.index_cast %parallel_loop3A_74 : i32 to index
      %parallel_loop3A_76 = arith.index_cast %parallel_loop3A_73 : i32 to index
      %parallel_loop3A_77 = tpu.vector_load %arg13[%parallel_loop3A_75, %parallel_loop3A_76] {strides = array<i32>} : memref<8x10240xf32, #tpu.memory_space<vmem>>, vector<16xf32>,
      tpu.vector_store %arg13[%parallel_loop3A_75, %parallel_loop3A_76], %broadcast_in_dim3A_33 {strides = array<i32>} : memref<8x10240xf32, #tpu.memory_space<vmem>>, vector<16xf32>,
    } {sc.loop_unroll_factor = 8 : i64, sc.parallel_access}
    %parallel_loop3A_54 = arith.constant 0 : i32
    %parallel_loop3A_55 = arith.constant 10240 : i32
    %parallel_loop3A_56 = arith.constant 16 : i32
    scf.for %parallel_loop3A_73 = %parallel_loop3A_54 to %parallel_loop3A_55 step %parallel_loop3A_56  : i32 {
      %parallel_loop3A_74 = arith.constant 7 : i32
      %parallel_loop3A_75 = arith.index_cast %parallel_loop3A_74 : i32 to index
      %parallel_loop3A_76 = arith.index_cast %parallel_loop3A_73 : i32 to index
      %parallel_loop3A_77 = tpu.vector_load %arg13[%parallel_loop3A_75, %parallel_loop3A_76] {strides = array<i32>} : memref<8x10240xf32, #tpu.memory_space<vmem>>, vector<16xf32>,
      tpu.vector_store %arg13[%parallel_loop3A_75, %parallel_loop3A_76], %broadcast_in_dim3A_33 {strides = array<i32>} : memref<8x10240xf32, #tpu.memory_space<vmem>>, vector<16xf32>,
    } {sc.loop_unroll_factor = 8 : i64, sc.parallel_access}
    %parallel_loop3A_57 = arith.constant 0 : i32
    %parallel_loop3A_58 = arith.constant 10240 : i32
    %parallel_loop3A_59 = arith.constant 16 : i32
    scf.for %parallel_loop3A_73 = %parallel_loop3A_57 to %parallel_loop3A_58 step %parallel_loop3A_59  : i32 {
      %parallel_loop3A_74 = arith.index_cast %parallel_loop3A_73 : i32 to index
      %parallel_loop3A_75 = tpu.vector_load %arg14[%parallel_loop3A_74] {strides = array<i32>} : memref<10240xf32, #tpu.memory_space<vmem>>, vector<16xf32>,
      tpu.vector_store %arg14[%parallel_loop3A_74], %broadcast_in_dim3A_33 {strides = array<i32>} : memref<10240xf32, #tpu.memory_space<vmem>>, vector<16xf32>,
    } {sc.loop_unroll_factor = 8 : i64, sc.parallel_access}
    %get3A = arith.constant 0 : index
    %get3A_60 = tpu.vector_load %arg12[%get3A] {strides = array<i32>} : memref<16xf32, #tpu.memory_space<vmem>>, vector<16xf32>,
    %iota3A = tpu.iota {dimensions = array<i32: 0>} : vector<16xi32>
    %rem3A_61 = arith.constant 8 : i32
    %rem3A_62 = vector.broadcast %rem3A_61 : i32 to vector<16xi32>
    %rem3A_63 = arith.remsi %iota3A, %rem3A_62 : vector<16xi32>
    %div3A_64 = arith.constant 8 : i32
    %div3A_65 = vector.broadcast %div3A_64 : i32 to vector<16xi32>
    %div3A_66 = arith.divsi %iota3A, %div3A_65 : vector<16xi32>
    %mul3A_67 = arith.constant 10240 : i32
    %mul3A_68 = arith.muli %select_n3A_9, %mul3A_67 : i32
    %scan3A = arith.constant 0 : i32
    %scan3A_69 = arith.constant 50 : i32
    %scan3A_70 = arith.addi %scan3A, %scan3A_69 : i32
    %scan3A_71 = arith.constant 1 : i32
    scf.for %scan3A_73 = %scan3A to %scan3A_70 step %scan3A_71  : i32 {
      %mul3A_74 = arith.constant 1 : i32
      %mul3A_75 = arith.muli %scan3A_73, %mul3A_74 : i32
      %add3A_76 = arith.constant 0 : i32
      %add3A_77 = arith.addi %add3A_76, %mul3A_75 : i32
      %mul3A_78 = arith.constant 40000 : i32
      %mul3A_79 = arith.muli %select_n3A_30, %mul3A_78 : i32
      %mul3A_80 = arith.constant 800 : i32
      %mul3A_81 = arith.muli %add3A_77, %mul3A_80 : i32
      %add3A_82 = arith.addi %mul3A_79, %mul3A_81 : i32
      %dma_start3A = tpu.memref_slice %arg6[%add3A_82] : memref<320000xi32, #tpu.memory_space<hbm>> -> memref<800xi32, #tpu.memory_space<hbm>>
      %dma_start3A_83 = tpu.memref_slice %arg6[%add3A_82] : memref<320000xi32, #tpu.memory_space<hbm>> -> memref<800xi32, #tpu.memory_space<hbm>>
      tpu.enqueue_dma source(%dma_start3A_83 : memref<800xi32, #tpu.memory_space<hbm>>) target(%arg15 : memref<800xi32, #tpu.memory_space<vmem>>) target_semaphore(%arg20 : memref<!tpu.dma_semaphore, #tpu.memory_space<semaphore_mem>>)
      %dma_start3A_84 = tpu.memref_slice %arg7[%add3A_82] : memref<320000xi32, #tpu.memory_space<hbm>> -> memref<800xi32, #tpu.memory_space<hbm>>
      %dma_start3A_85 = tpu.memref_slice %arg7[%add3A_82] : memref<320000xi32, #tpu.memory_space<hbm>> -> memref<800xi32, #tpu.memory_space<hbm>>
      tpu.enqueue_dma source(%dma_start3A_85 : memref<800xi32, #tpu.memory_space<hbm>>) target(%arg16 : memref<800xi32, #tpu.memory_space<vmem>>) target_semaphore(%arg21 : memref<!tpu.dma_semaphore, #tpu.memory_space<semaphore_mem>>)
      %dma_wait3A = tpu.memref_slice %arg6[%add3A_82] : memref<320000xi32, #tpu.memory_space<hbm>> -> memref<800xi32, #tpu.memory_space<hbm>>
      %dma_wait3A_86 = tpu.memref_slice %arg6[%add3A_82] : memref<320000xi32, #tpu.memory_space<hbm>> -> memref<800xi32, #tpu.memory_space<hbm>>
      tpu.wait_dma2 semaphore(%arg20 : memref<!tpu.dma_semaphore, #tpu.memory_space<semaphore_mem>>) src(%dma_wait3A_86 : memref<800xi32, #tpu.memory_space<hbm>>) dst(%arg15 : memref<800xi32, #tpu.memory_space<vmem>>)
      %parallel_loop3A_87 = arith.constant 0 : i32
      %parallel_loop3A_88 = arith.constant 800 : i32
      %parallel_loop3A_89 = arith.constant 16 : i32
      scf.for %parallel_loop3A_105 = %parallel_loop3A_87 to %parallel_loop3A_88 step %parallel_loop3A_89  : i32 {
        %parallel_loop3A_106 = arith.index_cast %parallel_loop3A_105 : i32 to index
        %parallel_loop3A_107 = tpu.vector_load %arg15[%parallel_loop3A_106] {strides = array<i32>} : memref<800xi32, #tpu.memory_space<vmem>>, vector<16xi32>,
        %parallel_loop3A_108 = vector.broadcast %mul3A_68 : i32 to vector<16xi32>
        %parallel_loop3A_109 = arith.addi %parallel_loop3A_107, %parallel_loop3A_108 : vector<16xi32>
        %parallel_loop3A_110 = arith.index_cast %parallel_loop3A_105 : i32 to index
        %parallel_loop3A_111 = tpu.vector_load %arg17[%parallel_loop3A_110] {strides = array<i32>} : memref<800xi32, #tpu.memory_space<vmem>>, vector<16xi32>,
        tpu.vector_store %arg17[%parallel_loop3A_110], %parallel_loop3A_109 {strides = array<i32>} : memref<800xi32, #tpu.memory_space<vmem>>, vector<16xi32>,
      } {sc.loop_unroll_factor = 10 : i64, sc.parallel_access}
      %dma_start3A_90 = arith.constant 0 : i32
      %dma_start3A_91 = arith.constant 0 : i32
      %dma_start3A_92 = tpu.memref_slice %arg2[%dma_start3A_90, %dma_start3A_91] : memref<40960x16xf32, #tpu.memory_space<hbm>> -> memref<40960x16xf32, #tpu.memory_space<hbm>>
      tpu.enqueue_indirect_dma source(%dma_start3A_92 : memref<40960x16xf32, #tpu.memory_space<hbm>>) target(%arg19 : memref<800x16xf32, #tpu.memory_space<vmem>>) offsets(%arg17 : memref<800xi32, #tpu.memory_space<vmem>>) semaphore(%arg20 : memref<!tpu.dma_semaphore, #tpu.memory_space<semaphore_mem>>)
      %dma_wait3A_93 = tpu.memref_slice %arg7[%add3A_82] : memref<320000xi32, #tpu.memory_space<hbm>> -> memref<800xi32, #tpu.memory_space<hbm>>
      %dma_wait3A_94 = tpu.memref_slice %arg7[%add3A_82] : memref<320000xi32, #tpu.memory_space<hbm>> -> memref<800xi32, #tpu.memory_space<hbm>>
      tpu.wait_dma2 semaphore(%arg21 : memref<!tpu.dma_semaphore, #tpu.memory_space<semaphore_mem>>) src(%dma_wait3A_94 : memref<800xi32, #tpu.memory_space<hbm>>) dst(%arg16 : memref<800xi32, #tpu.memory_space<vmem>>)
      %parallel_loop3A_95 = arith.constant 0 : i32
      %parallel_loop3A_96 = arith.constant 800 : i32
      %parallel_loop3A_97 = arith.constant 16 : i32
      scf.for %parallel_loop3A_105 = %parallel_loop3A_95 to %parallel_loop3A_96 step %parallel_loop3A_97  : i32 {
        %parallel_loop3A_106 = arith.index_cast %parallel_loop3A_105 : i32 to index
        %parallel_loop3A_107 = tpu.vector_load %arg15[%parallel_loop3A_106] {strides = array<i32>} : memref<800xi32, #tpu.memory_space<vmem>>, vector<16xi32>,
        %parallel_loop3A_108 = arith.index_cast %parallel_loop3A_105 : i32 to index
        %parallel_loop3A_109 = tpu.vector_load %arg16[%parallel_loop3A_108] {strides = array<i32>} : memref<800xi32, #tpu.memory_space<vmem>>, vector<16xi32>,
        %parallel_loop3A_110 = tpu.vector_load_idx %arg10[%parallel_loop3A_107] : memref<10240xf32, #tpu.memory_space<vmem>>[vector<16xi32>], vector<16xf32>,
        %parallel_loop3A_111 = tpu.vector_load_idx %arg11[%parallel_loop3A_109] : memref<10240xf32, #tpu.memory_space<vmem>>[vector<16xi32>], vector<16xf32>,
        %parallel_loop3A_112 = arith.addf %parallel_loop3A_110, %parallel_loop3A_111 : vector<16xf32>
        %parallel_loop3A_113 = arith.constant 2.000000e-01 : f32
        %parallel_loop3A_114 = vector.broadcast %parallel_loop3A_113 : f32 to vector<16xf32>
        %parallel_loop3A_115 = arith.mulf %parallel_loop3A_114, %parallel_loop3A_112 : vector<16xf32>
        %parallel_loop3A_116 = arith.maximumf %parallel_loop3A_112, %parallel_loop3A_115 : vector<16xf32>
        %parallel_loop3A_117 = arith.subf %parallel_loop3A_116, %get3A_60 : vector<16xf32>
        %parallel_loop3A_118 = math.exp %parallel_loop3A_117 : vector<16xf32>
        %parallel_loop3A_119 = arith.index_cast %parallel_loop3A_105 : i32 to index
        %parallel_loop3A_120 = tpu.vector_load %arg18[%parallel_loop3A_119] {strides = array<i32>} : memref<800xf32, #tpu.memory_space<vmem>>, vector<16xf32>,
        tpu.vector_store %arg18[%parallel_loop3A_119], %parallel_loop3A_118 {strides = array<i32>} : memref<800xf32, #tpu.memory_space<vmem>>, vector<16xf32>,
        tpu.vector_store_idx %arg14[%parallel_loop3A_109], %parallel_loop3A_118 {add = true} : memref<10240xf32, #tpu.memory_space<vmem>>[vector<16xi32>], vector<16xf32>,
      } {sc.loop_unroll_factor = 4 : i64, sc.parallel_access}
      %dma_wait3A_98 = arith.constant 0 : i32
      %dma_wait3A_99 = arith.constant 0 : i32
      %dma_wait3A_100 = tpu.memref_slice %arg2[%dma_wait3A_98, %dma_wait3A_99] : memref<40960x16xf32, #tpu.memory_space<hbm>> -> memref<40960x16xf32, #tpu.memory_space<hbm>>
      tpu.wait_indirect_dma semaphore(%arg20 : memref<!tpu.dma_semaphore, #tpu.memory_space<semaphore_mem>>) src(%dma_wait3A_100 : memref<40960x16xf32, #tpu.memory_space<hbm>>) dst(%arg19 : memref<800x16xf32, #tpu.memory_space<vmem>>)
      %parallel_loop3A_101 = arith.constant 0 : i32
      %parallel_loop3A_102 = arith.constant 800 : i32
      %parallel_loop3A_103 = arith.constant 2 : i32
      %parallel_loop3A_104 = scf.for %parallel_loop3A_105 = %parallel_loop3A_101 to %parallel_loop3A_102 step %parallel_loop3A_103 iter_args(%parallel_loop3A_106 = %div3A_66) -> (vector<16xi32>)  : i32 {
        %parallel_loop3A_107 = tpu.vector_load_idx %arg19[%parallel_loop3A_106, %rem3A_63] : memref<800x16xf32, #tpu.memory_space<vmem>>[vector<16xi32>, vector<16xi32>], vector<16xf32>,
        %parallel_loop3A_108 = tpu.vector_load_idx %arg18[%parallel_loop3A_106] : memref<800xf32, #tpu.memory_space<vmem>>[vector<16xi32>], vector<16xf32>,
        %parallel_loop3A_109 = tpu.vector_load_idx %arg16[%parallel_loop3A_106] : memref<800xi32, #tpu.memory_space<vmem>>[vector<16xi32>], vector<16xi32>,
        %parallel_loop3A_110 = arith.mulf %parallel_loop3A_107, %parallel_loop3A_108 : vector<16xf32>
        tpu.vector_store_idx %arg13[%rem3A_63, %parallel_loop3A_109], %parallel_loop3A_110 {add = true} : memref<8x10240xf32, #tpu.memory_space<vmem>>[vector<16xi32>, vector<16xi32>], vector<16xf32>,
        %parallel_loop3A_111 = arith.constant 2 : i32
        %parallel_loop3A_112 = vector.broadcast %parallel_loop3A_111 : i32 to vector<16xi32>
        %parallel_loop3A_113 = arith.addi %parallel_loop3A_106, %parallel_loop3A_112 : vector<16xi32>
        scf.yield %parallel_loop3A_113 : vector<16xi32>
      } {sc.loop_unroll_factor = 8 : i64, sc.parallel_access}
    }
    %scan3A_72 = arith.constant 50 : i32
    "tpu.region"() ({
      %run_scoped3A_73 = tpu.sem_alloc : memref<!tpu.dma_semaphore, #tpu.memory_space<semaphore_mem>>
      %dma_start3A = arith.constant 0 : i32
      %dma_start3A_74 = arith.constant 0 : i32
      %dma_start3A_75 = tpu.memref_slice %arg8[%select_n3A_30, %select_n3A_9, %dma_start3A, %dma_start3A_74] : memref<8x4x8x10240xf32, #tpu.memory_space<hbm>> -> memref<1x1x8x10240xf32, #tpu.memory_space<hbm>>
      %dma_start3A_76 = tpu.memref_squeeze %dma_start3A_75 : memref<1x1x8x10240xf32, #tpu.memory_space<hbm>> -> memref<8x10240xf32, #tpu.memory_space<hbm>>
      %dma_start3A_77 = arith.constant 0 : i32
      %dma_start3A_78 = arith.constant 0 : i32
      %dma_start3A_79 = tpu.memref_slice %arg8[%select_n3A_30, %select_n3A_9, %dma_start3A_77, %dma_start3A_78] : memref<8x4x8x10240xf32, #tpu.memory_space<hbm>> -> memref<1x1x8x10240xf32, #tpu.memory_space<hbm>>
      %dma_start3A_80 = tpu.memref_squeeze %dma_start3A_79 : memref<1x1x8x10240xf32, #tpu.memory_space<hbm>> -> memref<8x10240xf32, #tpu.memory_space<hbm>>
      tpu.enqueue_dma source(%arg13 : memref<8x10240xf32, #tpu.memory_space<vmem>>) target(%dma_start3A_80 : memref<8x10240xf32, #tpu.memory_space<hbm>>) target_semaphore(%run_scoped3A_73 : memref<!tpu.dma_semaphore, #tpu.memory_space<semaphore_mem>>)
      %dma_wait3A = arith.constant 0 : i32
      %dma_wait3A_81 = arith.constant 0 : i32
      %dma_wait3A_82 = tpu.memref_slice %arg8[%select_n3A_30, %select_n3A_9, %dma_wait3A, %dma_wait3A_81] : memref<8x4x8x10240xf32, #tpu.memory_space<hbm>> -> memref<1x1x8x10240xf32, #tpu.memory_space<hbm>>
      %dma_wait3A_83 = tpu.memref_squeeze %dma_wait3A_82 : memref<1x1x8x10240xf32, #tpu.memory_space<hbm>> -> memref<8x10240xf32, #tpu.memory_space<hbm>>
      %dma_wait3A_84 = arith.constant 0 : i32
      %dma_wait3A_85 = arith.constant 0 : i32
      %dma_wait3A_86 = tpu.memref_slice %arg8[%select_n3A_30, %select_n3A_9, %dma_wait3A_84, %dma_wait3A_85] : memref<8x4x8x10240xf32, #tpu.memory_space<hbm>> -> memref<1x1x8x10240xf32, #tpu.memory_space<hbm>>
      %dma_wait3A_87 = tpu.memref_squeeze %dma_wait3A_86 : memref<1x1x8x10240xf32, #tpu.memory_space<hbm>> -> memref<8x10240xf32, #tpu.memory_space<hbm>>
      tpu.wait_dma2 semaphore(%run_scoped3A_73 : memref<!tpu.dma_semaphore, #tpu.memory_space<semaphore_mem>>) src(%arg13 : memref<8x10240xf32, #tpu.memory_space<vmem>>) dst(%dma_wait3A_87 : memref<8x10240xf32, #tpu.memory_space<hbm>>)
      tpu.yield
    }) : () -> ()
    "tpu.region"() ({
      %run_scoped3A_73 = tpu.sem_alloc : memref<!tpu.dma_semaphore, #tpu.memory_space<semaphore_mem>>
      %dma_start3A = arith.constant 0 : i32
      %dma_start3A_74 = tpu.memref_slice %arg9[%select_n3A_30, %select_n3A_9, %dma_start3A] : memref<8x4x10240xf32, #tpu.memory_space<hbm>> -> memref<1x1x10240xf32, #tpu.memory_space<hbm>>
      %dma_start3A_75 = tpu.memref_squeeze %dma_start3A_74 : memref<1x1x10240xf32, #tpu.memory_space<hbm>> -> memref<10240xf32, #tpu.memory_space<hbm>>
      %dma_start3A_76 = arith.constant 0 : i32
      %dma_start3A_77 = tpu.memref_slice %arg9[%select_n3A_30, %select_n3A_9, %dma_start3A_76] : memref<8x4x10240xf32, #tpu.memory_space<hbm>> -> memref<1x1x10240xf32, #tpu.memory_space<hbm>>
      %dma_start3A_78 = tpu.memref_squeeze %dma_start3A_77 : memref<1x1x10240xf32, #tpu.memory_space<hbm>> -> memref<10240xf32, #tpu.memory_space<hbm>>
      tpu.enqueue_dma source(%arg14 : memref<10240xf32, #tpu.memory_space<vmem>>) target(%dma_start3A_78 : memref<10240xf32, #tpu.memory_space<hbm>>) target_semaphore(%run_scoped3A_73 : memref<!tpu.dma_semaphore, #tpu.memory_space<semaphore_mem>>)
      %dma_wait3A = arith.constant 0 : i32
      %dma_wait3A_79 = tpu.memref_slice %arg9[%select_n3A_30, %select_n3A_9, %dma_wait3A] : memref<8x4x10240xf32, #tpu.memory_space<hbm>> -> memref<1x1x10240xf32, #tpu.memory_space<hbm>>
      %dma_wait3A_80 = tpu.memref_squeeze %dma_wait3A_79 : memref<1x1x10240xf32, #tpu.memory_space<hbm>> -> memref<10240xf32, #tpu.memory_space<hbm>>
      %dma_wait3A_81 = arith.constant 0 : i32
      %dma_wait3A_82 = tpu.memref_slice %arg9[%select_n3A_30, %select_n3A_9, %dma_wait3A_81] : memref<8x4x10240xf32, #tpu.memory_space<hbm>> -> memref<1x1x10240xf32, #tpu.memory_space<hbm>>
      %dma_wait3A_83 = tpu.memref_squeeze %dma_wait3A_82 : memref<1x1x10240xf32, #tpu.memory_space<hbm>> -> memref<10240xf32, #tpu.memory_space<hbm>>
      tpu.wait_dma2 semaphore(%run_scoped3A_73 : memref<!tpu.dma_semaphore, #tpu.memory_space<semaphore_mem>>) src(%arg14 : memref<10240xf32, #tpu.memory_space<vmem>>) dst(%dma_wait3A_83 : memref<10240xf32, #tpu.memory_space<hbm>>)
      tpu.yield
    }) : () -> ()
    return
  }
}

#map = affine_map<(d0, d1) -> (0, 0)>
#map1 = affine_map<(d0, d1) -> (0, 0, 0)>
#map2 = affine_map<(d0, d1) -> (0)>
#map3 = affine_map<(d0, d1) -> (0, 0, 0, 0)>
module attributes {stable_mosaic.version = 14 : i64} {
  func.func @_edge_pass_body(%arg0: i32, %arg1: i32, %arg2: memref<10240x16xf32, #tpu.memory_space<hbm>>, %arg3: memref<1x1x10240xf32, #tpu.memory_space<hbm>>, %arg4: memref<1x1x10240xf32, #tpu.memory_space<hbm>>, %arg5: memref<1x1x16xf32, #tpu.memory_space<hbm>>, %arg6: memref<320000xi32, #tpu.memory_space<hbm>>, %arg7: memref<320000xi32, #tpu.memory_space<hbm>>, %arg8: memref<32x1x8x10240xf32, #tpu.memory_space<hbm>>, %arg9: memref<32x1x10240xf32, #tpu.memory_space<hbm>>, %arg10: memref<10240xf32, #tpu.memory_space<vmem>>, %arg11: memref<10240xf32, #tpu.memory_space<vmem>>, %arg12: memref<16xf32, #tpu.memory_space<vmem>>, %arg13: memref<8x10240xf32, #tpu.memory_space<vmem>>, %arg14: memref<10240xf32, #tpu.memory_space<vmem>>, %arg15: memref<800xi32, #tpu.memory_space<vmem>>, %arg16: memref<800xi32, #tpu.memory_space<vmem>>, %arg17: memref<800xi32, #tpu.memory_space<vmem>>, %arg18: memref<800xf32, #tpu.memory_space<vmem>>, %arg19: memref<800x16xf32, #tpu.memory_space<vmem>>, %arg20: memref<!tpu.dma_semaphore, #tpu.memory_space<semaphore_mem>>, %arg21: memref<!tpu.dma_semaphore, #tpu.memory_space<semaphore_mem>>) attributes {dimension_semantics = [#tpu.dimension_semantics<core_parallel>, #tpu.dimension_semantics<subcore_parallel>], iteration_bounds = array<i64: 2, 16>, scalar_prefetch = 0 : i64, scratch_operands = 12 : i64, tpu.core_type = #tpu.core_type<sc_vector_subcore>, window_params = [{transform_indices = #map}, {transform_indices = #map1}, {transform_indices = #map1}, {transform_indices = #map1}, {transform_indices = #map2}, {transform_indices = #map2}, {transform_indices = #map3}, {transform_indices = #map1}]} {
    %mul3A = arith.constant 2 : i32
    %mul3A_0 = arith.muli %arg1, %mul3A : i32
    %add3A = arith.addi %mul3A_0, %arg0 : i32
    %jit3A = arith.constant 1 : i32
    %eq3A = arith.constant 0 : i32
    %eq3A_1 = arith.cmpi eq, %jit3A, %eq3A : i32
    %jit3A_2 = arith.constant 1 : i32
    %select_n3A = arith.select %eq3A_1, %jit3A_2, %jit3A : i32
    %rem3A = arith.remsi %add3A, %select_n3A : i32
    %ne3A = arith.constant 0 : i32
    %ne3A_3 = arith.cmpi ne, %rem3A, %ne3A : i32
    %lt3A = arith.constant 0 : i32
    %lt3A_4 = arith.cmpi slt, %rem3A, %lt3A : i32
    %lt3A_5 = arith.constant 0 : i32
    %lt3A_6 = arith.cmpi slt, %select_n3A, %lt3A_5 : i32
    %ne3A_7 = arith.xori %lt3A_4, %lt3A_6 : i1
    %and3A = arith.andi %ne3A_7, %ne3A_3 : i1
    %add3A_8 = arith.addi %rem3A, %select_n3A : i32
    %select_n3A_9 = arith.select %and3A, %add3A_8, %rem3A : i32
    %jit3A_10 = arith.constant 1 : i32
    %div3A = arith.divsi %add3A, %jit3A_10 : i32
    %sign3A = arith.constant 0 : i32
    %sign3A_11 = arith.cmpi sgt, %add3A, %sign3A : i32
    %sign3A_12 = arith.extui %sign3A_11 : i1 to i32
    %sign3A_13 = arith.constant 0 : i32
    %sign3A_14 = arith.cmpi slt, %add3A, %sign3A_13 : i32
    %sign3A_15 = arith.extui %sign3A_14 : i1 to i32
    %sign3A_16 = arith.subi %sign3A_12, %sign3A_15 : i32
    %sign3A_17 = arith.constant 0 : i32
    %sign3A_18 = arith.cmpi sgt, %jit3A_10, %sign3A_17 : i32
    %sign3A_19 = arith.extui %sign3A_18 : i1 to i32
    %sign3A_20 = arith.constant 0 : i32
    %sign3A_21 = arith.cmpi slt, %jit3A_10, %sign3A_20 : i32
    %sign3A_22 = arith.extui %sign3A_21 : i1 to i32
    %sign3A_23 = arith.subi %sign3A_19, %sign3A_22 : i32
    %ne3A_24 = arith.cmpi ne, %sign3A_16, %sign3A_23 : i32
    %rem3A_25 = arith.remsi %add3A, %jit3A_10 : i32
    %ne3A_26 = arith.constant 0 : i32
    %ne3A_27 = arith.cmpi ne, %rem3A_25, %ne3A_26 : i32
    %and3A_28 = arith.andi %ne3A_24, %ne3A_27 : i1
    %sub3A = arith.constant 1 : i32
    %sub3A_29 = arith.subi %div3A, %sub3A : i32
    %select_n3A_30 = arith.select %and3A_28, %sub3A_29, %div3A : i32
    %run_scoped3A = arith.constant 0 : i32
    "tpu.region"() ({
      %run_scoped3A_73 = tpu.sem_alloc : memref<!tpu.dma_semaphore, #tpu.memory_space<semaphore_mem>>
      %dma_start3A = arith.constant 0 : i32
      %dma_start3A_74 = tpu.memref_slice %arg3[%select_n3A_9, %run_scoped3A, %dma_start3A] : memref<1x1x10240xf32, #tpu.memory_space<hbm>> -> memref<1x1x10240xf32, #tpu.memory_space<hbm>>
      %dma_start3A_75 = tpu.memref_squeeze %dma_start3A_74 : memref<1x1x10240xf32, #tpu.memory_space<hbm>> -> memref<10240xf32, #tpu.memory_space<hbm>>
      %dma_start3A_76 = arith.constant 0 : i32
      %dma_start3A_77 = tpu.memref_slice %arg3[%select_n3A_9, %run_scoped3A, %dma_start3A_76] : memref<1x1x10240xf32, #tpu.memory_space<hbm>> -> memref<1x1x10240xf32, #tpu.memory_space<hbm>>
      %dma_start3A_78 = tpu.memref_squeeze %dma_start3A_77 : memref<1x1x10240xf32, #tpu.memory_space<hbm>> -> memref<10240xf32, #tpu.memory_space<hbm>>
      tpu.enqueue_dma source(%dma_start3A_78 : memref<10240xf32, #tpu.memory_space<hbm>>) target(%arg10 : memref<10240xf32, #tpu.memory_space<vmem>>) target_semaphore(%run_scoped3A_73 : memref<!tpu.dma_semaphore, #tpu.memory_space<semaphore_mem>>)
      %dma_wait3A = arith.constant 0 : i32
      %dma_wait3A_79 = tpu.memref_slice %arg3[%select_n3A_9, %run_scoped3A, %dma_wait3A] : memref<1x1x10240xf32, #tpu.memory_space<hbm>> -> memref<1x1x10240xf32, #tpu.memory_space<hbm>>
      %dma_wait3A_80 = tpu.memref_squeeze %dma_wait3A_79 : memref<1x1x10240xf32, #tpu.memory_space<hbm>> -> memref<10240xf32, #tpu.memory_space<hbm>>
      %dma_wait3A_81 = arith.constant 0 : i32
      %dma_wait3A_82 = tpu.memref_slice %arg3[%select_n3A_9, %run_scoped3A, %dma_wait3A_81] : memref<1x1x10240xf32, #tpu.memory_space<hbm>> -> memref<1x1x10240xf32, #tpu.memory_space<hbm>>
      %dma_wait3A_83 = tpu.memref_squeeze %dma_wait3A_82 : memref<1x1x10240xf32, #tpu.memory_space<hbm>> -> memref<10240xf32, #tpu.memory_space<hbm>>
      tpu.wait_dma2 semaphore(%run_scoped3A_73 : memref<!tpu.dma_semaphore, #tpu.memory_space<semaphore_mem>>) src(%dma_wait3A_83 : memref<10240xf32, #tpu.memory_space<hbm>>) dst(%arg10 : memref<10240xf32, #tpu.memory_space<vmem>>)
      tpu.yield
    }) : () -> ()
    %run_scoped3A_31 = arith.constant 0 : i32
    "tpu.region"() ({
      %run_scoped3A_73 = tpu.sem_alloc : memref<!tpu.dma_semaphore, #tpu.memory_space<semaphore_mem>>
      %dma_start3A = arith.constant 0 : i32
      %dma_start3A_74 = tpu.memref_slice %arg4[%select_n3A_9, %run_scoped3A_31, %dma_start3A] : memref<1x1x10240xf32, #tpu.memory_space<hbm>> -> memref<1x1x10240xf32, #tpu.memory_space<hbm>>
      %dma_start3A_75 = tpu.memref_squeeze %dma_start3A_74 : memref<1x1x10240xf32, #tpu.memory_space<hbm>> -> memref<10240xf32, #tpu.memory_space<hbm>>
      %dma_start3A_76 = arith.constant 0 : i32
      %dma_start3A_77 = tpu.memref_slice %arg4[%select_n3A_9, %run_scoped3A_31, %dma_start3A_76] : memref<1x1x10240xf32, #tpu.memory_space<hbm>> -> memref<1x1x10240xf32, #tpu.memory_space<hbm>>
      %dma_start3A_78 = tpu.memref_squeeze %dma_start3A_77 : memref<1x1x10240xf32, #tpu.memory_space<hbm>> -> memref<10240xf32, #tpu.memory_space<hbm>>
      tpu.enqueue_dma source(%dma_start3A_78 : memref<10240xf32, #tpu.memory_space<hbm>>) target(%arg11 : memref<10240xf32, #tpu.memory_space<vmem>>) target_semaphore(%run_scoped3A_73 : memref<!tpu.dma_semaphore, #tpu.memory_space<semaphore_mem>>)
      %dma_wait3A = arith.constant 0 : i32
      %dma_wait3A_79 = tpu.memref_slice %arg4[%select_n3A_9, %run_scoped3A_31, %dma_wait3A] : memref<1x1x10240xf32, #tpu.memory_space<hbm>> -> memref<1x1x10240xf32, #tpu.memory_space<hbm>>
      %dma_wait3A_80 = tpu.memref_squeeze %dma_wait3A_79 : memref<1x1x10240xf32, #tpu.memory_space<hbm>> -> memref<10240xf32, #tpu.memory_space<hbm>>
      %dma_wait3A_81 = arith.constant 0 : i32
      %dma_wait3A_82 = tpu.memref_slice %arg4[%select_n3A_9, %run_scoped3A_31, %dma_wait3A_81] : memref<1x1x10240xf32, #tpu.memory_space<hbm>> -> memref<1x1x10240xf32, #tpu.memory_space<hbm>>
      %dma_wait3A_83 = tpu.memref_squeeze %dma_wait3A_82 : memref<1x1x10240xf32, #tpu.memory_space<hbm>> -> memref<10240xf32, #tpu.memory_space<hbm>>
      tpu.wait_dma2 semaphore(%run_scoped3A_73 : memref<!tpu.dma_semaphore, #tpu.memory_space<semaphore_mem>>) src(%dma_wait3A_83 : memref<10240xf32, #tpu.memory_space<hbm>>) dst(%arg11 : memref<10240xf32, #tpu.memory_space<vmem>>)
      tpu.yield
    }) : () -> ()
    %run_scoped3A_32 = arith.constant 0 : i32
    "tpu.region"() ({
      %run_scoped3A_73 = tpu.sem_alloc : memref<!tpu.dma_semaphore, #tpu.memory_space<semaphore_mem>>
      %dma_start3A = arith.constant 0 : i32
      %dma_start3A_74 = tpu.memref_slice %arg5[%select_n3A_9, %run_scoped3A_32, %dma_start3A] : memref<1x1x16xf32, #tpu.memory_space<hbm>> -> memref<1x1x16xf32, #tpu.memory_space<hbm>>
      %dma_start3A_75 = tpu.memref_squeeze %dma_start3A_74 : memref<1x1x16xf32, #tpu.memory_space<hbm>> -> memref<16xf32, #tpu.memory_space<hbm>>
      %dma_start3A_76 = arith.constant 0 : i32
      %dma_start3A_77 = tpu.memref_slice %arg5[%select_n3A_9, %run_scoped3A_32, %dma_start3A_76] : memref<1x1x16xf32, #tpu.memory_space<hbm>> -> memref<1x1x16xf32, #tpu.memory_space<hbm>>
      %dma_start3A_78 = tpu.memref_squeeze %dma_start3A_77 : memref<1x1x16xf32, #tpu.memory_space<hbm>> -> memref<16xf32, #tpu.memory_space<hbm>>
      tpu.enqueue_dma source(%dma_start3A_78 : memref<16xf32, #tpu.memory_space<hbm>>) target(%arg12 : memref<16xf32, #tpu.memory_space<vmem>>) target_semaphore(%run_scoped3A_73 : memref<!tpu.dma_semaphore, #tpu.memory_space<semaphore_mem>>)
      %dma_wait3A = arith.constant 0 : i32
      %dma_wait3A_79 = tpu.memref_slice %arg5[%select_n3A_9, %run_scoped3A_32, %dma_wait3A] : memref<1x1x16xf32, #tpu.memory_space<hbm>> -> memref<1x1x16xf32, #tpu.memory_space<hbm>>
      %dma_wait3A_80 = tpu.memref_squeeze %dma_wait3A_79 : memref<1x1x16xf32, #tpu.memory_space<hbm>> -> memref<16xf32, #tpu.memory_space<hbm>>
      %dma_wait3A_81 = arith.constant 0 : i32
      %dma_wait3A_82 = tpu.memref_slice %arg5[%select_n3A_9, %run_scoped3A_32, %dma_wait3A_81] : memref<1x1x16xf32, #tpu.memory_space<hbm>> -> memref<1x1x16xf32, #tpu.memory_space<hbm>>
      %dma_wait3A_83 = tpu.memref_squeeze %dma_wait3A_82 : memref<1x1x16xf32, #tpu.memory_space<hbm>> -> memref<16xf32, #tpu.memory_space<hbm>>
      tpu.wait_dma2 semaphore(%run_scoped3A_73 : memref<!tpu.dma_semaphore, #tpu.memory_space<semaphore_mem>>) src(%dma_wait3A_83 : memref<16xf32, #tpu.memory_space<hbm>>) dst(%arg12 : memref<16xf32, #tpu.memory_space<vmem>>)
      tpu.yield
    }) : () -> ()
    %broadcast_in_dim3A = arith.constant 0.000000e+00 : f32
    %broadcast_in_dim3A_33 = vector.broadcast %broadcast_in_dim3A : f32 to vector<16xf32>
    %parallel_loop3A = arith.constant 0 : i32
    %parallel_loop3A_34 = arith.constant 10240 : i32
    %parallel_loop3A_35 = arith.constant 16 : i32
    scf.for %parallel_loop3A_73 = %parallel_loop3A to %parallel_loop3A_34 step %parallel_loop3A_35  : i32 {
      %parallel_loop3A_74 = arith.constant 0 : i32
      %parallel_loop3A_75 = arith.index_cast %parallel_loop3A_74 : i32 to index
      %parallel_loop3A_76 = arith.index_cast %parallel_loop3A_73 : i32 to index
      %parallel_loop3A_77 = tpu.vector_load %arg13[%parallel_loop3A_75, %parallel_loop3A_76] {strides = array<i32>} : memref<8x10240xf32, #tpu.memory_space<vmem>>, vector<16xf32>,
      tpu.vector_store %arg13[%parallel_loop3A_75, %parallel_loop3A_76], %broadcast_in_dim3A_33 {strides = array<i32>} : memref<8x10240xf32, #tpu.memory_space<vmem>>, vector<16xf32>,
    } {sc.loop_unroll_factor = 8 : i64, sc.parallel_access}
    %parallel_loop3A_36 = arith.constant 0 : i32
    %parallel_loop3A_37 = arith.constant 10240 : i32
    %parallel_loop3A_38 = arith.constant 16 : i32
    scf.for %parallel_loop3A_73 = %parallel_loop3A_36 to %parallel_loop3A_37 step %parallel_loop3A_38  : i32 {
      %parallel_loop3A_74 = arith.constant 1 : i32
      %parallel_loop3A_75 = arith.index_cast %parallel_loop3A_74 : i32 to index
      %parallel_loop3A_76 = arith.index_cast %parallel_loop3A_73 : i32 to index
      %parallel_loop3A_77 = tpu.vector_load %arg13[%parallel_loop3A_75, %parallel_loop3A_76] {strides = array<i32>} : memref<8x10240xf32, #tpu.memory_space<vmem>>, vector<16xf32>,
      tpu.vector_store %arg13[%parallel_loop3A_75, %parallel_loop3A_76], %broadcast_in_dim3A_33 {strides = array<i32>} : memref<8x10240xf32, #tpu.memory_space<vmem>>, vector<16xf32>,
    } {sc.loop_unroll_factor = 8 : i64, sc.parallel_access}
    %parallel_loop3A_39 = arith.constant 0 : i32
    %parallel_loop3A_40 = arith.constant 10240 : i32
    %parallel_loop3A_41 = arith.constant 16 : i32
    scf.for %parallel_loop3A_73 = %parallel_loop3A_39 to %parallel_loop3A_40 step %parallel_loop3A_41  : i32 {
      %parallel_loop3A_74 = arith.constant 2 : i32
      %parallel_loop3A_75 = arith.index_cast %parallel_loop3A_74 : i32 to index
      %parallel_loop3A_76 = arith.index_cast %parallel_loop3A_73 : i32 to index
      %parallel_loop3A_77 = tpu.vector_load %arg13[%parallel_loop3A_75, %parallel_loop3A_76] {strides = array<i32>} : memref<8x10240xf32, #tpu.memory_space<vmem>>, vector<16xf32>,
      tpu.vector_store %arg13[%parallel_loop3A_75, %parallel_loop3A_76], %broadcast_in_dim3A_33 {strides = array<i32>} : memref<8x10240xf32, #tpu.memory_space<vmem>>, vector<16xf32>,
    } {sc.loop_unroll_factor = 8 : i64, sc.parallel_access}
    %parallel_loop3A_42 = arith.constant 0 : i32
    %parallel_loop3A_43 = arith.constant 10240 : i32
    %parallel_loop3A_44 = arith.constant 16 : i32
    scf.for %parallel_loop3A_73 = %parallel_loop3A_42 to %parallel_loop3A_43 step %parallel_loop3A_44  : i32 {
      %parallel_loop3A_74 = arith.constant 3 : i32
      %parallel_loop3A_75 = arith.index_cast %parallel_loop3A_74 : i32 to index
      %parallel_loop3A_76 = arith.index_cast %parallel_loop3A_73 : i32 to index
      %parallel_loop3A_77 = tpu.vector_load %arg13[%parallel_loop3A_75, %parallel_loop3A_76] {strides = array<i32>} : memref<8x10240xf32, #tpu.memory_space<vmem>>, vector<16xf32>,
      tpu.vector_store %arg13[%parallel_loop3A_75, %parallel_loop3A_76], %broadcast_in_dim3A_33 {strides = array<i32>} : memref<8x10240xf32, #tpu.memory_space<vmem>>, vector<16xf32>,
    } {sc.loop_unroll_factor = 8 : i64, sc.parallel_access}
    %parallel_loop3A_45 = arith.constant 0 : i32
    %parallel_loop3A_46 = arith.constant 10240 : i32
    %parallel_loop3A_47 = arith.constant 16 : i32
    scf.for %parallel_loop3A_73 = %parallel_loop3A_45 to %parallel_loop3A_46 step %parallel_loop3A_47  : i32 {
      %parallel_loop3A_74 = arith.constant 4 : i32
      %parallel_loop3A_75 = arith.index_cast %parallel_loop3A_74 : i32 to index
      %parallel_loop3A_76 = arith.index_cast %parallel_loop3A_73 : i32 to index
      %parallel_loop3A_77 = tpu.vector_load %arg13[%parallel_loop3A_75, %parallel_loop3A_76] {strides = array<i32>} : memref<8x10240xf32, #tpu.memory_space<vmem>>, vector<16xf32>,
      tpu.vector_store %arg13[%parallel_loop3A_75, %parallel_loop3A_76], %broadcast_in_dim3A_33 {strides = array<i32>} : memref<8x10240xf32, #tpu.memory_space<vmem>>, vector<16xf32>,
    } {sc.loop_unroll_factor = 8 : i64, sc.parallel_access}
    %parallel_loop3A_48 = arith.constant 0 : i32
    %parallel_loop3A_49 = arith.constant 10240 : i32
    %parallel_loop3A_50 = arith.constant 16 : i32
    scf.for %parallel_loop3A_73 = %parallel_loop3A_48 to %parallel_loop3A_49 step %parallel_loop3A_50  : i32 {
      %parallel_loop3A_74 = arith.constant 5 : i32
      %parallel_loop3A_75 = arith.index_cast %parallel_loop3A_74 : i32 to index
      %parallel_loop3A_76 = arith.index_cast %parallel_loop3A_73 : i32 to index
      %parallel_loop3A_77 = tpu.vector_load %arg13[%parallel_loop3A_75, %parallel_loop3A_76] {strides = array<i32>} : memref<8x10240xf32, #tpu.memory_space<vmem>>, vector<16xf32>,
      tpu.vector_store %arg13[%parallel_loop3A_75, %parallel_loop3A_76], %broadcast_in_dim3A_33 {strides = array<i32>} : memref<8x10240xf32, #tpu.memory_space<vmem>>, vector<16xf32>,
    } {sc.loop_unroll_factor = 8 : i64, sc.parallel_access}
    %parallel_loop3A_51 = arith.constant 0 : i32
    %parallel_loop3A_52 = arith.constant 10240 : i32
    %parallel_loop3A_53 = arith.constant 16 : i32
    scf.for %parallel_loop3A_73 = %parallel_loop3A_51 to %parallel_loop3A_52 step %parallel_loop3A_53  : i32 {
      %parallel_loop3A_74 = arith.constant 6 : i32
      %parallel_loop3A_75 = arith.index_cast %parallel_loop3A_74 : i32 to index
      %parallel_loop3A_76 = arith.index_cast %parallel_loop3A_73 : i32 to index
      %parallel_loop3A_77 = tpu.vector_load %arg13[%parallel_loop3A_75, %parallel_loop3A_76] {strides = array<i32>} : memref<8x10240xf32, #tpu.memory_space<vmem>>, vector<16xf32>,
      tpu.vector_store %arg13[%parallel_loop3A_75, %parallel_loop3A_76], %broadcast_in_dim3A_33 {strides = array<i32>} : memref<8x10240xf32, #tpu.memory_space<vmem>>, vector<16xf32>,
    } {sc.loop_unroll_factor = 8 : i64, sc.parallel_access}
    %parallel_loop3A_54 = arith.constant 0 : i32
    %parallel_loop3A_55 = arith.constant 10240 : i32
    %parallel_loop3A_56 = arith.constant 16 : i32
    scf.for %parallel_loop3A_73 = %parallel_loop3A_54 to %parallel_loop3A_55 step %parallel_loop3A_56  : i32 {
      %parallel_loop3A_74 = arith.constant 7 : i32
      %parallel_loop3A_75 = arith.index_cast %parallel_loop3A_74 : i32 to index
      %parallel_loop3A_76 = arith.index_cast %parallel_loop3A_73 : i32 to index
      %parallel_loop3A_77 = tpu.vector_load %arg13[%parallel_loop3A_75, %parallel_loop3A_76] {strides = array<i32>} : memref<8x10240xf32, #tpu.memory_space<vmem>>, vector<16xf32>,
      tpu.vector_store %arg13[%parallel_loop3A_75, %parallel_loop3A_76], %broadcast_in_dim3A_33 {strides = array<i32>} : memref<8x10240xf32, #tpu.memory_space<vmem>>, vector<16xf32>,
    } {sc.loop_unroll_factor = 8 : i64, sc.parallel_access}
    %parallel_loop3A_57 = arith.constant 0 : i32
    %parallel_loop3A_58 = arith.constant 10240 : i32
    %parallel_loop3A_59 = arith.constant 16 : i32
    scf.for %parallel_loop3A_73 = %parallel_loop3A_57 to %parallel_loop3A_58 step %parallel_loop3A_59  : i32 {
      %parallel_loop3A_74 = arith.index_cast %parallel_loop3A_73 : i32 to index
      %parallel_loop3A_75 = tpu.vector_load %arg14[%parallel_loop3A_74] {strides = array<i32>} : memref<10240xf32, #tpu.memory_space<vmem>>, vector<16xf32>,
      tpu.vector_store %arg14[%parallel_loop3A_74], %broadcast_in_dim3A_33 {strides = array<i32>} : memref<10240xf32, #tpu.memory_space<vmem>>, vector<16xf32>,
    } {sc.loop_unroll_factor = 8 : i64, sc.parallel_access}
    %get3A = arith.constant 0 : index
    %get3A_60 = tpu.vector_load %arg12[%get3A] {strides = array<i32>} : memref<16xf32, #tpu.memory_space<vmem>>, vector<16xf32>,
    %iota3A = tpu.iota {dimensions = array<i32: 0>} : vector<16xi32>
    %rem3A_61 = arith.constant 8 : i32
    %rem3A_62 = vector.broadcast %rem3A_61 : i32 to vector<16xi32>
    %rem3A_63 = arith.remsi %iota3A, %rem3A_62 : vector<16xi32>
    %div3A_64 = arith.constant 8 : i32
    %div3A_65 = vector.broadcast %div3A_64 : i32 to vector<16xi32>
    %div3A_66 = arith.divsi %iota3A, %div3A_65 : vector<16xi32>
    %mul3A_67 = arith.constant 10240 : i32
    %mul3A_68 = arith.muli %select_n3A_9, %mul3A_67 : i32
    %scan3A = arith.constant 0 : i32
    %scan3A_69 = arith.constant 12 : i32
    %scan3A_70 = arith.addi %scan3A, %scan3A_69 : i32
    %scan3A_71 = arith.constant 1 : i32
    scf.for %scan3A_73 = %scan3A to %scan3A_70 step %scan3A_71  : i32 {
      %mul3A_74 = arith.constant 1 : i32
      %mul3A_75 = arith.muli %scan3A_73, %mul3A_74 : i32
      %add3A_76 = arith.constant 0 : i32
      %add3A_77 = arith.addi %add3A_76, %mul3A_75 : i32
      %mul3A_78 = arith.constant 10000 : i32
      %mul3A_79 = arith.muli %select_n3A_30, %mul3A_78 : i32
      %mul3A_80 = arith.constant 800 : i32
      %mul3A_81 = arith.muli %add3A_77, %mul3A_80 : i32
      %add3A_82 = arith.addi %mul3A_79, %mul3A_81 : i32
      %dma_start3A = tpu.memref_slice %arg6[%add3A_82] : memref<320000xi32, #tpu.memory_space<hbm>> -> memref<800xi32, #tpu.memory_space<hbm>>
      %dma_start3A_83 = tpu.memref_slice %arg6[%add3A_82] : memref<320000xi32, #tpu.memory_space<hbm>> -> memref<800xi32, #tpu.memory_space<hbm>>
      tpu.enqueue_dma source(%dma_start3A_83 : memref<800xi32, #tpu.memory_space<hbm>>) target(%arg15 : memref<800xi32, #tpu.memory_space<vmem>>) target_semaphore(%arg20 : memref<!tpu.dma_semaphore, #tpu.memory_space<semaphore_mem>>)
      %dma_start3A_84 = tpu.memref_slice %arg7[%add3A_82] : memref<320000xi32, #tpu.memory_space<hbm>> -> memref<800xi32, #tpu.memory_space<hbm>>
      %dma_start3A_85 = tpu.memref_slice %arg7[%add3A_82] : memref<320000xi32, #tpu.memory_space<hbm>> -> memref<800xi32, #tpu.memory_space<hbm>>
      tpu.enqueue_dma source(%dma_start3A_85 : memref<800xi32, #tpu.memory_space<hbm>>) target(%arg16 : memref<800xi32, #tpu.memory_space<vmem>>) target_semaphore(%arg21 : memref<!tpu.dma_semaphore, #tpu.memory_space<semaphore_mem>>)
      %dma_wait3A = tpu.memref_slice %arg6[%add3A_82] : memref<320000xi32, #tpu.memory_space<hbm>> -> memref<800xi32, #tpu.memory_space<hbm>>
      %dma_wait3A_86 = tpu.memref_slice %arg6[%add3A_82] : memref<320000xi32, #tpu.memory_space<hbm>> -> memref<800xi32, #tpu.memory_space<hbm>>
      tpu.wait_dma2 semaphore(%arg20 : memref<!tpu.dma_semaphore, #tpu.memory_space<semaphore_mem>>) src(%dma_wait3A_86 : memref<800xi32, #tpu.memory_space<hbm>>) dst(%arg15 : memref<800xi32, #tpu.memory_space<vmem>>)
      %parallel_loop3A_87 = arith.constant 0 : i32
      %parallel_loop3A_88 = arith.constant 800 : i32
      %parallel_loop3A_89 = arith.constant 16 : i32
      scf.for %parallel_loop3A_105 = %parallel_loop3A_87 to %parallel_loop3A_88 step %parallel_loop3A_89  : i32 {
        %parallel_loop3A_106 = arith.index_cast %parallel_loop3A_105 : i32 to index
        %parallel_loop3A_107 = tpu.vector_load %arg15[%parallel_loop3A_106] {strides = array<i32>} : memref<800xi32, #tpu.memory_space<vmem>>, vector<16xi32>,
        %parallel_loop3A_108 = vector.broadcast %mul3A_68 : i32 to vector<16xi32>
        %parallel_loop3A_109 = arith.addi %parallel_loop3A_107, %parallel_loop3A_108 : vector<16xi32>
        %parallel_loop3A_110 = arith.index_cast %parallel_loop3A_105 : i32 to index
        %parallel_loop3A_111 = tpu.vector_load %arg17[%parallel_loop3A_110] {strides = array<i32>} : memref<800xi32, #tpu.memory_space<vmem>>, vector<16xi32>,
        tpu.vector_store %arg17[%parallel_loop3A_110], %parallel_loop3A_109 {strides = array<i32>} : memref<800xi32, #tpu.memory_space<vmem>>, vector<16xi32>,
      } {sc.loop_unroll_factor = 10 : i64, sc.parallel_access}
      %dma_start3A_90 = arith.constant 0 : i32
      %dma_start3A_91 = arith.constant 0 : i32
      %dma_start3A_92 = tpu.memref_slice %arg2[%dma_start3A_90, %dma_start3A_91] : memref<10240x16xf32, #tpu.memory_space<hbm>> -> memref<10240x16xf32, #tpu.memory_space<hbm>>
      tpu.enqueue_indirect_dma source(%dma_start3A_92 : memref<10240x16xf32, #tpu.memory_space<hbm>>) target(%arg19 : memref<800x16xf32, #tpu.memory_space<vmem>>) offsets(%arg17 : memref<800xi32, #tpu.memory_space<vmem>>) semaphore(%arg20 : memref<!tpu.dma_semaphore, #tpu.memory_space<semaphore_mem>>)
      %dma_wait3A_93 = tpu.memref_slice %arg7[%add3A_82] : memref<320000xi32, #tpu.memory_space<hbm>> -> memref<800xi32, #tpu.memory_space<hbm>>
      %dma_wait3A_94 = tpu.memref_slice %arg7[%add3A_82] : memref<320000xi32, #tpu.memory_space<hbm>> -> memref<800xi32, #tpu.memory_space<hbm>>
      tpu.wait_dma2 semaphore(%arg21 : memref<!tpu.dma_semaphore, #tpu.memory_space<semaphore_mem>>) src(%dma_wait3A_94 : memref<800xi32, #tpu.memory_space<hbm>>) dst(%arg16 : memref<800xi32, #tpu.memory_space<vmem>>)
      %parallel_loop3A_95 = arith.constant 0 : i32
      %parallel_loop3A_96 = arith.constant 800 : i32
      %parallel_loop3A_97 = arith.constant 16 : i32
      scf.for %parallel_loop3A_105 = %parallel_loop3A_95 to %parallel_loop3A_96 step %parallel_loop3A_97  : i32 {
        %parallel_loop3A_106 = arith.index_cast %parallel_loop3A_105 : i32 to index
        %parallel_loop3A_107 = tpu.vector_load %arg15[%parallel_loop3A_106] {strides = array<i32>} : memref<800xi32, #tpu.memory_space<vmem>>, vector<16xi32>,
        %parallel_loop3A_108 = arith.index_cast %parallel_loop3A_105 : i32 to index
        %parallel_loop3A_109 = tpu.vector_load %arg16[%parallel_loop3A_108] {strides = array<i32>} : memref<800xi32, #tpu.memory_space<vmem>>, vector<16xi32>,
        %parallel_loop3A_110 = tpu.vector_load_idx %arg10[%parallel_loop3A_107] : memref<10240xf32, #tpu.memory_space<vmem>>[vector<16xi32>], vector<16xf32>,
        %parallel_loop3A_111 = tpu.vector_load_idx %arg11[%parallel_loop3A_109] : memref<10240xf32, #tpu.memory_space<vmem>>[vector<16xi32>], vector<16xf32>,
        %parallel_loop3A_112 = arith.addf %parallel_loop3A_110, %parallel_loop3A_111 : vector<16xf32>
        %parallel_loop3A_113 = arith.constant 2.000000e-01 : f32
        %parallel_loop3A_114 = vector.broadcast %parallel_loop3A_113 : f32 to vector<16xf32>
        %parallel_loop3A_115 = arith.mulf %parallel_loop3A_114, %parallel_loop3A_112 : vector<16xf32>
        %parallel_loop3A_116 = arith.maximumf %parallel_loop3A_112, %parallel_loop3A_115 : vector<16xf32>
        %parallel_loop3A_117 = arith.subf %parallel_loop3A_116, %get3A_60 : vector<16xf32>
        %parallel_loop3A_118 = math.exp %parallel_loop3A_117 : vector<16xf32>
        %parallel_loop3A_119 = arith.index_cast %parallel_loop3A_105 : i32 to index
        %parallel_loop3A_120 = tpu.vector_load %arg18[%parallel_loop3A_119] {strides = array<i32>} : memref<800xf32, #tpu.memory_space<vmem>>, vector<16xf32>,
        tpu.vector_store %arg18[%parallel_loop3A_119], %parallel_loop3A_118 {strides = array<i32>} : memref<800xf32, #tpu.memory_space<vmem>>, vector<16xf32>,
        tpu.vector_store_idx %arg14[%parallel_loop3A_109], %parallel_loop3A_118 {add = true} : memref<10240xf32, #tpu.memory_space<vmem>>[vector<16xi32>], vector<16xf32>,
      } {sc.loop_unroll_factor = 4 : i64, sc.parallel_access}
      %dma_wait3A_98 = arith.constant 0 : i32
      %dma_wait3A_99 = arith.constant 0 : i32
      %dma_wait3A_100 = tpu.memref_slice %arg2[%dma_wait3A_98, %dma_wait3A_99] : memref<10240x16xf32, #tpu.memory_space<hbm>> -> memref<10240x16xf32, #tpu.memory_space<hbm>>
      tpu.wait_indirect_dma semaphore(%arg20 : memref<!tpu.dma_semaphore, #tpu.memory_space<semaphore_mem>>) src(%dma_wait3A_100 : memref<10240x16xf32, #tpu.memory_space<hbm>>) dst(%arg19 : memref<800x16xf32, #tpu.memory_space<vmem>>)
      %parallel_loop3A_101 = arith.constant 0 : i32
      %parallel_loop3A_102 = arith.constant 800 : i32
      %parallel_loop3A_103 = arith.constant 2 : i32
      %parallel_loop3A_104 = scf.for %parallel_loop3A_105 = %parallel_loop3A_101 to %parallel_loop3A_102 step %parallel_loop3A_103 iter_args(%parallel_loop3A_106 = %div3A_66) -> (vector<16xi32>)  : i32 {
        %parallel_loop3A_107 = tpu.vector_load_idx %arg19[%parallel_loop3A_106, %rem3A_63] : memref<800x16xf32, #tpu.memory_space<vmem>>[vector<16xi32>, vector<16xi32>], vector<16xf32>,
        %parallel_loop3A_108 = tpu.vector_load_idx %arg18[%parallel_loop3A_106] : memref<800xf32, #tpu.memory_space<vmem>>[vector<16xi32>], vector<16xf32>,
        %parallel_loop3A_109 = tpu.vector_load_idx %arg16[%parallel_loop3A_106] : memref<800xi32, #tpu.memory_space<vmem>>[vector<16xi32>], vector<16xi32>,
        %parallel_loop3A_110 = arith.mulf %parallel_loop3A_107, %parallel_loop3A_108 : vector<16xf32>
        tpu.vector_store_idx %arg13[%rem3A_63, %parallel_loop3A_109], %parallel_loop3A_110 {add = true} : memref<8x10240xf32, #tpu.memory_space<vmem>>[vector<16xi32>, vector<16xi32>], vector<16xf32>,
        %parallel_loop3A_111 = arith.constant 2 : i32
        %parallel_loop3A_112 = vector.broadcast %parallel_loop3A_111 : i32 to vector<16xi32>
        %parallel_loop3A_113 = arith.addi %parallel_loop3A_106, %parallel_loop3A_112 : vector<16xi32>
        scf.yield %parallel_loop3A_113 : vector<16xi32>
      } {sc.loop_unroll_factor = 8 : i64, sc.parallel_access}
    }
    %scan3A_72 = arith.constant 12 : i32
    "tpu.region"() ({
      %run_scoped3A_73 = tpu.sem_alloc : memref<!tpu.dma_semaphore, #tpu.memory_space<semaphore_mem>>
      %dma_start3A = arith.constant 0 : i32
      %dma_start3A_74 = arith.constant 0 : i32
      %dma_start3A_75 = tpu.memref_slice %arg8[%select_n3A_30, %select_n3A_9, %dma_start3A, %dma_start3A_74] : memref<32x1x8x10240xf32, #tpu.memory_space<hbm>> -> memref<1x1x8x10240xf32, #tpu.memory_space<hbm>>
      %dma_start3A_76 = tpu.memref_squeeze %dma_start3A_75 : memref<1x1x8x10240xf32, #tpu.memory_space<hbm>> -> memref<8x10240xf32, #tpu.memory_space<hbm>>
      %dma_start3A_77 = arith.constant 0 : i32
      %dma_start3A_78 = arith.constant 0 : i32
      %dma_start3A_79 = tpu.memref_slice %arg8[%select_n3A_30, %select_n3A_9, %dma_start3A_77, %dma_start3A_78] : memref<32x1x8x10240xf32, #tpu.memory_space<hbm>> -> memref<1x1x8x10240xf32, #tpu.memory_space<hbm>>
      %dma_start3A_80 = tpu.memref_squeeze %dma_start3A_79 : memref<1x1x8x10240xf32, #tpu.memory_space<hbm>> -> memref<8x10240xf32, #tpu.memory_space<hbm>>
      tpu.enqueue_dma source(%arg13 : memref<8x10240xf32, #tpu.memory_space<vmem>>) target(%dma_start3A_80 : memref<8x10240xf32, #tpu.memory_space<hbm>>) target_semaphore(%run_scoped3A_73 : memref<!tpu.dma_semaphore, #tpu.memory_space<semaphore_mem>>)
      %dma_wait3A = arith.constant 0 : i32
      %dma_wait3A_81 = arith.constant 0 : i32
      %dma_wait3A_82 = tpu.memref_slice %arg8[%select_n3A_30, %select_n3A_9, %dma_wait3A, %dma_wait3A_81] : memref<32x1x8x10240xf32, #tpu.memory_space<hbm>> -> memref<1x1x8x10240xf32, #tpu.memory_space<hbm>>
      %dma_wait3A_83 = tpu.memref_squeeze %dma_wait3A_82 : memref<1x1x8x10240xf32, #tpu.memory_space<hbm>> -> memref<8x10240xf32, #tpu.memory_space<hbm>>
      %dma_wait3A_84 = arith.constant 0 : i32
      %dma_wait3A_85 = arith.constant 0 : i32
      %dma_wait3A_86 = tpu.memref_slice %arg8[%select_n3A_30, %select_n3A_9, %dma_wait3A_84, %dma_wait3A_85] : memref<32x1x8x10240xf32, #tpu.memory_space<hbm>> -> memref<1x1x8x10240xf32, #tpu.memory_space<hbm>>
      %dma_wait3A_87 = tpu.memref_squeeze %dma_wait3A_86 : memref<1x1x8x10240xf32, #tpu.memory_space<hbm>> -> memref<8x10240xf32, #tpu.memory_space<hbm>>
      tpu.wait_dma2 semaphore(%run_scoped3A_73 : memref<!tpu.dma_semaphore, #tpu.memory_space<semaphore_mem>>) src(%arg13 : memref<8x10240xf32, #tpu.memory_space<vmem>>) dst(%dma_wait3A_87 : memref<8x10240xf32, #tpu.memory_space<hbm>>)
      tpu.yield
    }) : () -> ()
    "tpu.region"() ({
      %run_scoped3A_73 = tpu.sem_alloc : memref<!tpu.dma_semaphore, #tpu.memory_space<semaphore_mem>>
      %dma_start3A = arith.constant 0 : i32
      %dma_start3A_74 = tpu.memref_slice %arg9[%select_n3A_30, %select_n3A_9, %dma_start3A] : memref<32x1x10240xf32, #tpu.memory_space<hbm>> -> memref<1x1x10240xf32, #tpu.memory_space<hbm>>
      %dma_start3A_75 = tpu.memref_squeeze %dma_start3A_74 : memref<1x1x10240xf32, #tpu.memory_space<hbm>> -> memref<10240xf32, #tpu.memory_space<hbm>>
      %dma_start3A_76 = arith.constant 0 : i32
      %dma_start3A_77 = tpu.memref_slice %arg9[%select_n3A_30, %select_n3A_9, %dma_start3A_76] : memref<32x1x10240xf32, #tpu.memory_space<hbm>> -> memref<1x1x10240xf32, #tpu.memory_space<hbm>>
      %dma_start3A_78 = tpu.memref_squeeze %dma_start3A_77 : memref<1x1x10240xf32, #tpu.memory_space<hbm>> -> memref<10240xf32, #tpu.memory_space<hbm>>
      tpu.enqueue_dma source(%arg14 : memref<10240xf32, #tpu.memory_space<vmem>>) target(%dma_start3A_78 : memref<10240xf32, #tpu.memory_space<hbm>>) target_semaphore(%run_scoped3A_73 : memref<!tpu.dma_semaphore, #tpu.memory_space<semaphore_mem>>)
      %dma_wait3A = arith.constant 0 : i32
      %dma_wait3A_79 = tpu.memref_slice %arg9[%select_n3A_30, %select_n3A_9, %dma_wait3A] : memref<32x1x10240xf32, #tpu.memory_space<hbm>> -> memref<1x1x10240xf32, #tpu.memory_space<hbm>>
      %dma_wait3A_80 = tpu.memref_squeeze %dma_wait3A_79 : memref<1x1x10240xf32, #tpu.memory_space<hbm>> -> memref<10240xf32, #tpu.memory_space<hbm>>
      %dma_wait3A_81 = arith.constant 0 : i32
      %dma_wait3A_82 = tpu.memref_slice %arg9[%select_n3A_30, %select_n3A_9, %dma_wait3A_81] : memref<32x1x10240xf32, #tpu.memory_space<hbm>> -> memref<1x1x10240xf32, #tpu.memory_space<hbm>>
      %dma_wait3A_83 = tpu.memref_squeeze %dma_wait3A_82 : memref<1x1x10240xf32, #tpu.memory_space<hbm>> -> memref<10240xf32, #tpu.memory_space<hbm>>
      tpu.wait_dma2 semaphore(%run_scoped3A_73 : memref<!tpu.dma_semaphore, #tpu.memory_space<semaphore_mem>>) src(%arg14 : memref<10240xf32, #tpu.memory_space<vmem>>) dst(%dma_wait3A_83 : memref<10240xf32, #tpu.memory_space<hbm>>)
      tpu.yield
    }) : () -> ()
    return
  }
}

module attributes {stable_mosaic.version = 14 : i64} {
  func.func @_prep1_body(%arg0: i32, %arg1: i32, %arg2: memref<1024x128xf32, #tpu.memory_space<vmem>>, %arg3: memref<1x128x8xf32, #tpu.memory_space<vmem>>, %arg4: memref<1x8x1xf32, #tpu.memory_space<vmem>>, %arg5: memref<1x8x1xf32, #tpu.memory_space<vmem>>, %arg6: memref<1024x16xf32, #tpu.memory_space<vmem>>, %arg7: memref<1x1x1024xf32, #tpu.memory_space<vmem>>, %arg8: memref<1x1x1024xf32, #tpu.memory_space<vmem>>, %arg9: memref<1x1x16xf32, #tpu.memory_space<vmem>>, %arg10: memref<2xf32, #tpu.memory_space<smem>>) attributes {dimension_semantics = [#tpu.dimension_semantics<arbitrary>, #tpu.dimension_semantics<arbitrary>], iteration_bounds = array<i64: 4, 10>, scalar_prefetch = 0 : i64, scratch_operands = 1 : i64, tpu.core_type = #tpu.core_type<tc>, window_params = [{transform_indices = @transform_0, window_bounds = array<i64: 1024, 128>}, {transform_indices = @transform_1, window_bounds = array<i64: 1, 128, 8>}, {transform_indices = @transform_2, window_bounds = array<i64: 1, 8, 1>}, {transform_indices = @transform_3, window_bounds = array<i64: 1, 8, 1>}, {transform_indices = @transform_4, window_bounds = array<i64: 1024, 16>}, {transform_indices = @transform_5, window_bounds = array<i64: 1, 1, 1024>}, {transform_indices = @transform_6, window_bounds = array<i64: 1, 1, 1024>}, {transform_indices = @transform_7, window_bounds = array<i64: 1, 1, 16>}]} {
    %get3A = arith.constant 0 : index
    %get3A_0 = arith.constant 0 : index
    %get3A_1 = vector.load %arg2[%get3A, %get3A_0] : memref<1024x128xf32, #tpu.memory_space<vmem>>, vector<1024x128xf32>
    %get3A_2 = arith.constant 0 : index
    %get3A_3 = arith.constant 0 : index
    %get3A_4 = arith.constant 0 : index
    %get3A_5 = vector.load %arg3[%get3A_2, %get3A_3, %get3A_4] : memref<1x128x8xf32, #tpu.memory_space<vmem>>, vector<1x128x8xf32>
    %get3A_6 = vector.shape_cast %get3A_5 : vector<1x128x8xf32> to vector<128x8xf32>
    %dot_general3A = arith.constant dense<0.000000e+00> : vector<1024x8xf32>
    %dot_general3A_7 = tpu.matmul %get3A_1, %get3A_6, %dot_general3A {dimension_numbers = #tpu.dot_dimension_numbers<[1], [0], [0], [1], [0, 0, 1, 1], [], []>, transpose_lhs_hint = false} : vector<1024x128xf32>, vector<128x8xf32>, vector<1024x8xf32> -> vector<1024x8xf32>
    %broadcast_in_dim3A = arith.constant 0.000000e+00 : f32
    %broadcast_in_dim3A_8 = vector.broadcast %broadcast_in_dim3A : f32 to vector<1024x8xf32>
    %concatenate3A = tpu.concatenate %dot_general3A_7, %broadcast_in_dim3A_8 in 1 : vector<1024x8xf32>, vector<1024x8xf32> -> vector<1024x16xf32>
    %swap3A = arith.constant 0 : index
    %swap3A_9 = arith.constant 0 : index
    %swap3A_10 = vector.load %arg6[%swap3A, %swap3A_9] : memref<1024x16xf32, #tpu.memory_space<vmem>>, vector<1024x16xf32>
    tpu.vector_store %arg6[%swap3A, %swap3A_9], %concatenate3A {strides = array<i32>} : memref<1024x16xf32, #tpu.memory_space<vmem>>, vector<1024x16xf32>,
    %get3A_11 = arith.constant 0 : index
    %get3A_12 = arith.constant 0 : index
    %get3A_13 = arith.constant 0 : index
    %get3A_14 = vector.load %arg3[%get3A_11, %get3A_12, %get3A_13] : memref<1x128x8xf32, #tpu.memory_space<vmem>>, vector<1x128x8xf32>
    %get3A_15 = vector.shape_cast %get3A_14 : vector<1x128x8xf32> to vector<128x8xf32>
    %get3A_16 = arith.constant 0 : index
    %get3A_17 = arith.constant 0 : index
    %get3A_18 = arith.constant 0 : index
    %get3A_19 = vector.load %arg4[%get3A_16, %get3A_17, %get3A_18] : memref<1x8x1xf32, #tpu.memory_space<vmem>>, vector<1x8x1xf32>
    %get3A_20 = vector.shape_cast %get3A_19 : vector<1x8x1xf32> to vector<8x1xf32>
    %dot_general3A_21 = arith.constant dense<0.000000e+00> : vector<128x1xf32>
    %dot_general3A_22 = tpu.matmul %get3A_15, %get3A_20, %dot_general3A_21 {dimension_numbers = #tpu.dot_dimension_numbers<[1], [0], [0], [1], [0, 0, 1, 1], [], []>, transpose_lhs_hint = false} : vector<128x8xf32>, vector<8x1xf32>, vector<128x1xf32> -> vector<128x1xf32>
    %get3A_23 = arith.constant 0 : index
    %get3A_24 = arith.constant 0 : index
    %get3A_25 = arith.constant 0 : index
    %get3A_26 = vector.load %arg3[%get3A_23, %get3A_24, %get3A_25] : memref<1x128x8xf32, #tpu.memory_space<vmem>>, vector<1x128x8xf32>
    %get3A_27 = vector.shape_cast %get3A_26 : vector<1x128x8xf32> to vector<128x8xf32>
    %get3A_28 = arith.constant 0 : index
    %get3A_29 = arith.constant 0 : index
    %get3A_30 = arith.constant 0 : index
    %get3A_31 = vector.load %arg5[%get3A_28, %get3A_29, %get3A_30] : memref<1x8x1xf32, #tpu.memory_space<vmem>>, vector<1x8x1xf32>
    %get3A_32 = vector.shape_cast %get3A_31 : vector<1x8x1xf32> to vector<8x1xf32>
    %dot_general3A_33 = arith.constant dense<0.000000e+00> : vector<128x1xf32>
    %dot_general3A_34 = tpu.matmul %get3A_27, %get3A_32, %dot_general3A_33 {dimension_numbers = #tpu.dot_dimension_numbers<[1], [0], [0], [1], [0, 0, 1, 1], [], []>, transpose_lhs_hint = false} : vector<128x8xf32>, vector<8x1xf32>, vector<128x1xf32> -> vector<128x1xf32>
    %dot_general3A_35 = arith.constant dense<0.000000e+00> : vector<1x1024xf32>
    %dot_general3A_36 = tpu.matmul %dot_general3A_22, %get3A_1, %dot_general3A_35 {dimension_numbers = #tpu.dot_dimension_numbers<[0], [1], [1], [0], [0, 1, 1, 0], [], []>, transpose_lhs_hint = false} : vector<128x1xf32>, vector<1024x128xf32>, vector<1x1024xf32> -> vector<1x1024xf32>
    %dot_general3A_37 = arith.constant dense<0.000000e+00> : vector<1x1024xf32>
    %dot_general3A_38 = tpu.matmul %dot_general3A_34, %get3A_1, %dot_general3A_37 {dimension_numbers = #tpu.dot_dimension_numbers<[0], [1], [1], [0], [0, 1, 1, 0], [], []>, transpose_lhs_hint = false} : vector<128x1xf32>, vector<1024x128xf32>, vector<1x1024xf32> -> vector<1x1024xf32>
    %broadcast_in_dim3A_39 = vector.shape_cast %dot_general3A_36 : vector<1x1024xf32> to vector<1x1x1024xf32>
    %swap3A_40 = arith.constant 0 : index
    %swap3A_41 = arith.constant 0 : index
    %swap3A_42 = arith.constant 0 : index
    %swap3A_43 = vector.load %arg7[%swap3A_40, %swap3A_41, %swap3A_42] : memref<1x1x1024xf32, #tpu.memory_space<vmem>>, vector<1x1x1024xf32>
    tpu.vector_store %arg7[%swap3A_40, %swap3A_41, %swap3A_42], %broadcast_in_dim3A_39 {strides = array<i32>} : memref<1x1x1024xf32, #tpu.memory_space<vmem>>, vector<1x1x1024xf32>,
    %broadcast_in_dim3A_44 = vector.shape_cast %dot_general3A_38 : vector<1x1024xf32> to vector<1x1x1024xf32>
    %swap3A_45 = arith.constant 0 : index
    %swap3A_46 = arith.constant 0 : index
    %swap3A_47 = arith.constant 0 : index
    %swap3A_48 = vector.load %arg8[%swap3A_45, %swap3A_46, %swap3A_47] : memref<1x1x1024xf32, #tpu.memory_space<vmem>>, vector<1x1x1024xf32>
    tpu.vector_store %arg8[%swap3A_45, %swap3A_46, %swap3A_47], %broadcast_in_dim3A_44 {strides = array<i32>} : memref<1x1x1024xf32, #tpu.memory_space<vmem>>, vector<1x1x1024xf32>,
    %reduce_max3A = vector.shape_cast %dot_general3A_36 : vector<1x1024xf32> to vector<1x1x1024xf32>
    %reduce_max3A_49 = arith.constant dense<0xFF800000> : vector<1xf32>
    %reduce_max3A_50 = vector.multi_reduction <maximumf>, %reduce_max3A, %reduce_max3A_49 [1, 2] : vector<1x1x1024xf32> to vector<1xf32>
    %reduce_max3A_51 = vector.shape_cast %reduce_max3A_50 : vector<1xf32> to vector<1x1x1xf32>
    %reduce_max3A_52 = vector.extract %reduce_max3A_51[0, 0, 0] : f32 from vector<1x1x1xf32>
    %reduce_max3A_53 = vector.shape_cast %dot_general3A_38 : vector<1x1024xf32> to vector<1x1x1024xf32>
    %reduce_max3A_54 = arith.constant dense<0xFF800000> : vector<1xf32>
    %reduce_max3A_55 = vector.multi_reduction <maximumf>, %reduce_max3A_53, %reduce_max3A_54 [1, 2] : vector<1x1x1024xf32> to vector<1xf32>
    %reduce_max3A_56 = vector.shape_cast %reduce_max3A_55 : vector<1xf32> to vector<1x1x1xf32>
    %reduce_max3A_57 = vector.extract %reduce_max3A_56[0, 0, 0] : f32 from vector<1x1x1xf32>
    %eq3A = arith.constant 0 : i32
    %eq3A_58 = arith.cmpi eq, %arg1, %eq3A : i32
    %convert_element_type3A = arith.extui %eq3A_58 : i1 to i32
    %cond3A = arith.constant 0 : i32
    %cond3A_59 = arith.cmpi ne, %convert_element_type3A, %cond3A : i32
    scf.if %cond3A_59 {
      %swap3A_69 = arith.constant 0 : index
      %swap3A_70 = memref.load %arg10[%swap3A_69] : memref<2xf32, #tpu.memory_space<smem>>
      memref.store %reduce_max3A_52, %arg10[%swap3A_69] : memref<2xf32, #tpu.memory_space<smem>>
      %swap3A_71 = arith.constant 1 : index
      %swap3A_72 = memref.load %arg10[%swap3A_71] : memref<2xf32, #tpu.memory_space<smem>>
      memref.store %reduce_max3A_57, %arg10[%swap3A_71] : memref<2xf32, #tpu.memory_space<smem>>
    } else {
    }
    %ne3A = arith.constant 0 : i32
    %ne3A_60 = arith.cmpi ne, %arg1, %ne3A : i32
    %convert_element_type3A_61 = arith.extui %ne3A_60 : i1 to i32
    %cond3A_62 = arith.constant 0 : i32
    %cond3A_63 = arith.cmpi ne, %convert_element_type3A_61, %cond3A_62 : i32
    scf.if %cond3A_63 {
      %get3A_69 = arith.constant 0 : index
      %get3A_70 = memref.load %arg10[%get3A_69] : memref<2xf32, #tpu.memory_space<smem>>
      %max3A = arith.maximumf %get3A_70, %reduce_max3A_52 : f32
      %swap3A_71 = arith.constant 0 : index
      %swap3A_72 = memref.load %arg10[%swap3A_71] : memref<2xf32, #tpu.memory_space<smem>>
      memref.store %max3A, %arg10[%swap3A_71] : memref<2xf32, #tpu.memory_space<smem>>
      %get3A_73 = arith.constant 1 : index
      %get3A_74 = memref.load %arg10[%get3A_73] : memref<2xf32, #tpu.memory_space<smem>>
      %max3A_75 = arith.maximumf %get3A_74, %reduce_max3A_57 : f32
      %swap3A_76 = arith.constant 1 : index
      %swap3A_77 = memref.load %arg10[%swap3A_76] : memref<2xf32, #tpu.memory_space<smem>>
      memref.store %max3A_75, %arg10[%swap3A_76] : memref<2xf32, #tpu.memory_space<smem>>
    } else {
    }
    %eq3A_64 = arith.constant 9 : i32
    %eq3A_65 = arith.cmpi eq, %arg1, %eq3A_64 : i32
    %convert_element_type3A_66 = arith.extui %eq3A_65 : i1 to i32
    %cond3A_67 = arith.constant 0 : i32
    %cond3A_68 = arith.cmpi ne, %convert_element_type3A_66, %cond3A_67 : i32
    scf.if %cond3A_68 {
      %get3A_69 = arith.constant 0 : index
      %get3A_70 = memref.load %arg10[%get3A_69] : memref<2xf32, #tpu.memory_space<smem>>
      %get3A_71 = arith.constant 1 : index
      %get3A_72 = memref.load %arg10[%get3A_71] : memref<2xf32, #tpu.memory_space<smem>>
      %add3A = arith.addf %get3A_70, %get3A_72 : f32
      %mul3A = arith.constant 2.000000e-01 : f32
      %mul3A_73 = arith.mulf %mul3A, %add3A : f32
      %max3A = arith.maximumf %add3A, %mul3A_73 : f32
      %broadcast_in_dim3A_74 = vector.broadcast %max3A : f32 to vector<1x1x16xf32>
      %swap3A_75 = arith.constant 0 : index
      %swap3A_76 = arith.constant 0 : index
      %swap3A_77 = arith.constant 0 : index
      %swap3A_78 = vector.load %arg9[%swap3A_75, %swap3A_76, %swap3A_77] : memref<1x1x16xf32, #tpu.memory_space<vmem>>, vector<1x1x16xf32>
      tpu.vector_store %arg9[%swap3A_75, %swap3A_76, %swap3A_77], %broadcast_in_dim3A_74 {strides = array<i32>} : memref<1x1x16xf32, #tpu.memory_space<vmem>>, vector<1x1x16xf32>,
    } else {
    }
    return
  }
  func.func @transform_0(%arg0: i32, %arg1: i32) -> (i32, i32) {
    %c0_i32 = arith.constant 0 : i32
    %c0_i32_0 = arith.constant 0 : i32
    return %arg1, %c0_i32 : i32, i32
  }
  func.func @transform_1(%arg0: i32, %arg1: i32) -> (i32, i32, i32) {
    %c0_i32 = arith.constant 0 : i32
    %c0_i32_0 = arith.constant 0 : i32
    %c0_i32_1 = arith.constant 0 : i32
    return %arg0, %c0_i32, %c0_i32_0 : i32, i32, i32
  }
  func.func @transform_2(%arg0: i32, %arg1: i32) -> (i32, i32, i32) {
    %c0_i32 = arith.constant 0 : i32
    %c0_i32_0 = arith.constant 0 : i32
    %c0_i32_1 = arith.constant 0 : i32
    return %arg0, %c0_i32, %c0_i32_0 : i32, i32, i32
  }
  func.func @transform_3(%arg0: i32, %arg1: i32) -> (i32, i32, i32) {
    %c0_i32 = arith.constant 0 : i32
    %c0_i32_0 = arith.constant 0 : i32
    %c0_i32_1 = arith.constant 0 : i32
    return %arg0, %c0_i32, %c0_i32_0 : i32, i32, i32
  }
  func.func @transform_4(%arg0: i32, %arg1: i32) -> (i32, i32) {
    %mul3A = arith.constant 10 : i32
    %mul3A_0 = arith.muli %arg0, %mul3A : i32
    %add3A = arith.addi %mul3A_0, %arg1 : i32
    %c0_i32 = arith.constant 0 : i32
    %c0_i32_1 = arith.constant 0 : i32
    return %add3A, %c0_i32 : i32, i32
  }
  func.func @transform_5(%arg0: i32, %arg1: i32) -> (i32, i32, i32) {
    %c0_i32 = arith.constant 0 : i32
    %c0_i32_0 = arith.constant 0 : i32
    return %arg0, %c0_i32, %arg1 : i32, i32, i32
  }
  func.func @transform_6(%arg0: i32, %arg1: i32) -> (i32, i32, i32) {
    %c0_i32 = arith.constant 0 : i32
    %c0_i32_0 = arith.constant 0 : i32
    return %arg0, %c0_i32, %arg1 : i32, i32, i32
  }
  func.func @transform_7(%arg0: i32, %arg1: i32) -> (i32, i32, i32) {
    %c0_i32 = arith.constant 0 : i32
    %c0_i32_0 = arith.constant 0 : i32
    %c0_i32_1 = arith.constant 0 : i32
    return %arg0, %c0_i32, %c0_i32_0 : i32, i32, i32
  }
}

module attributes {stable_mosaic.version = 14 : i64} {
  func.func @_prep2_body(%arg0: i32, %arg1: memref<8x4x8x1024xf32, #tpu.memory_space<vmem>>, %arg2: memref<8x4x1024xf32, #tpu.memory_space<vmem>>, %arg3: memref<4x8x8xf32, #tpu.memory_space<vmem>>, %arg4: memref<4x8x1xf32, #tpu.memory_space<vmem>>, %arg5: memref<32x8xf32, #tpu.memory_space<vmem>>, %arg6: memref<8x1xf32, #tpu.memory_space<vmem>>, %arg7: memref<8x1xf32, #tpu.memory_space<vmem>>, %arg8: memref<1024x16xf32, #tpu.memory_space<vmem>>, %arg9: memref<1x1x1024xf32, #tpu.memory_space<vmem>>, %arg10: memref<1x1x1024xf32, #tpu.memory_space<vmem>>, %arg11: memref<1x1x16xf32, #tpu.memory_space<vmem>>, %arg12: memref<2xf32, #tpu.memory_space<smem>>) attributes {dimension_semantics = [#tpu.dimension_semantics<arbitrary>], iteration_bounds = array<i64: 10>, scalar_prefetch = 0 : i64, scratch_operands = 1 : i64, tpu.core_type = #tpu.core_type<tc>, window_params = [{transform_indices = @transform_0, window_bounds = array<i64: 8, 4, 8, 1024>}, {transform_indices = @transform_1, window_bounds = array<i64: 8, 4, 1024>}, {pipeline_mode = #tpu.pipeline_mode<synchronous>, transform_indices = @transform_2, window_bounds = array<i64: 4, 8, 8>}, {pipeline_mode = #tpu.pipeline_mode<synchronous>, transform_indices = @transform_3, window_bounds = array<i64: 4, 8, 1>}, {pipeline_mode = #tpu.pipeline_mode<synchronous>, transform_indices = @transform_4, window_bounds = array<i64: 32, 8>}, {pipeline_mode = #tpu.pipeline_mode<synchronous>, transform_indices = @transform_5, window_bounds = array<i64: 8, 1>}, {pipeline_mode = #tpu.pipeline_mode<synchronous>, transform_indices = @transform_6, window_bounds = array<i64: 8, 1>}, {transform_indices = @transform_7, window_bounds = array<i64: 1024, 16>}, {transform_indices = @transform_8, window_bounds = array<i64: 1, 1, 1024>}, {transform_indices = @transform_9, window_bounds = array<i64: 1, 1, 1024>}, {pipeline_mode = #tpu.pipeline_mode<synchronous>, transform_indices = @transform_10, window_bounds = array<i64: 1, 1, 16>}]} {
    %get3A = arith.constant 0 : index
    %get3A_0 = arith.constant 0 : index
    %get3A_1 = arith.constant 0 : index
    %get3A_2 = arith.constant 0 : index
    %get3A_3 = vector.load %arg1[%get3A, %get3A_0, %get3A_1, %get3A_2] : memref<8x4x8x1024xf32, #tpu.memory_space<vmem>>, vector<8x4x8x1024xf32>
    %reduce_sum3A = arith.constant dense<0.000000e+00> : vector<4x8x1024xf32>
    %reduce_sum3A_4 = vector.multi_reduction <add>, %get3A_3, %reduce_sum3A [0] : vector<8x4x8x1024xf32> to vector<4x8x1024xf32>
    %get3A_5 = arith.constant 0 : index
    %get3A_6 = arith.constant 0 : index
    %get3A_7 = arith.constant 0 : index
    %get3A_8 = vector.load %arg2[%get3A_5, %get3A_6, %get3A_7] : memref<8x4x1024xf32, #tpu.memory_space<vmem>>, vector<8x4x1024xf32>
    %reduce_sum3A_9 = arith.constant dense<0.000000e+00> : vector<4x1024xf32>
    %reduce_sum3A_10 = vector.multi_reduction <add>, %get3A_8, %reduce_sum3A_9 [0] : vector<8x4x1024xf32> to vector<4x1024xf32>
    %slice3A = vector.extract_strided_slice %reduce_sum3A_4 {offsets = [0, 0, 0], sizes = [1, 8, 1024], strides = [1, 1, 1]} : vector<4x8x1024xf32> to vector<1x8x1024xf32>
    %squeeze3A = vector.shape_cast %slice3A : vector<1x8x1024xf32> to vector<8x1024xf32>
    %slice3A_11 = vector.extract_strided_slice %reduce_sum3A_10 {offsets = [0, 0], sizes = [1, 1024], strides = [1, 1]} : vector<4x1024xf32> to vector<1x1024xf32>
    %squeeze3A_12 = vector.shape_cast %slice3A_11 : vector<1x1024xf32> to vector<1024xf32>
    %broadcast_in_dim3A = vector.shape_cast %squeeze3A_12 : vector<1024xf32> to vector<1x1024xf32>
    %add3A = arith.constant 1.000000e-16 : f32
    %add3A_13 = vector.broadcast %add3A : f32 to vector<1x1024xf32>
    %add3A_14 = arith.addf %broadcast_in_dim3A, %add3A_13 : vector<1x1024xf32>
    %div3A = vector.broadcast %add3A_14 : vector<1x1024xf32> to vector<8x1024xf32>
    %div3A_15 = arith.divf %squeeze3A, %div3A : vector<8x1024xf32>
    %gt3A = arith.constant 0.000000e+00 : f32
    %gt3A_16 = vector.broadcast %gt3A : f32 to vector<8x1024xf32>
    %gt3A_17 = arith.cmpf ogt, %div3A_15, %gt3A_16 : vector<8x1024xf32>
    %min3A = arith.constant 0.000000e+00 : f32
    %min3A_18 = vector.broadcast %min3A : f32 to vector<8x1024xf32>
    %min3A_19 = arith.minimumf %div3A_15, %min3A_18 : vector<8x1024xf32>
    %exp3A = math.exp %min3A_19 : vector<8x1024xf32>
    %sub3A = arith.constant 1.000000e+00 : f32
    %sub3A_20 = vector.broadcast %sub3A : f32 to vector<8x1024xf32>
    %sub3A_21 = arith.subf %exp3A, %sub3A_20 : vector<8x1024xf32>
    %select_n3A = arith.select %gt3A_17, %div3A_15, %sub3A_21 : vector<8x1024xi1>, vector<8x1024xf32>
    %get3A_22 = arith.constant 0 : index
    %get3A_23 = arith.constant 0 : index
    %get3A_24 = arith.constant 0 : index
    %get3A_25 = vector.load %arg3[%get3A_22, %get3A_23, %get3A_24] : memref<4x8x8xf32, #tpu.memory_space<vmem>>, vector<1x8x8xf32>
    %get3A_26 = vector.shape_cast %get3A_25 : vector<1x8x8xf32> to vector<8x8xf32>
    %dot_general3A = arith.constant dense<0.000000e+00> : vector<8x1024xf32>
    %dot_general3A_27 = tpu.matmul %get3A_26, %select_n3A, %dot_general3A {dimension_numbers = #tpu.dot_dimension_numbers<[0], [0], [1], [1], [0, 1, 1, 1], [], []>, transpose_lhs_hint = false} : vector<8x8xf32>, vector<8x1024xf32>, vector<8x1024xf32> -> vector<8x1024xf32>
    %get3A_28 = arith.constant 0 : index
    %get3A_29 = arith.constant 0 : index
    %get3A_30 = arith.constant 0 : index
    %get3A_31 = vector.load %arg4[%get3A_28, %get3A_29, %get3A_30] : memref<4x8x1xf32, #tpu.memory_space<vmem>>, vector<1x8x1xf32>
    %get3A_32 = vector.shape_cast %get3A_31 : vector<1x8x1xf32> to vector<8x1xf32>
    %add3A_33 = vector.broadcast %get3A_32 : vector<8x1xf32> to vector<8x1024xf32>
    %add3A_34 = arith.addf %dot_general3A_27, %add3A_33 : vector<8x1024xf32>
    %gt3A_35 = arith.constant 0.000000e+00 : f32
    %gt3A_36 = vector.broadcast %gt3A_35 : f32 to vector<8x1024xf32>
    %gt3A_37 = arith.cmpf ogt, %add3A_34, %gt3A_36 : vector<8x1024xf32>
    %min3A_38 = arith.constant 0.000000e+00 : f32
    %min3A_39 = vector.broadcast %min3A_38 : f32 to vector<8x1024xf32>
    %min3A_40 = arith.minimumf %add3A_34, %min3A_39 : vector<8x1024xf32>
    %exp3A_41 = math.exp %min3A_40 : vector<8x1024xf32>
    %sub3A_42 = arith.constant 1.000000e+00 : f32
    %sub3A_43 = vector.broadcast %sub3A_42 : f32 to vector<8x1024xf32>
    %sub3A_44 = arith.subf %exp3A_41, %sub3A_43 : vector<8x1024xf32>
    %select_n3A_45 = arith.select %gt3A_37, %add3A_34, %sub3A_44 : vector<8x1024xi1>, vector<8x1024xf32>
    %slice3A_46 = vector.extract_strided_slice %reduce_sum3A_4 {offsets = [1, 0, 0], sizes = [1, 8, 1024], strides = [1, 1, 1]} : vector<4x8x1024xf32> to vector<1x8x1024xf32>
    %squeeze3A_47 = vector.shape_cast %slice3A_46 : vector<1x8x1024xf32> to vector<8x1024xf32>
    %slice3A_48 = vector.extract_strided_slice %reduce_sum3A_10 {offsets = [1, 0], sizes = [1, 1024], strides = [1, 1]} : vector<4x1024xf32> to vector<1x1024xf32>
    %squeeze3A_49 = vector.shape_cast %slice3A_48 : vector<1x1024xf32> to vector<1024xf32>
    %broadcast_in_dim3A_50 = vector.shape_cast %squeeze3A_49 : vector<1024xf32> to vector<1x1024xf32>
    %add3A_51 = arith.constant 1.000000e-16 : f32
    %add3A_52 = vector.broadcast %add3A_51 : f32 to vector<1x1024xf32>
    %add3A_53 = arith.addf %broadcast_in_dim3A_50, %add3A_52 : vector<1x1024xf32>
    %div3A_54 = vector.broadcast %add3A_53 : vector<1x1024xf32> to vector<8x1024xf32>
    %div3A_55 = arith.divf %squeeze3A_47, %div3A_54 : vector<8x1024xf32>
    %gt3A_56 = arith.constant 0.000000e+00 : f32
    %gt3A_57 = vector.broadcast %gt3A_56 : f32 to vector<8x1024xf32>
    %gt3A_58 = arith.cmpf ogt, %div3A_55, %gt3A_57 : vector<8x1024xf32>
    %min3A_59 = arith.constant 0.000000e+00 : f32
    %min3A_60 = vector.broadcast %min3A_59 : f32 to vector<8x1024xf32>
    %min3A_61 = arith.minimumf %div3A_55, %min3A_60 : vector<8x1024xf32>
    %exp3A_62 = math.exp %min3A_61 : vector<8x1024xf32>
    %sub3A_63 = arith.constant 1.000000e+00 : f32
    %sub3A_64 = vector.broadcast %sub3A_63 : f32 to vector<8x1024xf32>
    %sub3A_65 = arith.subf %exp3A_62, %sub3A_64 : vector<8x1024xf32>
    %select_n3A_66 = arith.select %gt3A_58, %div3A_55, %sub3A_65 : vector<8x1024xi1>, vector<8x1024xf32>
    %get3A_67 = arith.constant 1 : index
    %get3A_68 = arith.constant 0 : index
    %get3A_69 = arith.constant 0 : index
    %get3A_70 = vector.load %arg3[%get3A_67, %get3A_68, %get3A_69] : memref<4x8x8xf32, #tpu.memory_space<vmem>>, vector<1x8x8xf32>
    %get3A_71 = vector.shape_cast %get3A_70 : vector<1x8x8xf32> to vector<8x8xf32>
    %dot_general3A_72 = arith.constant dense<0.000000e+00> : vector<8x1024xf32>
    %dot_general3A_73 = tpu.matmul %get3A_71, %select_n3A_66, %dot_general3A_72 {dimension_numbers = #tpu.dot_dimension_numbers<[0], [0], [1], [1], [0, 1, 1, 1], [], []>, transpose_lhs_hint = false} : vector<8x8xf32>, vector<8x1024xf32>, vector<8x1024xf32> -> vector<8x1024xf32>
    %get3A_74 = arith.constant 1 : index
    %get3A_75 = arith.constant 0 : index
    %get3A_76 = arith.constant 0 : index
    %get3A_77 = vector.load %arg4[%get3A_74, %get3A_75, %get3A_76] : memref<4x8x1xf32, #tpu.memory_space<vmem>>, vector<1x8x1xf32>
    %get3A_78 = vector.shape_cast %get3A_77 : vector<1x8x1xf32> to vector<8x1xf32>
    %add3A_79 = vector.broadcast %get3A_78 : vector<8x1xf32> to vector<8x1024xf32>
    %add3A_80 = arith.addf %dot_general3A_73, %add3A_79 : vector<8x1024xf32>
    %gt3A_81 = arith.constant 0.000000e+00 : f32
    %gt3A_82 = vector.broadcast %gt3A_81 : f32 to vector<8x1024xf32>
    %gt3A_83 = arith.cmpf ogt, %add3A_80, %gt3A_82 : vector<8x1024xf32>
    %min3A_84 = arith.constant 0.000000e+00 : f32
    %min3A_85 = vector.broadcast %min3A_84 : f32 to vector<8x1024xf32>
    %min3A_86 = arith.minimumf %add3A_80, %min3A_85 : vector<8x1024xf32>
    %exp3A_87 = math.exp %min3A_86 : vector<8x1024xf32>
    %sub3A_88 = arith.constant 1.000000e+00 : f32
    %sub3A_89 = vector.broadcast %sub3A_88 : f32 to vector<8x1024xf32>
    %sub3A_90 = arith.subf %exp3A_87, %sub3A_89 : vector<8x1024xf32>
    %select_n3A_91 = arith.select %gt3A_83, %add3A_80, %sub3A_90 : vector<8x1024xi1>, vector<8x1024xf32>
    %slice3A_92 = vector.extract_strided_slice %reduce_sum3A_4 {offsets = [2, 0, 0], sizes = [1, 8, 1024], strides = [1, 1, 1]} : vector<4x8x1024xf32> to vector<1x8x1024xf32>
    %squeeze3A_93 = vector.shape_cast %slice3A_92 : vector<1x8x1024xf32> to vector<8x1024xf32>
    %slice3A_94 = vector.extract_strided_slice %reduce_sum3A_10 {offsets = [2, 0], sizes = [1, 1024], strides = [1, 1]} : vector<4x1024xf32> to vector<1x1024xf32>
    %squeeze3A_95 = vector.shape_cast %slice3A_94 : vector<1x1024xf32> to vector<1024xf32>
    %broadcast_in_dim3A_96 = vector.shape_cast %squeeze3A_95 : vector<1024xf32> to vector<1x1024xf32>
    %add3A_97 = arith.constant 1.000000e-16 : f32
    %add3A_98 = vector.broadcast %add3A_97 : f32 to vector<1x1024xf32>
    %add3A_99 = arith.addf %broadcast_in_dim3A_96, %add3A_98 : vector<1x1024xf32>
    %div3A_100 = vector.broadcast %add3A_99 : vector<1x1024xf32> to vector<8x1024xf32>
    %div3A_101 = arith.divf %squeeze3A_93, %div3A_100 : vector<8x1024xf32>
    %gt3A_102 = arith.constant 0.000000e+00 : f32
    %gt3A_103 = vector.broadcast %gt3A_102 : f32 to vector<8x1024xf32>
    %gt3A_104 = arith.cmpf ogt, %div3A_101, %gt3A_103 : vector<8x1024xf32>
    %min3A_105 = arith.constant 0.000000e+00 : f32
    %min3A_106 = vector.broadcast %min3A_105 : f32 to vector<8x1024xf32>
    %min3A_107 = arith.minimumf %div3A_101, %min3A_106 : vector<8x1024xf32>
    %exp3A_108 = math.exp %min3A_107 : vector<8x1024xf32>
    %sub3A_109 = arith.constant 1.000000e+00 : f32
    %sub3A_110 = vector.broadcast %sub3A_109 : f32 to vector<8x1024xf32>
    %sub3A_111 = arith.subf %exp3A_108, %sub3A_110 : vector<8x1024xf32>
    %select_n3A_112 = arith.select %gt3A_104, %div3A_101, %sub3A_111 : vector<8x1024xi1>, vector<8x1024xf32>
    %get3A_113 = arith.constant 2 : index
    %get3A_114 = arith.constant 0 : index
    %get3A_115 = arith.constant 0 : index
    %get3A_116 = vector.load %arg3[%get3A_113, %get3A_114, %get3A_115] : memref<4x8x8xf32, #tpu.memory_space<vmem>>, vector<1x8x8xf32>
    %get3A_117 = vector.shape_cast %get3A_116 : vector<1x8x8xf32> to vector<8x8xf32>
    %dot_general3A_118 = arith.constant dense<0.000000e+00> : vector<8x1024xf32>
    %dot_general3A_119 = tpu.matmul %get3A_117, %select_n3A_112, %dot_general3A_118 {dimension_numbers = #tpu.dot_dimension_numbers<[0], [0], [1], [1], [0, 1, 1, 1], [], []>, transpose_lhs_hint = false} : vector<8x8xf32>, vector<8x1024xf32>, vector<8x1024xf32> -> vector<8x1024xf32>
    %get3A_120 = arith.constant 2 : index
    %get3A_121 = arith.constant 0 : index
    %get3A_122 = arith.constant 0 : index
    %get3A_123 = vector.load %arg4[%get3A_120, %get3A_121, %get3A_122] : memref<4x8x1xf32, #tpu.memory_space<vmem>>, vector<1x8x1xf32>
    %get3A_124 = vector.shape_cast %get3A_123 : vector<1x8x1xf32> to vector<8x1xf32>
    %add3A_125 = vector.broadcast %get3A_124 : vector<8x1xf32> to vector<8x1024xf32>
    %add3A_126 = arith.addf %dot_general3A_119, %add3A_125 : vector<8x1024xf32>
    %gt3A_127 = arith.constant 0.000000e+00 : f32
    %gt3A_128 = vector.broadcast %gt3A_127 : f32 to vector<8x1024xf32>
    %gt3A_129 = arith.cmpf ogt, %add3A_126, %gt3A_128 : vector<8x1024xf32>
    %min3A_130 = arith.constant 0.000000e+00 : f32
    %min3A_131 = vector.broadcast %min3A_130 : f32 to vector<8x1024xf32>
    %min3A_132 = arith.minimumf %add3A_126, %min3A_131 : vector<8x1024xf32>
    %exp3A_133 = math.exp %min3A_132 : vector<8x1024xf32>
    %sub3A_134 = arith.constant 1.000000e+00 : f32
    %sub3A_135 = vector.broadcast %sub3A_134 : f32 to vector<8x1024xf32>
    %sub3A_136 = arith.subf %exp3A_133, %sub3A_135 : vector<8x1024xf32>
    %select_n3A_137 = arith.select %gt3A_129, %add3A_126, %sub3A_136 : vector<8x1024xi1>, vector<8x1024xf32>
    %slice3A_138 = vector.extract_strided_slice %reduce_sum3A_4 {offsets = [3, 0, 0], sizes = [1, 8, 1024], strides = [1, 1, 1]} : vector<4x8x1024xf32> to vector<1x8x1024xf32>
    %squeeze3A_139 = vector.shape_cast %slice3A_138 : vector<1x8x1024xf32> to vector<8x1024xf32>
    %slice3A_140 = vector.extract_strided_slice %reduce_sum3A_10 {offsets = [3, 0], sizes = [1, 1024], strides = [1, 1]} : vector<4x1024xf32> to vector<1x1024xf32>
    %squeeze3A_141 = vector.shape_cast %slice3A_140 : vector<1x1024xf32> to vector<1024xf32>
    %broadcast_in_dim3A_142 = vector.shape_cast %squeeze3A_141 : vector<1024xf32> to vector<1x1024xf32>
    %add3A_143 = arith.constant 1.000000e-16 : f32
    %add3A_144 = vector.broadcast %add3A_143 : f32 to vector<1x1024xf32>
    %add3A_145 = arith.addf %broadcast_in_dim3A_142, %add3A_144 : vector<1x1024xf32>
    %div3A_146 = vector.broadcast %add3A_145 : vector<1x1024xf32> to vector<8x1024xf32>
    %div3A_147 = arith.divf %squeeze3A_139, %div3A_146 : vector<8x1024xf32>
    %gt3A_148 = arith.constant 0.000000e+00 : f32
    %gt3A_149 = vector.broadcast %gt3A_148 : f32 to vector<8x1024xf32>
    %gt3A_150 = arith.cmpf ogt, %div3A_147, %gt3A_149 : vector<8x1024xf32>
    %min3A_151 = arith.constant 0.000000e+00 : f32
    %min3A_152 = vector.broadcast %min3A_151 : f32 to vector<8x1024xf32>
    %min3A_153 = arith.minimumf %div3A_147, %min3A_152 : vector<8x1024xf32>
    %exp3A_154 = math.exp %min3A_153 : vector<8x1024xf32>
    %sub3A_155 = arith.constant 1.000000e+00 : f32
    %sub3A_156 = vector.broadcast %sub3A_155 : f32 to vector<8x1024xf32>
    %sub3A_157 = arith.subf %exp3A_154, %sub3A_156 : vector<8x1024xf32>
    %select_n3A_158 = arith.select %gt3A_150, %div3A_147, %sub3A_157 : vector<8x1024xi1>, vector<8x1024xf32>
    %get3A_159 = arith.constant 3 : index
    %get3A_160 = arith.constant 0 : index
    %get3A_161 = arith.constant 0 : index
    %get3A_162 = vector.load %arg3[%get3A_159, %get3A_160, %get3A_161] : memref<4x8x8xf32, #tpu.memory_space<vmem>>, vector<1x8x8xf32>
    %get3A_163 = vector.shape_cast %get3A_162 : vector<1x8x8xf32> to vector<8x8xf32>
    %dot_general3A_164 = arith.constant dense<0.000000e+00> : vector<8x1024xf32>
    %dot_general3A_165 = tpu.matmul %get3A_163, %select_n3A_158, %dot_general3A_164 {dimension_numbers = #tpu.dot_dimension_numbers<[0], [0], [1], [1], [0, 1, 1, 1], [], []>, transpose_lhs_hint = false} : vector<8x8xf32>, vector<8x1024xf32>, vector<8x1024xf32> -> vector<8x1024xf32>
    %get3A_166 = arith.constant 3 : index
    %get3A_167 = arith.constant 0 : index
    %get3A_168 = arith.constant 0 : index
    %get3A_169 = vector.load %arg4[%get3A_166, %get3A_167, %get3A_168] : memref<4x8x1xf32, #tpu.memory_space<vmem>>, vector<1x8x1xf32>
    %get3A_170 = vector.shape_cast %get3A_169 : vector<1x8x1xf32> to vector<8x1xf32>
    %add3A_171 = vector.broadcast %get3A_170 : vector<8x1xf32> to vector<8x1024xf32>
    %add3A_172 = arith.addf %dot_general3A_165, %add3A_171 : vector<8x1024xf32>
    %gt3A_173 = arith.constant 0.000000e+00 : f32
    %gt3A_174 = vector.broadcast %gt3A_173 : f32 to vector<8x1024xf32>
    %gt3A_175 = arith.cmpf ogt, %add3A_172, %gt3A_174 : vector<8x1024xf32>
    %min3A_176 = arith.constant 0.000000e+00 : f32
    %min3A_177 = vector.broadcast %min3A_176 : f32 to vector<8x1024xf32>
    %min3A_178 = arith.minimumf %add3A_172, %min3A_177 : vector<8x1024xf32>
    %exp3A_179 = math.exp %min3A_178 : vector<8x1024xf32>
    %sub3A_180 = arith.constant 1.000000e+00 : f32
    %sub3A_181 = vector.broadcast %sub3A_180 : f32 to vector<8x1024xf32>
    %sub3A_182 = arith.subf %exp3A_179, %sub3A_181 : vector<8x1024xf32>
    %select_n3A_183 = arith.select %gt3A_175, %add3A_172, %sub3A_182 : vector<8x1024xi1>, vector<8x1024xf32>
    %concatenate3A = tpu.concatenate %select_n3A_45, %select_n3A_91, %select_n3A_137, %select_n3A_183 in 0 : vector<8x1024xf32>, vector<8x1024xf32>, vector<8x1024xf32>, vector<8x1024xf32> -> vector<32x1024xf32>
    %get3A_184 = arith.constant 0 : index
    %get3A_185 = arith.constant 0 : index
    %get3A_186 = vector.load %arg5[%get3A_184, %get3A_185] : memref<32x8xf32, #tpu.memory_space<vmem>>, vector<32x8xf32>
    %dot_general3A_187 = arith.constant dense<0.000000e+00> : vector<8x1024xf32>
    %dot_general3A_188 = tpu.matmul %get3A_186, %concatenate3A, %dot_general3A_187 {dimension_numbers = #tpu.dot_dimension_numbers<[0], [0], [1], [1], [0, 1, 1, 1], [], []>, transpose_lhs_hint = false} : vector<32x8xf32>, vector<32x1024xf32>, vector<8x1024xf32> -> vector<8x1024xf32>
    %iota3A = tpu.iota {dimensions = array<i32: 0>} : vector<8x8xi32>
    %iota3A_189 = tpu.iota {dimensions = array<i32: 1>} : vector<8x8xi32>
    %add3A_190 = arith.constant 0 : i32
    %add3A_191 = vector.broadcast %add3A_190 : i32 to vector<8x8xi32>
    %add3A_192 = arith.addi %iota3A, %add3A_191 : vector<8x8xi32>
    %eq3A = arith.cmpi eq, %add3A_192, %iota3A_189 : vector<8x8xi32>
    %convert_element_type3A = arith.extui %eq3A : vector<8x8xi1> to vector<8x8xi32>
    %convert_element_type3A_193 = arith.sitofp %convert_element_type3A : vector<8x8xi32> to vector<8x8xf32>
    %dot_general3A_194 = arith.constant dense<0.000000e+00> : vector<1024x8xf32>
    %dot_general3A_195 = tpu.matmul %dot_general3A_188, %convert_element_type3A_193, %dot_general3A_194 {dimension_numbers = #tpu.dot_dimension_numbers<[0], [0], [1], [1], [0, 1, 1, 1], [], []>, transpose_lhs_hint = false} : vector<8x1024xf32>, vector<8x8xf32>, vector<1024x8xf32> -> vector<1024x8xf32>
    %broadcast_in_dim3A_196 = arith.constant 0.000000e+00 : f32
    %broadcast_in_dim3A_197 = vector.broadcast %broadcast_in_dim3A_196 : f32 to vector<1024x8xf32>
    %concatenate3A_198 = tpu.concatenate %dot_general3A_195, %broadcast_in_dim3A_197 in 1 : vector<1024x8xf32>, vector<1024x8xf32> -> vector<1024x16xf32>
    %swap3A = arith.constant 0 : index
    %swap3A_199 = arith.constant 0 : index
    %swap3A_200 = vector.load %arg8[%swap3A, %swap3A_199] : memref<1024x16xf32, #tpu.memory_space<vmem>>, vector<1024x16xf32>
    tpu.vector_store %arg8[%swap3A, %swap3A_199], %concatenate3A_198 {strides = array<i32>} : memref<1024x16xf32, #tpu.memory_space<vmem>>, vector<1024x16xf32>,
    %get3A_201 = arith.constant 0 : index
    %get3A_202 = arith.constant 0 : index
    %get3A_203 = vector.load %arg6[%get3A_201, %get3A_202] : memref<8x1xf32, #tpu.memory_space<vmem>>, vector<8x1xf32>
    %dot_general3A_204 = arith.constant dense<0.000000e+00> : vector<1x1024xf32>
    %dot_general3A_205 = tpu.matmul %get3A_203, %dot_general3A_188, %dot_general3A_204 {dimension_numbers = #tpu.dot_dimension_numbers<[0], [0], [1], [1], [0, 1, 1, 1], [], []>, transpose_lhs_hint = false} : vector<8x1xf32>, vector<8x1024xf32>, vector<1x1024xf32> -> vector<1x1024xf32>
    %get3A_206 = arith.constant 0 : index
    %get3A_207 = arith.constant 0 : index
    %get3A_208 = vector.load %arg7[%get3A_206, %get3A_207] : memref<8x1xf32, #tpu.memory_space<vmem>>, vector<8x1xf32>
    %dot_general3A_209 = arith.constant dense<0.000000e+00> : vector<1x1024xf32>
    %dot_general3A_210 = tpu.matmul %get3A_208, %dot_general3A_188, %dot_general3A_209 {dimension_numbers = #tpu.dot_dimension_numbers<[0], [0], [1], [1], [0, 1, 1, 1], [], []>, transpose_lhs_hint = false} : vector<8x1xf32>, vector<8x1024xf32>, vector<1x1024xf32> -> vector<1x1024xf32>
    %broadcast_in_dim3A_211 = vector.shape_cast %dot_general3A_205 : vector<1x1024xf32> to vector<1x1x1024xf32>
    %swap3A_212 = arith.constant 0 : index
    %swap3A_213 = arith.constant 0 : index
    %swap3A_214 = arith.constant 0 : index
    %swap3A_215 = vector.load %arg9[%swap3A_212, %swap3A_213, %swap3A_214] : memref<1x1x1024xf32, #tpu.memory_space<vmem>>, vector<1x1x1024xf32>
    tpu.vector_store %arg9[%swap3A_212, %swap3A_213, %swap3A_214], %broadcast_in_dim3A_211 {strides = array<i32>} : memref<1x1x1024xf32, #tpu.memory_space<vmem>>, vector<1x1x1024xf32>,
    %broadcast_in_dim3A_216 = vector.shape_cast %dot_general3A_210 : vector<1x1024xf32> to vector<1x1x1024xf32>
    %swap3A_217 = arith.constant 0 : index
    %swap3A_218 = arith.constant 0 : index
    %swap3A_219 = arith.constant 0 : index
    %swap3A_220 = vector.load %arg10[%swap3A_217, %swap3A_218, %swap3A_219] : memref<1x1x1024xf32, #tpu.memory_space<vmem>>, vector<1x1x1024xf32>
    tpu.vector_store %arg10[%swap3A_217, %swap3A_218, %swap3A_219], %broadcast_in_dim3A_216 {strides = array<i32>} : memref<1x1x1024xf32, #tpu.memory_space<vmem>>, vector<1x1x1024xf32>,
    %reduce_max3A = vector.shape_cast %dot_general3A_205 : vector<1x1024xf32> to vector<1x1x1024xf32>
    %reduce_max3A_221 = arith.constant dense<0xFF800000> : vector<1xf32>
    %reduce_max3A_222 = vector.multi_reduction <maximumf>, %reduce_max3A, %reduce_max3A_221 [1, 2] : vector<1x1x1024xf32> to vector<1xf32>
    %reduce_max3A_223 = vector.shape_cast %reduce_max3A_222 : vector<1xf32> to vector<1x1x1xf32>
    %reduce_max3A_224 = vector.extract %reduce_max3A_223[0, 0, 0] : f32 from vector<1x1x1xf32>
    %reduce_max3A_225 = vector.shape_cast %dot_general3A_210 : vector<1x1024xf32> to vector<1x1x1024xf32>
    %reduce_max3A_226 = arith.constant dense<0xFF800000> : vector<1xf32>
    %reduce_max3A_227 = vector.multi_reduction <maximumf>, %reduce_max3A_225, %reduce_max3A_226 [1, 2] : vector<1x1x1024xf32> to vector<1xf32>
    %reduce_max3A_228 = vector.shape_cast %reduce_max3A_227 : vector<1xf32> to vector<1x1x1xf32>
    %reduce_max3A_229 = vector.extract %reduce_max3A_228[0, 0, 0] : f32 from vector<1x1x1xf32>
    %eq3A_230 = arith.constant 0 : i32
    %eq3A_231 = arith.cmpi eq, %arg0, %eq3A_230 : i32
    %convert_element_type3A_232 = arith.extui %eq3A_231 : i1 to i32
    %cond3A = arith.constant 0 : i32
    %cond3A_233 = arith.cmpi ne, %convert_element_type3A_232, %cond3A : i32
    scf.if %cond3A_233 {
      %swap3A_243 = arith.constant 0 : index
      %swap3A_244 = memref.load %arg12[%swap3A_243] : memref<2xf32, #tpu.memory_space<smem>>
      memref.store %reduce_max3A_224, %arg12[%swap3A_243] : memref<2xf32, #tpu.memory_space<smem>>
      %swap3A_245 = arith.constant 1 : index
      %swap3A_246 = memref.load %arg12[%swap3A_245] : memref<2xf32, #tpu.memory_space<smem>>
      memref.store %reduce_max3A_229, %arg12[%swap3A_245] : memref<2xf32, #tpu.memory_space<smem>>
    } else {
    }
    %ne3A = arith.constant 0 : i32
    %ne3A_234 = arith.cmpi ne, %arg0, %ne3A : i32
    %convert_element_type3A_235 = arith.extui %ne3A_234 : i1 to i32
    %cond3A_236 = arith.constant 0 : i32
    %cond3A_237 = arith.cmpi ne, %convert_element_type3A_235, %cond3A_236 : i32
    scf.if %cond3A_237 {
      %get3A_243 = arith.constant 0 : index
      %get3A_244 = memref.load %arg12[%get3A_243] : memref<2xf32, #tpu.memory_space<smem>>
      %max3A = arith.maximumf %get3A_244, %reduce_max3A_224 : f32
      %swap3A_245 = arith.constant 0 : index
      %swap3A_246 = memref.load %arg12[%swap3A_245] : memref<2xf32, #tpu.memory_space<smem>>
      memref.store %max3A, %arg12[%swap3A_245] : memref<2xf32, #tpu.memory_space<smem>>
      %get3A_247 = arith.constant 1 : index
      %get3A_248 = memref.load %arg12[%get3A_247] : memref<2xf32, #tpu.memory_space<smem>>
      %max3A_249 = arith.maximumf %get3A_248, %reduce_max3A_229 : f32
      %swap3A_250 = arith.constant 1 : index
      %swap3A_251 = memref.load %arg12[%swap3A_250] : memref<2xf32, #tpu.memory_space<smem>>
      memref.store %max3A_249, %arg12[%swap3A_250] : memref<2xf32, #tpu.memory_space<smem>>
    } else {
    }
    %eq3A_238 = arith.constant 9 : i32
    %eq3A_239 = arith.cmpi eq, %arg0, %eq3A_238 : i32
    %convert_element_type3A_240 = arith.extui %eq3A_239 : i1 to i32
    %cond3A_241 = arith.constant 0 : i32
    %cond3A_242 = arith.cmpi ne, %convert_element_type3A_240, %cond3A_241 : i32
    scf.if %cond3A_242 {
      %get3A_243 = arith.constant 0 : index
      %get3A_244 = memref.load %arg12[%get3A_243] : memref<2xf32, #tpu.memory_space<smem>>
      %get3A_245 = arith.constant 1 : index
      %get3A_246 = memref.load %arg12[%get3A_245] : memref<2xf32, #tpu.memory_space<smem>>
      %add3A_247 = arith.addf %get3A_244, %get3A_246 : f32
      %mul3A = arith.constant 2.000000e-01 : f32
      %mul3A_248 = arith.mulf %mul3A, %add3A_247 : f32
      %max3A = arith.maximumf %add3A_247, %mul3A_248 : f32
      %broadcast_in_dim3A_249 = vector.broadcast %max3A : f32 to vector<1x1x16xf32>
      %swap3A_250 = arith.constant 0 : index
      %swap3A_251 = arith.constant 0 : index
      %swap3A_252 = arith.constant 0 : index
      %swap3A_253 = vector.load %arg11[%swap3A_250, %swap3A_251, %swap3A_252] : memref<1x1x16xf32, #tpu.memory_space<vmem>>, vector<1x1x16xf32>
      tpu.vector_store %arg11[%swap3A_250, %swap3A_251, %swap3A_252], %broadcast_in_dim3A_249 {strides = array<i32>} : memref<1x1x16xf32, #tpu.memory_space<vmem>>, vector<1x1x16xf32>,
    } else {
    }
    return
  }
  func.func @transform_0(%arg0: i32) -> (i32, i32, i32, i32) {
    %c0_i32 = arith.constant 0 : i32
    %c0_i32_0 = arith.constant 0 : i32
    %c0_i32_1 = arith.constant 0 : i32
    %c0_i32_2 = arith.constant 0 : i32
    return %c0_i32, %c0_i32_0, %c0_i32_1, %arg0 : i32, i32, i32, i32
  }
  func.func @transform_1(%arg0: i32) -> (i32, i32, i32) {
    %c0_i32 = arith.constant 0 : i32
    %c0_i32_0 = arith.constant 0 : i32
    %c0_i32_1 = arith.constant 0 : i32
    return %c0_i32, %c0_i32_0, %arg0 : i32, i32, i32
  }
  func.func @transform_2(%arg0: i32) -> (i32, i32, i32) {
    %c0_i32 = arith.constant 0 : i32
    %c0_i32_0 = arith.constant 0 : i32
    %c0_i32_1 = arith.constant 0 : i32
    %c0_i32_2 = arith.constant 0 : i32
    return %c0_i32, %c0_i32_0, %c0_i32_1 : i32, i32, i32
  }
  func.func @transform_3(%arg0: i32) -> (i32, i32, i32) {
    %c0_i32 = arith.constant 0 : i32
    %c0_i32_0 = arith.constant 0 : i32
    %c0_i32_1 = arith.constant 0 : i32
    %c0_i32_2 = arith.constant 0 : i32
    return %c0_i32, %c0_i32_0, %c0_i32_1 : i32, i32, i32
  }
  func.func @transform_4(%arg0: i32) -> (i32, i32) {
    %c0_i32 = arith.constant 0 : i32
    %c0_i32_0 = arith.constant 0 : i32
    %c0_i32_1 = arith.constant 0 : i32
    return %c0_i32, %c0_i32_0 : i32, i32
  }
  func.func @transform_5(%arg0: i32) -> (i32, i32) {
    %c0_i32 = arith.constant 0 : i32
    %c0_i32_0 = arith.constant 0 : i32
    %c0_i32_1 = arith.constant 0 : i32
    return %c0_i32, %c0_i32_0 : i32, i32
  }
  func.func @transform_6(%arg0: i32) -> (i32, i32) {
    %c0_i32 = arith.constant 0 : i32
    %c0_i32_0 = arith.constant 0 : i32
    %c0_i32_1 = arith.constant 0 : i32
    return %c0_i32, %c0_i32_0 : i32, i32
  }
  func.func @transform_7(%arg0: i32) -> (i32, i32) {
    %c0_i32 = arith.constant 0 : i32
    %c0_i32_0 = arith.constant 0 : i32
    return %arg0, %c0_i32 : i32, i32
  }
  func.func @transform_8(%arg0: i32) -> (i32, i32, i32) {
    %c0_i32 = arith.constant 0 : i32
    %c0_i32_0 = arith.constant 0 : i32
    %c0_i32_1 = arith.constant 0 : i32
    return %c0_i32, %c0_i32_0, %arg0 : i32, i32, i32
  }
  func.func @transform_9(%arg0: i32) -> (i32, i32, i32) {
    %c0_i32 = arith.constant 0 : i32
    %c0_i32_0 = arith.constant 0 : i32
    %c0_i32_1 = arith.constant 0 : i32
    return %c0_i32, %c0_i32_0, %arg0 : i32, i32, i32
  }
  func.func @transform_10(%arg0: i32) -> (i32, i32, i32) {
    %c0_i32 = arith.constant 0 : i32
    %c0_i32_0 = arith.constant 0 : i32
    %c0_i32_1 = arith.constant 0 : i32
    %c0_i32_2 = arith.constant 0 : i32
    return %c0_i32, %c0_i32_0, %c0_i32_1 : i32, i32, i32
  }
}

module attributes {stable_mosaic.version = 14 : i64} {
  func.func @_readout_body(%arg0: i32, %arg1: memref<32x1x8x1024xf32, #tpu.memory_space<vmem>>, %arg2: memref<32x1x1024xf32, #tpu.memory_space<vmem>>, %arg3: memref<8x64xf32, #tpu.memory_space<vmem>>, %arg4: memref<64x1xf32, #tpu.memory_space<vmem>>, %arg5: memref<64x128xf32, #tpu.memory_space<vmem>>, %arg6: memref<128x1xf32, #tpu.memory_space<vmem>>, %arg7: memref<128x10xf32, #tpu.memory_space<vmem>>, %arg8: memref<1x10xf32, #tpu.memory_space<vmem>>, %arg9: memref<1x10xf32, #tpu.memory_space<vmem>>, %arg10: memref<128x1xf32, #tpu.memory_space<vmem>>) attributes {dimension_semantics = [#tpu.dimension_semantics<arbitrary>], iteration_bounds = array<i64: 10>, scalar_prefetch = 0 : i64, scratch_operands = 1 : i64, tpu.core_type = #tpu.core_type<tc>, window_params = [{transform_indices = @transform_0, window_bounds = array<i64: 32, 1, 8, 1024>}, {transform_indices = @transform_1, window_bounds = array<i64: 32, 1, 1024>}, {pipeline_mode = #tpu.pipeline_mode<synchronous>, transform_indices = @transform_2, window_bounds = array<i64: 8, 64>}, {pipeline_mode = #tpu.pipeline_mode<synchronous>, transform_indices = @transform_3, window_bounds = array<i64: 64, 1>}, {pipeline_mode = #tpu.pipeline_mode<synchronous>, transform_indices = @transform_4, window_bounds = array<i64: 64, 128>}, {pipeline_mode = #tpu.pipeline_mode<synchronous>, transform_indices = @transform_5, window_bounds = array<i64: 128, 1>}, {pipeline_mode = #tpu.pipeline_mode<synchronous>, transform_indices = @transform_6, window_bounds = array<i64: 128, 10>}, {pipeline_mode = #tpu.pipeline_mode<synchronous>, transform_indices = @transform_7, window_bounds = array<i64: 1, 10>}, {pipeline_mode = #tpu.pipeline_mode<synchronous>, transform_indices = @transform_8, window_bounds = array<i64: 1, 10>}]} {
    %get3A = arith.constant 0 : index
    %get3A_0 = arith.constant 0 : index
    %get3A_1 = arith.constant 0 : index
    %get3A_2 = arith.constant 0 : index
    %get3A_3 = vector.load %arg1[%get3A, %get3A_0, %get3A_1, %get3A_2] : memref<32x1x8x1024xf32, #tpu.memory_space<vmem>>, vector<32x1x8x1024xf32>
    %get3A_4 = vector.shape_cast %get3A_3 : vector<32x1x8x1024xf32> to vector<32x8x1024xf32>
    %reduce_sum3A = arith.constant dense<0.000000e+00> : vector<8x1024xf32>
    %reduce_sum3A_5 = vector.multi_reduction <add>, %get3A_4, %reduce_sum3A [0] : vector<32x8x1024xf32> to vector<8x1024xf32>
    %get3A_6 = arith.constant 0 : index
    %get3A_7 = arith.constant 0 : index
    %get3A_8 = arith.constant 0 : index
    %get3A_9 = vector.load %arg2[%get3A_6, %get3A_7, %get3A_8] : memref<32x1x1024xf32, #tpu.memory_space<vmem>>, vector<32x1x1024xf32>
    %get3A_10 = vector.shape_cast %get3A_9 : vector<32x1x1024xf32> to vector<32x1024xf32>
    %reduce_sum3A_11 = arith.constant dense<0.000000e+00> : vector<1024xf32>
    %reduce_sum3A_12 = vector.multi_reduction <add>, %get3A_10, %reduce_sum3A_11 [0] : vector<32x1024xf32> to vector<1024xf32>
    %broadcast_in_dim3A = vector.shape_cast %reduce_sum3A_12 : vector<1024xf32> to vector<1x1024xf32>
    %add3A = arith.constant 1.000000e-16 : f32
    %add3A_13 = vector.broadcast %add3A : f32 to vector<1x1024xf32>
    %add3A_14 = arith.addf %broadcast_in_dim3A, %add3A_13 : vector<1x1024xf32>
    %div3A = vector.broadcast %add3A_14 : vector<1x1024xf32> to vector<8x1024xf32>
    %div3A_15 = arith.divf %reduce_sum3A_5, %div3A : vector<8x1024xf32>
    %gt3A = arith.constant 0.000000e+00 : f32
    %gt3A_16 = vector.broadcast %gt3A : f32 to vector<8x1024xf32>
    %gt3A_17 = arith.cmpf ogt, %div3A_15, %gt3A_16 : vector<8x1024xf32>
    %min3A = arith.constant 0.000000e+00 : f32
    %min3A_18 = vector.broadcast %min3A : f32 to vector<8x1024xf32>
    %min3A_19 = arith.minimumf %div3A_15, %min3A_18 : vector<8x1024xf32>
    %exp3A = math.exp %min3A_19 : vector<8x1024xf32>
    %sub3A = arith.constant 1.000000e+00 : f32
    %sub3A_20 = vector.broadcast %sub3A : f32 to vector<8x1024xf32>
    %sub3A_21 = arith.subf %exp3A, %sub3A_20 : vector<8x1024xf32>
    %select_n3A = arith.select %gt3A_17, %div3A_15, %sub3A_21 : vector<8x1024xi1>, vector<8x1024xf32>
    %get3A_22 = arith.constant 0 : index
    %get3A_23 = arith.constant 0 : index
    %get3A_24 = vector.load %arg3[%get3A_22, %get3A_23] : memref<8x64xf32, #tpu.memory_space<vmem>>, vector<8x64xf32>
    %dot_general3A = arith.constant dense<0.000000e+00> : vector<64x1024xf32>
    %dot_general3A_25 = tpu.matmul %get3A_24, %select_n3A, %dot_general3A {dimension_numbers = #tpu.dot_dimension_numbers<[0], [0], [1], [1], [0, 1, 1, 1], [], []>, transpose_lhs_hint = false} : vector<8x64xf32>, vector<8x1024xf32>, vector<64x1024xf32> -> vector<64x1024xf32>
    %get3A_26 = arith.constant 0 : index
    %get3A_27 = arith.constant 0 : index
    %get3A_28 = vector.load %arg4[%get3A_26, %get3A_27] : memref<64x1xf32, #tpu.memory_space<vmem>>, vector<64x1xf32>
    %add3A_29 = vector.broadcast %get3A_28 : vector<64x1xf32> to vector<64x1024xf32>
    %add3A_30 = arith.addf %dot_general3A_25, %add3A_29 : vector<64x1024xf32>
    %gt3A_31 = arith.constant 0.000000e+00 : f32
    %gt3A_32 = vector.broadcast %gt3A_31 : f32 to vector<64x1024xf32>
    %gt3A_33 = arith.cmpf ogt, %add3A_30, %gt3A_32 : vector<64x1024xf32>
    %min3A_34 = arith.constant 0.000000e+00 : f32
    %min3A_35 = vector.broadcast %min3A_34 : f32 to vector<64x1024xf32>
    %min3A_36 = arith.minimumf %add3A_30, %min3A_35 : vector<64x1024xf32>
    %exp3A_37 = math.exp %min3A_36 : vector<64x1024xf32>
    %sub3A_38 = arith.constant 1.000000e+00 : f32
    %sub3A_39 = vector.broadcast %sub3A_38 : f32 to vector<64x1024xf32>
    %sub3A_40 = arith.subf %exp3A_37, %sub3A_39 : vector<64x1024xf32>
    %select_n3A_41 = arith.select %gt3A_33, %add3A_30, %sub3A_40 : vector<64x1024xi1>, vector<64x1024xf32>
    %gt3A_42 = arith.constant 0.000000e+00 : f32
    %gt3A_43 = vector.broadcast %gt3A_42 : f32 to vector<64x1024xf32>
    %gt3A_44 = arith.cmpf ogt, %select_n3A_41, %gt3A_43 : vector<64x1024xf32>
    %min3A_45 = arith.constant 0.000000e+00 : f32
    %min3A_46 = vector.broadcast %min3A_45 : f32 to vector<64x1024xf32>
    %min3A_47 = arith.minimumf %select_n3A_41, %min3A_46 : vector<64x1024xf32>
    %exp3A_48 = math.exp %min3A_47 : vector<64x1024xf32>
    %sub3A_49 = arith.constant 1.000000e+00 : f32
    %sub3A_50 = vector.broadcast %sub3A_49 : f32 to vector<64x1024xf32>
    %sub3A_51 = arith.subf %exp3A_48, %sub3A_50 : vector<64x1024xf32>
    %select_n3A_52 = arith.select %gt3A_44, %select_n3A_41, %sub3A_51 : vector<64x1024xi1>, vector<64x1024xf32>
    %get3A_53 = arith.constant 0 : index
    %get3A_54 = arith.constant 0 : index
    %get3A_55 = vector.load %arg5[%get3A_53, %get3A_54] : memref<64x128xf32, #tpu.memory_space<vmem>>, vector<64x128xf32>
    %dot_general3A_56 = arith.constant dense<0.000000e+00> : vector<128x1024xf32>
    %dot_general3A_57 = tpu.matmul %get3A_55, %select_n3A_52, %dot_general3A_56 {dimension_numbers = #tpu.dot_dimension_numbers<[0], [0], [1], [1], [0, 1, 1, 1], [], []>, transpose_lhs_hint = false} : vector<64x128xf32>, vector<64x1024xf32>, vector<128x1024xf32> -> vector<128x1024xf32>
    %get3A_58 = arith.constant 0 : index
    %get3A_59 = arith.constant 0 : index
    %get3A_60 = vector.load %arg6[%get3A_58, %get3A_59] : memref<128x1xf32, #tpu.memory_space<vmem>>, vector<128x1xf32>
    %add3A_61 = vector.broadcast %get3A_60 : vector<128x1xf32> to vector<128x1024xf32>
    %add3A_62 = arith.addf %dot_general3A_57, %add3A_61 : vector<128x1024xf32>
    %gt3A_63 = arith.constant 0.000000e+00 : f32
    %gt3A_64 = vector.broadcast %gt3A_63 : f32 to vector<128x1024xf32>
    %gt3A_65 = arith.cmpf ogt, %add3A_62, %gt3A_64 : vector<128x1024xf32>
    %min3A_66 = arith.constant 0.000000e+00 : f32
    %min3A_67 = vector.broadcast %min3A_66 : f32 to vector<128x1024xf32>
    %min3A_68 = arith.minimumf %add3A_62, %min3A_67 : vector<128x1024xf32>
    %exp3A_69 = math.exp %min3A_68 : vector<128x1024xf32>
    %sub3A_70 = arith.constant 1.000000e+00 : f32
    %sub3A_71 = vector.broadcast %sub3A_70 : f32 to vector<128x1024xf32>
    %sub3A_72 = arith.subf %exp3A_69, %sub3A_71 : vector<128x1024xf32>
    %select_n3A_73 = arith.select %gt3A_65, %add3A_62, %sub3A_72 : vector<128x1024xi1>, vector<128x1024xf32>
    %mul3A = arith.constant 1024 : i32
    %mul3A_74 = arith.muli %arg0, %mul3A : i32
    %iota3A = tpu.iota {dimensions = array<i32: 1>} : vector<128x1024xi32>
    %add3A_75 = vector.broadcast %mul3A_74 : i32 to vector<128x1024xi32>
    %add3A_76 = arith.addi %add3A_75, %iota3A : vector<128x1024xi32>
    %lt3A = arith.constant 10000 : i32
    %lt3A_77 = vector.broadcast %lt3A : i32 to vector<128x1024xi32>
    %lt3A_78 = arith.cmpi slt, %add3A_76, %lt3A_77 : vector<128x1024xi32>
    %jit3A = arith.constant 0.000000e+00 : f32
    %broadcast_in_dim3A_79 = vector.broadcast %jit3A : f32 to vector<128x1024xf32>
    %select_n3A_80 = arith.select %lt3A_78, %select_n3A_73, %broadcast_in_dim3A_79 : vector<128x1024xi1>, vector<128x1024xf32>
    %reduce_sum3A_81 = arith.constant dense<0.000000e+00> : vector<128xf32>
    %reduce_sum3A_82 = vector.multi_reduction <add>, %select_n3A_80, %reduce_sum3A_81 [1] : vector<128x1024xf32> to vector<128xf32>
    %broadcast_in_dim3A_83 = vector.shape_cast %reduce_sum3A_82 : vector<128xf32> to vector<128x1xf32>
    %eq3A = arith.constant 0 : i32
    %eq3A_84 = arith.cmpi eq, %arg0, %eq3A : i32
    %convert_element_type3A = arith.extui %eq3A_84 : i1 to i32
    %cond3A = arith.constant 0 : i32
    %cond3A_85 = arith.cmpi ne, %convert_element_type3A, %cond3A : i32
    scf.if %cond3A_85 {
      %swap3A = arith.constant 0 : index
      %swap3A_95 = arith.constant 0 : index
      %swap3A_96 = vector.load %arg10[%swap3A, %swap3A_95] : memref<128x1xf32, #tpu.memory_space<vmem>>, vector<128x1xf32>
      tpu.vector_store %arg10[%swap3A, %swap3A_95], %broadcast_in_dim3A_83 {strides = array<i32>} : memref<128x1xf32, #tpu.memory_space<vmem>>, vector<128x1xf32>,
    } else {
    }
    %ne3A = arith.constant 0 : i32
    %ne3A_86 = arith.cmpi ne, %arg0, %ne3A : i32
    %convert_element_type3A_87 = arith.extui %ne3A_86 : i1 to i32
    %cond3A_88 = arith.constant 0 : i32
    %cond3A_89 = arith.cmpi ne, %convert_element_type3A_87, %cond3A_88 : i32
    scf.if %cond3A_89 {
      %get3A_95 = arith.constant 0 : index
      %get3A_96 = arith.constant 0 : index
      %get3A_97 = vector.load %arg10[%get3A_95, %get3A_96] : memref<128x1xf32, #tpu.memory_space<vmem>>, vector<128x1xf32>
      %add3A_98 = arith.addf %get3A_97, %broadcast_in_dim3A_83 : vector<128x1xf32>
      %swap3A = arith.constant 0 : index
      %swap3A_99 = arith.constant 0 : index
      %swap3A_100 = vector.load %arg10[%swap3A, %swap3A_99] : memref<128x1xf32, #tpu.memory_space<vmem>>, vector<128x1xf32>
      tpu.vector_store %arg10[%swap3A, %swap3A_99], %add3A_98 {strides = array<i32>} : memref<128x1xf32, #tpu.memory_space<vmem>>, vector<128x1xf32>,
    } else {
    }
    %eq3A_90 = arith.constant 9 : i32
    %eq3A_91 = arith.cmpi eq, %arg0, %eq3A_90 : i32
    %convert_element_type3A_92 = arith.extui %eq3A_91 : i1 to i32
    %cond3A_93 = arith.constant 0 : i32
    %cond3A_94 = arith.cmpi ne, %convert_element_type3A_92, %cond3A_93 : i32
    scf.if %cond3A_94 {
      %get3A_95 = arith.constant 0 : index
      %get3A_96 = arith.constant 0 : index
      %get3A_97 = vector.load %arg10[%get3A_95, %get3A_96] : memref<128x1xf32, #tpu.memory_space<vmem>>, vector<128x1xf32>
      %get3A_98 = arith.constant 0 : index
      %get3A_99 = arith.constant 0 : index
      %get3A_100 = vector.load %arg7[%get3A_98, %get3A_99] : memref<128x10xf32, #tpu.memory_space<vmem>>, vector<128x10xf32>
      %dot_general3A_101 = arith.constant dense<0.000000e+00> : vector<1x10xf32>
      %dot_general3A_102 = tpu.matmul %get3A_97, %get3A_100, %dot_general3A_101 {dimension_numbers = #tpu.dot_dimension_numbers<[0], [0], [1], [1], [0, 1, 1, 1], [], []>, transpose_lhs_hint = false} : vector<128x1xf32>, vector<128x10xf32>, vector<1x10xf32> -> vector<1x10xf32>
      %get3A_103 = arith.constant 0 : index
      %get3A_104 = arith.constant 0 : index
      %get3A_105 = vector.load %arg8[%get3A_103, %get3A_104] : memref<1x10xf32, #tpu.memory_space<vmem>>, vector<1x10xf32>
      %add3A_106 = arith.addf %dot_general3A_102, %get3A_105 : vector<1x10xf32>
      %reduce_max3A = vector.shape_cast %add3A_106 : vector<1x10xf32> to vector<1x1x10xf32>
      %reduce_max3A_107 = arith.constant dense<0xFF800000> : vector<1xf32>
      %reduce_max3A_108 = vector.multi_reduction <maximumf>, %reduce_max3A, %reduce_max3A_107 [1, 2] : vector<1x1x10xf32> to vector<1xf32>
      %reduce_max3A_109 = vector.shape_cast %reduce_max3A_108 : vector<1xf32> to vector<1x1x1xf32>
      %reduce_max3A_110 = vector.extract %reduce_max3A_109[0, 0, 0] : f32 from vector<1x1x1xf32>
      %sub3A_111 = vector.broadcast %reduce_max3A_110 : f32 to vector<1x10xf32>
      %sub3A_112 = arith.subf %add3A_106, %sub3A_111 : vector<1x10xf32>
      %exp3A_113 = math.exp %sub3A_112 : vector<1x10xf32>
      %reduce_sum3A_114 = vector.shape_cast %exp3A_113 : vector<1x10xf32> to vector<1x1x10xf32>
      %reduce_sum3A_115 = arith.constant dense<0.000000e+00> : vector<1xf32>
      %reduce_sum3A_116 = vector.multi_reduction <add>, %reduce_sum3A_114, %reduce_sum3A_115 [1, 2] : vector<1x1x10xf32> to vector<1xf32>
      %reduce_sum3A_117 = vector.shape_cast %reduce_sum3A_116 : vector<1xf32> to vector<1x1x1xf32>
      %reduce_sum3A_118 = vector.extract %reduce_sum3A_117[0, 0, 0] : f32 from vector<1x1x1xf32>
      %log3A = math.log %reduce_sum3A_118 : f32
      %sub3A_119 = vector.broadcast %log3A : f32 to vector<1x10xf32>
      %sub3A_120 = arith.subf %sub3A_112, %sub3A_119 : vector<1x10xf32>
      %swap3A = arith.constant 0 : index
      %swap3A_121 = arith.constant 0 : index
      %swap3A_122 = vector.load %arg9[%swap3A, %swap3A_121] : memref<1x10xf32, #tpu.memory_space<vmem>>, vector<1x10xf32>
      tpu.vector_store %arg9[%swap3A, %swap3A_121], %sub3A_120 {strides = array<i32>} : memref<1x10xf32, #tpu.memory_space<vmem>>, vector<1x10xf32>,
    } else {
    }
    return
  }
  func.func @transform_0(%arg0: i32) -> (i32, i32, i32, i32) {
    %c0_i32 = arith.constant 0 : i32
    %c0_i32_0 = arith.constant 0 : i32
    %c0_i32_1 = arith.constant 0 : i32
    %c0_i32_2 = arith.constant 0 : i32
    return %c0_i32, %c0_i32_0, %c0_i32_1, %arg0 : i32, i32, i32, i32
  }
  func.func @transform_1(%arg0: i32) -> (i32, i32, i32) {
    %c0_i32 = arith.constant 0 : i32
    %c0_i32_0 = arith.constant 0 : i32
    %c0_i32_1 = arith.constant 0 : i32
    return %c0_i32, %c0_i32_0, %arg0 : i32, i32, i32
  }
  func.func @transform_2(%arg0: i32) -> (i32, i32) {
    %c0_i32 = arith.constant 0 : i32
    %c0_i32_0 = arith.constant 0 : i32
    %c0_i32_1 = arith.constant 0 : i32
    return %c0_i32, %c0_i32_0 : i32, i32
  }
  func.func @transform_3(%arg0: i32) -> (i32, i32) {
    %c0_i32 = arith.constant 0 : i32
    %c0_i32_0 = arith.constant 0 : i32
    %c0_i32_1 = arith.constant 0 : i32
    return %c0_i32, %c0_i32_0 : i32, i32
  }
  func.func @transform_4(%arg0: i32) -> (i32, i32) {
    %c0_i32 = arith.constant 0 : i32
    %c0_i32_0 = arith.constant 0 : i32
    %c0_i32_1 = arith.constant 0 : i32
    return %c0_i32, %c0_i32_0 : i32, i32
  }
  func.func @transform_5(%arg0: i32) -> (i32, i32) {
    %c0_i32 = arith.constant 0 : i32
    %c0_i32_0 = arith.constant 0 : i32
    %c0_i32_1 = arith.constant 0 : i32
    return %c0_i32, %c0_i32_0 : i32, i32
  }
  func.func @transform_6(%arg0: i32) -> (i32, i32) {
    %c0_i32 = arith.constant 0 : i32
    %c0_i32_0 = arith.constant 0 : i32
    %c0_i32_1 = arith.constant 0 : i32
    return %c0_i32, %c0_i32_0 : i32, i32
  }
  func.func @transform_7(%arg0: i32) -> (i32, i32) {
    %c0_i32 = arith.constant 0 : i32
    %c0_i32_0 = arith.constant 0 : i32
    %c0_i32_1 = arith.constant 0 : i32
    return %c0_i32, %c0_i32_0 : i32, i32
  }
  func.func @transform_8(%arg0: i32) -> (i32, i32) {
    %c0_i32 = arith.constant 0 : i32
    %c0_i32_0 = arith.constant 0 : i32
    %c0_i32_1 = arith.constant 0 : i32
    return %c0_i32, %c0_i32_0 : i32, i32
  }
}

</mosaic_0001>

<sc_bundles>
// kernel: kernel.10.cloned.1.call-start
scs
__scs_entry_jumppad:
0x0: {  	(pc) =	sbr.rel $0x88, $3  }
0x1: {  	(tag) =	ssettag $0x0;
	lr =	simm.s32 $0x1  }
0x2: {  	[smem:$0x3F91] =	sst lr;
	_ =	strace $0xD0000000  }
0x3: {  	_ = 	snop  }
0x4: {  	_ = 	snop  }
0x5: {  	_ = 	snop  }
0x6: {  	_ = 	snop  }
0x7: {  	_ = 	snop  }
__scs_overlays_trampoline_lowered:
0x8: {  	[smem:$0x3FA0] =	sst s0  }
0x9: {  	[smem:$0x3FA1] =	sst s1  }
0xa: {  	[smem:$0x3FA2] =	sst s2  }
0xb: {  	[smem:$0x3FA3] =	sst s3  }
0xc: {  	[smem:$0x3FA4] =	sst s4  }
0xd: {  	[smem:$0x3FA5] =	sst s5  }
0xe: {  	[smem:$0x3FA6] =	sst s6  }
0xf: {  	[smem:$0x3FA7] =	sst s7  }
0x10: {  	[smem:$0x3FA8] =	sst s8  }
0x11: {  	[smem:$0x3FA9] =	sst s9;
	s0 =	simm.s32 @!p0 $0x0  }
0x12: {  	s1 =	sld [smem:$0x3F8F];
	s0 =	simm.s32 @p0 $0x1  }
0x13: {  	[smem:$0x3FAA] =	sst s0;
	s0 =	simm.s32 @!p1 $0x0  }
0x14: {  	s2 =	sld [smem:$0x3F8E];
	s0 =	simm.s32 @p1 $0x1  }
0x15: {  	[smem:$0x3FAB] =	sst s0;
	s0 =	simm.s32 @!p2 $0x0  }
0x16: {  	s3 =	sld [smem:$0x3FDB];
	s0 =	simm.s32 @p2 $0x1  }
0x17: {  	s4 =	simm.s32 $0x1BF5;
	[smem:$0x3FAD] =	sst s0  }
0x18: {  	s0 =	sld [smem:$0x3F90];
	_ =	swait.ge [sflag:s4], $0x0  }
0x19: {  	s7 =	sld [smem:$0x3F91]  }
0x1a: {  	s8 =	sadd.s32 $0xFFFFE003, lr  }
0x1b: {  	s9 =	sadd.s32 $0xFFFFFEF7, lr;
	s5 =	simm.s32 $0xFFFFFFFF;
	p2 =	slt.u32 s8, $0xFFFFF086  }
0x1c: {  	p1 =	slt.u32 s9, $0xF7A;
	s5 =	simm.s32 @!p2 $0x0  }
0x1d: {  	s5 =	simm.s32 @p1 $0x1;
	p0 =	seq.s32 s7, s2  }
0x1e: {  	s7 =	smul.u32 @!p0 $0xF7A, s2;
	p2 =	seq.s32 @!p0 s5, $0x0  }
0x1f: {  	s9 =	smul.u32 $0xF7A, s1;
	s8 =	simm.s32 @!p0 $0x1BF5;
	p2 =	por !p2, p0  }
0x20: {  	[sflag:s8] =	ssyncset.s32 @!p0 $0xFFFFF086;
	s6 =	sadd.s32 @!p0 s3, s7;
	s7 =	simm.s32 @!p0 $0x108  }
0x21: {  	s3 =	sadd.s32 s3, s9;
	s6 =	sadd.s32 @!p0 $0x88, s6;
	s7 =	simm.s32 @p2 $0x1082  }
0x22: {  	[simem:s7], [sflag:s8] =	dma.local @!p0 [hbm:s6], $0xF7A  }
0x23: {  	s9 =	sor.u32 $0xD0000000, s2;
	s6 =	simm.s32 $0x108;
	_ =	swait.ge @!p0 [sflag:s8], $0x0  }
0x24: {  	s3 =	sadd.s32 $0x88, s3;
	s6 =	simm.s32 @!p1 $0x1082;
	[sflag:s4] =	ssyncset.s32 $0xFFFFF086  }
0x25: {  	[simem:s6], [sflag:s4] =	dma.local [hbm:s3], $0xF7A  }
0x26: {  	[smem:$0x3F91] =	sst s1;
	(tag) =	ssettag s2;
	_ =	strace s9  }
0x27: {  	s1 =	sld [smem:$0x3FA1]  }
0x28: {  	s2 =	sld [smem:$0x3FA2]  }
0x29: {  	s4 =	sld [smem:$0x3FA4]  }
0x2a: {  	p0 =	seq.s32 s5, $0x0;
	s5 =	sld [smem:$0x3FA5]  }
0x2b: {  	s6 =	sld [smem:$0x3FA6]  }
0x2c: {  	s7 =	sld [smem:$0x3FA7]  }
0x2d: {  	s3 =	simm.s32 $0x108;
	s8 =	sld [smem:$0x3FA8]  }
0x2e: {  	s3 =	simm.s32 @!p0 $0x1082;
	s9 =	sld [smem:$0x3FA9]  }
0x2f: {  	lr =	sadd.s32 s0, s3;
	s0 =	sld [smem:$0x3FA0]  }
0x30: {  	s3 =	sld [smem:$0x3FA3]  }
0x31: {  	[smem:$0x3FAC] =	sst s10  }
0x32: {  	s10 =	sld [smem:$0x3FAA];
	_ =	sdelay $0x3  }
0x33: {  	p0 =	seq.s32 s10, $0x1;
	s10 =	sld [smem:$0x3FAC];
	_ =	sdelay $0x3  }
0x34: {  	[smem:$0x3FAC] =	sst s10  }
0x35: {  	s10 =	sld [smem:$0x3FAB];
	_ =	sdelay $0x3  }
0x36: {  	p1 =	seq.s32 s10, $0x1;
	s10 =	sld [smem:$0x3FAC];
	_ =	sdelay $0x3  }
0x37: {  	[smem:$0x3FAC] =	sst s10  }
0x38: {  	s10 =	sld [smem:$0x3FAD]  }
0x39: {  	_ = 	snop;
	(pc) =	sbr.ind lr, $3  }
0x3a: {  	_ = 	snop  }
0x3b: {  	_ = 	snop  }
0x3c: {  	p2 =	seq.s32 s10, $0x1;
	s10 =	sld [smem:$0x3FAC]  }
0x3d: {  	_ =	shalt  }
0x3e: {  	_ =	shalt  }
0x3f: {  	_ =	shalt  }
0x40: {  	_ =	shalt  }
0x41: {  	_ =	shalt  }
0x42: {  	_ =	shalt  }
0x43: {  	_ =	shalt  }
0x44: {  	_ =	shalt  }
0x45: {  	_ =	shalt  }
0x46: {  	_ =	shalt  }
0x47: {  	_ =	shalt  }
0x48: {  	_ =	shalt  }
0x49: {  	_ =	shalt  }
0x4a: {  	_ =	shalt  }
0x4b: {  	_ =	shalt  }
0x4c: {  	_ =	shalt  }
0x4d: {  	_ =	shalt  }
0x4e: {  	_ =	shalt  }
0x4f: {  	_ =	shalt  }
0x50: {  	_ =	shalt  }
0x51: {  	_ =	shalt  }
0x52: {  	_ =	shalt  }
0x53: {  	_ =	shalt  }
0x54: {  	_ =	shalt  }
0x55: {  	_ =	shalt  }
0x56: {  	_ =	shalt  }
0x57: {  	_ =	shalt  }
0x58: {  	_ =	shalt  }
0x59: {  	_ =	shalt  }
0x5a: {  	_ =	shalt  }
0x5b: {  	_ =	shalt  }
0x5c: {  	_ =	shalt  }
0x5d: {  	_ =	shalt  }
0x5e: {  	_ =	shalt  }
0x5f: {  	_ =	shalt  }
0x60: {  	_ =	shalt  }
0x61: {  	_ =	shalt  }
0x62: {  	_ =	shalt  }
0x63: {  	_ =	shalt  }
0x64: {  	_ =	shalt  }
0x65: {  	_ =	shalt  }
0x66: {  	_ =	shalt  }
0x67: {  	_ =	shalt  }
0x68: {  	_ =	shalt  }
0x69: {  	_ =	shalt  }
0x6a: {  	_ =	shalt  }
0x6b: {  	_ =	shalt  }
0x6c: {  	_ =	shalt  }
0x6d: {  	_ =	shalt  }
0x6e: {  	_ =	shalt  }
0x6f: {  	_ =	shalt  }
0x70: {  	_ =	shalt  }
0x71: {  	_ =	shalt  }
0x72: {  	_ =	shalt  }
0x73: {  	_ =	shalt  }
0x74: {  	_ =	shalt  }
0x75: {  	_ =	shalt  }
0x76: {  	_ =	shalt  }
0x77: {  	_ =	shalt  }
0x78: {  	_ =	shalt  }
0x79: {  	_ =	shalt  }
0x7a: {  	_ =	shalt  }
0x7b: {  	_ =	shalt  }
0x7c: {  	_ =	shalt  }
0x7d: {  	_ =	shalt  }
0x7e: {  	_ =	shalt  }
0x7f: {  	_ =	shalt  }
0x80: {  	_ =	shalt  }
0x81: {  	_ =	shalt  }
0x82: {  	_ =	shalt  }
0x83: {  	_ =	shalt  }
0x84: {  	_ =	shalt  }
0x85: {  	_ =	shalt  }
0x86: {  	_ =	shalt  }
0x87: {  	_ =	shalt  }
.Lfunc_end0:
.L_simem_size_0:
called_computation.1_lowered:
.L_overlay_start_0:
0x88: {  	s2 =	sld [smem:$0x3FD9]  }
0x89: {  	s3 =	sld [smem:$0x3FFE];
	_ =	sdelay $0x1  }
0x8a: {  	s1 =	srdreg.scid  }
0x8b: {  	s0 =	sand.u32 $0x1, s1  }
0x8c: {  	s17 =	sshll.u32 s0, $0xA;
	s2 =	sadd.s32 s3, s2  }
0x8d: {  	s2 =	sadd.s32 s2, s17  }
0x8e: {  	[smem:$0x3FB8] =	sst s2  }
0x8f: {  	_ = 	snop  }
0x90: {  	s2 =	sld [smem:$0x3FD0];
	(tm) =	ssettm $0x1  }
0x91: {  	s18 =	sld [smem:$0x3FFB];
	_ =	sdelay $0x3  }
0x92: {  	_ =	strace s18  }
0x93: {  	s3 =	sld [smem:$0x3FFC];
	_ =	sdelay $0x3  }
0x94: {  	_ =	strace s3  }
0x95: {  	s3 =	sld [smem:$0x3FFD];
	_ =	sdelay $0x3  }
0x96: {  	_ =	strace s3  }
0x97: {  	_ =	strace $0x8FFFFFFF  }
0x98: {  	s19 =	sld [smem:$0x3FDB];
	_ =	sdelay $0x1  }
0x99: {  	s4 =	simm.s32 $_scs_section_size  }
0x9a: {  	s5 =	simm.s32 $_size__tile_overlayer_lowered;
	s6 =	simm.s32 $_tile_overlayer_lowered  }
0x9b: {  	s22 =	simm.s32 $0x1BFF;
	s21 =	sshll.u32 s6, $0x1;
	s3 =	sadd.s32 s4, s19  }
0x9c: {  	s7 =	simm.s32 $0x0;
	s20 =	sshll.u32 s5, $0x1;
	s5 =	sadd.s32 s21, s3  }
0x9d: {  	[timem:s7], [sflag:s22] =	dma.local [hbm:s5], s20  }
0x9e: {  	_ =	swait.ge [sflag:s22], s20  }
0x9f: {  	s4 =	ssub.s32 $0x0, s20;
	[sflag:s22] =	ssyncset.done $0x0  }
0xa0: {  	[sflag:s22] =	ssyncadd.s32 s4;
	_ =	sdelay $0x1  }
0xa1: {  	s23 =	simm.s32 $0x1B8B  }
0xa2: {  	_ =	swait.ge [sflag:s23], $0x1  }
0xa3: {  	[sflag:s23] =	ssyncset.done $0x0  }
0xa4: {  	s25 =	simm.s32 $0x1B8E;
	s24 =	sld [smem:$0x3FFE];
	[sflag:s23] =	ssyncadd.s32 $0xFFFFFFFF  }
0xa5: {  	s26 =	simm.s32 $execute0_lowered;
	[smem:$0x3FD2] =	sst s25  }
0xa6: {  	s5 =	sshll.u32 s26, $0x1;
	_ =	strace $0x80000049;
	[dreg:$0x1] =	wrdreg $0xFFFFFFFF  }
0xa7: {  	s28 =	simm.s32 $_size_execute0_lowered;
	s3 =	sadd.s32 s3, s5;
	[dreg:$0x0] =	wrdreg $0x0  }
0xa8: {  	s5 =	sshll.u32 s28, $0x1;
	[dreg:$0x2] =	wrdreg s3  }
0xa9: {  	[dreg:$0x3] =	wrdreg s5  }
0xaa: {  	[dreg:$0x4] =	wrdreg $0xC0  }
0xab: {  	_ =	task [dreg:s7], $0x5FFFF  }
0xac: {  	[dreg:$0x1] =	wrdreg $0xFFFFFFFF  }
0xad: {  	[dreg:$0x0] =	wrdreg $0x60  }
0xae: {  	[dreg:$0x2] =	wrdreg s24  }
0xaf: {  	[dreg:$0x3] =	wrdreg s2  }
0xb0: {  	[dreg:$0x4] =	wrdreg $0x9  }
0xb1: {  	_ =	task.clear_ibuf [dreg:s7], $0x5FFFF;
	_ =	strace $0x90000049  }
0xb2: {  	s29 =	simm.s32 $0x9;
	_ =	strace $0x8000004B  }
0xb3: {  	_ =	swait.ge [sflag:s29], $0x1  }
0xb4: {  	[sflag:s29] =	ssyncadd.s32 $0xFFFFFFFF  }
0xb5: {  	_ =	strace $0x9000004B  }
0xb6: {  	_ =	sfence  }
0xb7: {  	s30 =	sld [smem:$0x0];
	_ =	sdelay $0x2  }
0xb8: {  	s31 =	sshll.u32 s1, $0xD;
	s1 =	sshrl.u32 s1, $0x2  }
0xb9: {  	s3 =	sand.u32 $0x4000, s31;
	s1 =	sadd.s32 s1, s30  }
0xba: {  	s0 =	sor.u32 s3, s0;
	s1 =	sshll.u32 s1, $0x11  }
0xbb: {  	s0 =	sor.u32 s1, s0  }
0xbc: {  	s0 =	sadd.s32 $0x8F2B, s0  }
0xbd: {  	[sflag:s0] =	ssyncadd.remote.s32 $0x1  }
0xbe: {  	_ =	sfence.sel $0xFFFF  }
0xbf: {  	[dreg:$0x0] =	wrdreg $0xFFFFFFFF;
	(pc) =	sbr.abs _section_cstart, $3  }
0xc0: {  	[dreg:$0x1] =	wrdreg $0xFFFFFFFF  }
0xc1: {  	_ =	task.clear_ibuf [dreg:s7], $0x2FFFF;
	_ =	strace $0x9FFFFFFF  }
0xc2: {  	(tm) =	ssettm $0x7FFFFFFF  }
0xc3: {  	_ =	shalt  }
tec
execute0_lowered:
.L_overlay_start_1:
0x0: {  	(tag) =	ssettag $0x1  }
0x1: {  	s0 =	rddreg [dreg:$0x0]  }
0x2: {  	s2 =	rddreg [dreg:$0x1];
	s3 =	simm.s32 $0x0;
	s1 =	srdreg.scid  }
0x3: {  	s4 =	stileid.u32;
	s13 =	simm.s32 $0x3;
	s14 =	simm.s32 $0x2800  }
0x4: {  	s15 =	simm.s32 $0x5000;
	s16 =	simm.s32 $0x1B810;
	s17 =	simm.s32 $0x1BB30  }
0x5: {  	s18 =	simm.s32 $0x1;
	s19 =	simm.s32 $0x320;
	s20 =	simm.s32 $0x1BE50  }
0x6: {  	s21 =	simm.s32 $0x1C490;
	s22 =	simm.s32 $0x2;
	s23 =	simm.s32 $0x19010  }
0x7: {  	s24 =	simm.s32 $0x1C170;
	s25 =	simm.s32 $0x5010;
	s26 =	simm.s32 $0x0  }
0x8: {  	[smem:$0x7FF] =	sst s3;
	s1 =	sand.u32 $0x1, s1;
	s4 =	sshll.u32 s4, $0x1  }
0x9: {  	s5 =	sadd.s32 $0x16800, s0;
	s6 =	sadd.s32 $0x16E00, s0;
	s9 =	sor.u32 s1, s4  }
0xa: {  	s7 =	sadd.s32 $0xCA00, s0;
	s8 =	sadd.s32 $0x2C00, s0;
	s10 =	smul.u32 $0x2800, s9  }
0xb: {  	_ =	strace $0x8000004A;
	s1 =	ssub.s32 $0x2, s1;
	s11 =	smul.u32 $0x500, s9  }
0xc: {  	v2 =	vlaneseq.u32;
	s4 =	sadd.s32 $0x17400, s0;
	s12 =	sshrl.u32 s1, $0x1;
	s9 =	smul.u32 $0x2710, s9  }
0xd: {  	v0 =	vand.u32 $0x7, v2;
	s1 =	ssub.s32 s1, s12;
	s10 =	sadd.s32 s10, s0;
	s0 =	sadd.s32 s11, s0  }
0xe: {  	v1 =	vimm.f32 $0.0e+00;
	v2 =	vshrl.u32 v2, $0x3;
	v3 =	vmul.u32 $0x2800, v0;
	s12 =	smax.u32 s1, $0x1;
	s10 =	sadd.s32 $0x1C400, s10;
	s11 =	sadd.s32 $0x6C400, s0  }
.LBB2_1:
0xf: {  	[tilespmem:s3], [sflag:$0x3] =	stream.linear.gather [hbm4b:s5+s3], $0x2800, $0x38;
	[tilespmem:$0x1F690] =	vst v63  }
0x10: {  	_ =	swait.ge [sflag:s13], $0x2800  }
0x11: {  	[sflag:s13] =	ssyncset.done $0x0  }
0x12: {  	[sflag:s13] =	ssyncadd.s32 $0xFFFFD800  }
0x13: {  	[tilespmem:s14], [sflag:$0x3] =	stream.linear.gather [hbm4b:s6+s3], $0x2800, $0x38;
	[tilespmem:$0x1F690] =	vst v63  }
0x14: {  	_ =	swait.ge [sflag:s13], $0x2800  }
0x15: {  	[sflag:s13] =	ssyncset.done $0x0  }
0x16: {  	[sflag:s13] =	ssyncadd.s32 $0xFFFFD800  }
0x17: {  	[tilespmem:s15], [sflag:$0x3] =	stream.linear.gather [hbm4b:s2+s3], $0x10, $0x38;
	[tilespmem:$0x1F690] =	vst v63  }
0x18: {  	_ =	swait.ge [sflag:s13], $0x10  }
0x19: {  	[sflag:s13] =	ssyncset.done $0x0  }
0x1a: {  	s0 =	simm.s32 $0x5050;
	[sflag:s13] =	ssyncadd.s32 $0xFFFFFFF0  }
0x1b: {  	[tilespmem:s0+$0xFFFFFFC0] =	vst v1  }
0x1c: {  	[tilespmem:s0+$0x30] =	vst v1  }
0x1d: {  	[tilespmem:s0+$0x20] =	vst v1  }
0x1e: {  	[tilespmem:s0+$0x10] =	vst v1  }
0x1f: {  	[tilespmem:s0+$0x0] =	vst v1  }
0x20: {  	[tilespmem:s0+$0xFFFFFFF0] =	vst v1  }
0x21: {  	s28 =	simm.s32 $0x0;
	[tilespmem:s0+$0xFFFFFFE0] =	vst v1  }
.LBB2_2:
0x22: {  	s28 =	sadd.s32 $0x80, s28;
	[tilespmem:s0+$0xFFFFFFD0] =	vst v1;
	s0 =	sadd.s32 $0x80, s0;
	s1 =	simm.s32 $0x7880  }
0x23: {  	[tilespmem:s0+$0xFFFFFFC0] =	vst v1;
	p0 =	slt.u32 s28, $0x2780  }
0x24: {  	[tilespmem:s0+$0x30] =	vst v1  }
.Ltmp0:
0x25: {  	[tilespmem:s0+$0x20] =	vst v1;
	(pc) =	sbr.rel @p0 .LBB2_2-.Ltmp0, $4  }
0x26: {  	[tilespmem:s0+$0x10] =	vst v1  }
0x27: {  	[tilespmem:s0+$0x0] =	vst v1  }
0x28: {  	[tilespmem:s0+$0xFFFFFFF0] =	vst v1  }
0x29: {  	[tilespmem:s0+$0xFFFFFFE0] =	vst v1  }
0x2a: {  	[tilespmem:s0+$0xFFFFFFD0] =	vst v1  }
0x2b: {  	[tilespmem:s1+$0xFFFFFF90] =	vst v1  }
0x2c: {  	[tilespmem:s1+$0x0] =	vst v1  }
0x2d: {  	[tilespmem:s1+$0xFFFFFFF0] =	vst v1  }
0x2e: {  	[tilespmem:s1+$0xFFFFFFE0] =	vst v1  }
0x2f: {  	[tilespmem:s1+$0xFFFFFFD0] =	vst v1  }
0x30: {  	[tilespmem:s1+$0xFFFFFFC0] =	vst v1  }
0x31: {  	s28 =	simm.s32 $0x0;
	s0 =	simm.s32 $0xA080;
	[tilespmem:s1+$0xFFFFFFB0] =	vst v1  }
.LBB2_4:
0x32: {  	s28 =	sadd.s32 $0x80, s28;
	[tilespmem:s1+$0xFFFFFFA0] =	vst v1;
	s1 =	sadd.s32 $0x80, s1  }
0x33: {  	[tilespmem:s1+$0xFFFFFF90] =	vst v1;
	p0 =	slt.u32 s28, $0x2780  }
0x34: {  	[tilespmem:s1+$0x0] =	vst v1  }
.Ltmp1:
0x35: {  	[tilespmem:s1+$0xFFFFFFF0] =	vst v1;
	(pc) =	sbr.rel @p0 .LBB2_4-.Ltmp1, $4  }
0x36: {  	[tilespmem:s1+$0xFFFFFFE0] =	vst v1  }
0x37: {  	[tilespmem:s1+$0xFFFFFFD0] =	vst v1  }
0x38: {  	[tilespmem:s1+$0xFFFFFFC0] =	vst v1  }
0x39: {  	[tilespmem:s1+$0xFFFFFFB0] =	vst v1  }
0x3a: {  	[tilespmem:s1+$0xFFFFFFA0] =	vst v1  }
0x3b: {  	[tilespmem:s0+$0xFFFFFF90] =	vst v1  }
0x3c: {  	[tilespmem:s0+$0x0] =	vst v1  }
0x3d: {  	[tilespmem:s0+$0xFFFFFFF0] =	vst v1  }
0x3e: {  	[tilespmem:s0+$0xFFFFFFE0] =	vst v1  }
0x3f: {  	[tilespmem:s0+$0xFFFFFFD0] =	vst v1  }
0x40: {  	[tilespmem:s0+$0xFFFFFFC0] =	vst v1  }
0x41: {  	s28 =	simm.s32 $0x0;
	[tilespmem:s0+$0xFFFFFFB0] =	vst v1  }
.LBB2_6:
0x42: {  	s28 =	sadd.s32 $0x80, s28;
	[tilespmem:s0+$0xFFFFFFA0] =	vst v1;
	s0 =	sadd.s32 $0x80, s0;
	s1 =	simm.s32 $0xC880  }
0x43: {  	[tilespmem:s0+$0xFFFFFF90] =	vst v1;
	p0 =	slt.u32 s28, $0x2780  }
0x44: {  	[tilespmem:s0+$0x0] =	vst v1  }
.Ltmp2:
0x45: {  	[tilespmem:s0+$0xFFFFFFF0] =	vst v1;
	(pc) =	sbr.rel @p0 .LBB2_6-.Ltmp2, $4  }
0x46: {  	[tilespmem:s0+$0xFFFFFFE0] =	vst v1  }
0x47: {  	[tilespmem:s0+$0xFFFFFFD0] =	vst v1  }
0x48: {  	[tilespmem:s0+$0xFFFFFFC0] =	vst v1  }
0x49: {  	[tilespmem:s0+$0xFFFFFFB0] =	vst v1  }
0x4a: {  	[tilespmem:s0+$0xFFFFFFA0] =	vst v1  }
0x4b: {  	[tilespmem:s1+$0xFFFFFF90] =	vst v1  }
0x4c: {  	[tilespmem:s1+$0x0] =	vst v1  }
0x4d: {  	[tilespmem:s1+$0xFFFFFFF0] =	vst v1  }
0x4e: {  	[tilespmem:s1+$0xFFFFFFE0] =	vst v1  }
0x4f: {  	[tilespmem:s1+$0xFFFFFFD0] =	vst v1  }
0x50: {  	[tilespmem:s1+$0xFFFFFFC0] =	vst v1  }
0x51: {  	s28 =	simm.s32 $0x0;
	s0 =	simm.s32 $0xF080;
	[tilespmem:s1+$0xFFFFFFB0] =	vst v1  }
.LBB2_8:
0x52: {  	s28 =	sadd.s32 $0x80, s28;
	[tilespmem:s1+$0xFFFFFFA0] =	vst v1;
	s1 =	sadd.s32 $0x80, s1  }
0x53: {  	[tilespmem:s1+$0xFFFFFF90] =	vst v1;
	p0 =	slt.u32 s28, $0x2780  }
0x54: {  	[tilespmem:s1+$0x0] =	vst v1  }
.Ltmp3:
0x55: {  	[tilespmem:s1+$0xFFFFFFF0] =	vst v1;
	(pc) =	sbr.rel @p0 .LBB2_8-.Ltmp3, $4  }
0x56: {  	[tilespmem:s1+$0xFFFFFFE0] =	vst v1  }
0x57: {  	[tilespmem:s1+$0xFFFFFFD0] =	vst v1  }
0x58: {  	[tilespmem:s1+$0xFFFFFFC0] =	vst v1  }
0x59: {  	[tilespmem:s1+$0xFFFFFFB0] =	vst v1  }
0x5a: {  	[tilespmem:s1+$0xFFFFFFA0] =	vst v1  }
0x5b: {  	[tilespmem:s0+$0xFFFFFF90] =	vst v1  }
0x5c: {  	[tilespmem:s0+$0x0] =	vst v1  }
0x5d: {  	[tilespmem:s0+$0xFFFFFFF0] =	vst v1  }
0x5e: {  	[tilespmem:s0+$0xFFFFFFE0] =	vst v1  }
0x5f: {  	[tilespmem:s0+$0xFFFFFFD0] =	vst v1  }
0x60: {  	[tilespmem:s0+$0xFFFFFFC0] =	vst v1  }
0x61: {  	s28 =	simm.s32 $0x0;
	[tilespmem:s0+$0xFFFFFFB0] =	vst v1  }
.LBB2_10:
0x62: {  	s28 =	sadd.s32 $0x80, s28;
	[tilespmem:s0+$0xFFFFFFA0] =	vst v1;
	s0 =	sadd.s32 $0x80, s0;
	s1 =	simm.s32 $0x11880  }
0x63: {  	[tilespmem:s0+$0xFFFFFF90] =	vst v1;
	p0 =	slt.u32 s28, $0x2780  }
0x64: {  	[tilespmem:s0+$0x0] =	vst v1  }
.Ltmp4:
0x65: {  	[tilespmem:s0+$0xFFFFFFF0] =	vst v1;
	(pc) =	sbr.rel @p0 .LBB2_10-.Ltmp4, $4  }
0x66: {  	[tilespmem:s0+$0xFFFFFFE0] =	vst v1  }
0x67: {  	[tilespmem:s0+$0xFFFFFFD0] =	vst v1  }
0x68: {  	[tilespmem:s0+$0xFFFFFFC0] =	vst v1  }
0x69: {  	[tilespmem:s0+$0xFFFFFFB0] =	vst v1  }
0x6a: {  	[tilespmem:s0+$0xFFFFFFA0] =	vst v1  }
0x6b: {  	[tilespmem:s1+$0xFFFFFF90] =	vst v1  }
0x6c: {  	[tilespmem:s1+$0x0] =	vst v1  }
0x6d: {  	[tilespmem:s1+$0xFFFFFFF0] =	vst v1  }
0x6e: {  	[tilespmem:s1+$0xFFFFFFE0] =	vst v1  }
0x6f: {  	[tilespmem:s1+$0xFFFFFFD0] =	vst v1  }
0x70: {  	[tilespmem:s1+$0xFFFFFFC0] =	vst v1  }
0x71: {  	s28 =	simm.s32 $0x0;
	s0 =	simm.s32 $0x14080;
	[tilespmem:s1+$0xFFFFFFB0] =	vst v1  }
.LBB2_12:
0x72: {  	s28 =	sadd.s32 $0x80, s28;
	[tilespmem:s1+$0xFFFFFFA0] =	vst v1;
	s1 =	sadd.s32 $0x80, s1  }
0x73: {  	[tilespmem:s1+$0xFFFFFF90] =	vst v1;
	p0 =	slt.u32 s28, $0x2780  }
0x74: {  	[tilespmem:s1+$0x0] =	vst v1  }
.Ltmp5:
0x75: {  	[tilespmem:s1+$0xFFFFFFF0] =	vst v1;
	(pc) =	sbr.rel @p0 .LBB2_12-.Ltmp5, $4  }
0x76: {  	[tilespmem:s1+$0xFFFFFFE0] =	vst v1  }
0x77: {  	[tilespmem:s1+$0xFFFFFFD0] =	vst v1  }
0x78: {  	[tilespmem:s1+$0xFFFFFFC0] =	vst v1  }
0x79: {  	[tilespmem:s1+$0xFFFFFFB0] =	vst v1  }
0x7a: {  	[tilespmem:s1+$0xFFFFFFA0] =	vst v1  }
0x7b: {  	[tilespmem:s0+$0xFFFFFF90] =	vst v1  }
0x7c: {  	[tilespmem:s0+$0x0] =	vst v1  }
0x7d: {  	[tilespmem:s0+$0xFFFFFFF0] =	vst v1  }
0x7e: {  	[tilespmem:s0+$0xFFFFFFE0] =	vst v1  }
0x7f: {  	[tilespmem:s0+$0xFFFFFFD0] =	vst v1  }
0x80: {  	[tilespmem:s0+$0xFFFFFFC0] =	vst v1  }
0x81: {  	s28 =	simm.s32 $0x0;
	[tilespmem:s0+$0xFFFFFFB0] =	vst v1  }
.LBB2_14:
0x82: {  	s28 =	sadd.s32 $0x80, s28;
	[tilespmem:s0+$0xFFFFFFA0] =	vst v1;
	s0 =	sadd.s32 $0x80, s0;
	s1 =	simm.s32 $0x16880  }
0x83: {  	[tilespmem:s0+$0xFFFFFF90] =	vst v1;
	p0 =	slt.u32 s28, $0x2780  }
0x84: {  	[tilespmem:s0+$0x0] =	vst v1  }
.Ltmp6:
0x85: {  	[tilespmem:s0+$0xFFFFFFF0] =	vst v1;
	(pc) =	sbr.rel @p0 .LBB2_14-.Ltmp6, $4  }
0x86: {  	[tilespmem:s0+$0xFFFFFFE0] =	vst v1  }
0x87: {  	[tilespmem:s0+$0xFFFFFFD0] =	vst v1  }
0x88: {  	[tilespmem:s0+$0xFFFFFFC0] =	vst v1  }
0x89: {  	[tilespmem:s0+$0xFFFFFFB0] =	vst v1  }
0x8a: {  	[tilespmem:s0+$0xFFFFFFA0] =	vst v1  }
0x8b: {  	[tilespmem:s1+$0xFFFFFF90] =	vst v1  }
0x8c: {  	[tilespmem:s1+$0x0] =	vst v1  }
0x8d: {  	[tilespmem:s1+$0xFFFFFFF0] =	vst v1  }
0x8e: {  	[tilespmem:s1+$0xFFFFFFE0] =	vst v1  }
0x8f: {  	[tilespmem:s1+$0xFFFFFFD0] =	vst v1  }
0x90: {  	[tilespmem:s1+$0xFFFFFFC0] =	vst v1  }
0x91: {  	s28 =	simm.s32 $0x0;
	s0 =	simm.s32 $0x19050;
	[tilespmem:s1+$0xFFFFFFB0] =	vst v1  }
.LBB2_16:
0x92: {  	s28 =	sadd.s32 $0x80, s28;
	[tilespmem:s1+$0xFFFFFFA0] =	vst v1;
	s1 =	sadd.s32 $0x80, s1  }
0x93: {  	[tilespmem:s1+$0xFFFFFF90] =	vst v1;
	p0 =	slt.u32 s28, $0x2780  }
0x94: {  	[tilespmem:s1+$0x0] =	vst v1  }
.Ltmp7:
0x95: {  	[tilespmem:s1+$0xFFFFFFF0] =	vst v1;
	(pc) =	sbr.rel @p0 .LBB2_16-.Ltmp7, $4  }
0x96: {  	[tilespmem:s1+$0xFFFFFFE0] =	vst v1  }
0x97: {  	[tilespmem:s1+$0xFFFFFFD0] =	vst v1  }
0x98: {  	[tilespmem:s1+$0xFFFFFFC0] =	vst v1  }
0x99: {  	[tilespmem:s1+$0xFFFFFFB0] =	vst v1  }
0x9a: {  	[tilespmem:s1+$0xFFFFFFA0] =	vst v1  }
0x9b: {  	[tilespmem:s0+$0xFFFFFFC0] =	vst v1  }
0x9c: {  	[tilespmem:s0+$0x30] =	vst v1  }
0x9d: {  	[tilespmem:s0+$0x20] =	vst v1  }
0x9e: {  	[tilespmem:s0+$0x10] =	vst v1  }
0x9f: {  	[tilespmem:s0+$0x0] =	vst v1  }
0xa0: {  	[tilespmem:s0+$0xFFFFFFF0] =	vst v1  }
0xa1: {  	s1 =	simm.s32 $0x0;
	[tilespmem:s0+$0xFFFFFFE0] =	vst v1  }
.LBB2_18:
0xa2: {  	s1 =	sadd.s32 $0x80, s1;
	[tilespmem:s0+$0xFFFFFFD0] =	vst v1;
	s0 =	sadd.s32 $0x80, s0  }
0xa3: {  	[tilespmem:s0+$0xFFFFFFC0] =	vst v1;
	p0 =	slt.u32 s1, $0x2780  }
0xa4: {  	[tilespmem:s0+$0x30] =	vst v1  }
.Ltmp8:
0xa5: {  	[tilespmem:s0+$0x20] =	vst v1;
	(pc) =	sbr.rel @p0 .LBB2_18-.Ltmp8, $4  }
0xa6: {  	[tilespmem:s0+$0x10] =	vst v1  }
0xa7: {  	[tilespmem:s0+$0x0] =	vst v1  }
0xa8: {  	[tilespmem:s0+$0xFFFFFFF0] =	vst v1  }
0xa9: {  	[tilespmem:s0+$0xFFFFFFE0] =	vst v1  }
0xaa: {  	[tilespmem:s0+$0xFFFFFFD0] =	vst v1  }
0xab: {  	s28 =	simm.s32 $0x0;
	v4 =	vld [tilespmem:$0x5000]  }
.LBB2_20:
0xac: {  	s0 =	smul.u32 $0x320, s28;
	_ =	sdelay $0x1  }
0xad: {  	s0 =	sadd.s32 s9, s0  }
0xae: {  	s0 =	sshrl.u32 s0, $0x3  }
0xaf: {  	s1 =	sadd.s32 s7, s0  }
0xb0: {  	[tilespmem:s16], [sflag:$0x1] =	stream.linear.gather [hbm4b:s1+s3], $0x320, $0x38;
	[tilespmem:$0x1F690] =	vst v63  }
0xb1: {  	s0 =	sadd.s32 s8, s0  }
0xb2: {  	[tilespmem:s17], [sflag:$0x2] =	stream.linear.gather [hbm4b:s0+s3], $0x320, $0x38;
	[tilespmem:$0x1F690] =	vst v63  }
0xb3: {  	_ =	swait.ge [sflag:s18], $0x320  }
0xb4: {  	[sflag:s18] =	ssyncset.done $0x0  }
0xb5: {  	s29 =	simm.s32 $0x1B860;
	[sflag:s18] =	ssyncadd.s32 $0xFFFFFCE0  }
0xb6: {  	v6 =	vld [tilespmem:s29+$0x40]  }
0xb7: {  	v7 =	vld [tilespmem:s29+$0xFFFFFFC0]  }
0xb8: {  	v8 =	vld [tilespmem:s29+$0xFFFFFFD0]  }
0xb9: {  	v9 =	vld [tilespmem:s29+$0xFFFFFFE0]  }
0xba: {  	s0 =	simm.s32 $0x1BEA0;
	v10 =	vld [tilespmem:s29+$0xFFFFFFF0]  }
0xbb: {  	v5 =	vld [tilespmem:s29+$0x0];
	[tilespmem:s0+$0x40] =	vst v6  }
0xbc: {  	[tilespmem:s0+$0xFFFFFFC0] =	vst v7;
	v6 =	vld [tilespmem:s29+$0x10]  }
0xbd: {  	[tilespmem:s0+$0xFFFFFFD0] =	vst v8;
	v7 =	vld [tilespmem:s29+$0x20]  }
0xbe: {  	[tilespmem:s0+$0xFFFFFFE0] =	vst v9;
	v8 =	vld [tilespmem:s29+$0x30]  }
0xbf: {  	s1 =	simm.s32 $0x0;
	v9 =	vld [tilespmem:s29+$0xFFFFFFB0];
	[tilespmem:s0+$0xFFFFFFF0] =	vst v10;
	s29 =	simm.s32 $0x1B900  }
.LBB2_21:
0xc0: {  	v10 =	vld [tilespmem:s29+$0x40];
	s1 =	sadd.s32 $0xA0, s1;
	[tilespmem:s0+$0x0] =	vst v5  }
0xc1: {  	v11 =	vld [tilespmem:s29+$0xFFFFFFC0];
	p0 =	slt.u32 s1, $0x280;
	[tilespmem:s0+$0x10] =	vst v6  }
0xc2: {  	v12 =	vld [tilespmem:s29+$0xFFFFFFD0];
	[tilespmem:s0+$0x20] =	vst v7  }
0xc3: {  	v13 =	vld [tilespmem:s29+$0xFFFFFFE0];
	[tilespmem:s0+$0x30] =	vst v8  }
0xc4: {  	v14 =	vld [tilespmem:s29+$0xFFFFFFF0];
	[tilespmem:s0+$0xFFFFFFB0] =	vst v9;
	s0 =	sadd.s32 $0xA0, s0  }
.Ltmp9:
0xc5: {  	v5 =	vld [tilespmem:s29+$0x0];
	[tilespmem:s0+$0x40] =	vst v10;
	(pc) =	sbr.rel @p0 .LBB2_21-.Ltmp9, $4  }
0xc6: {  	[tilespmem:s0+$0xFFFFFFC0] =	vst v11;
	v6 =	vld [tilespmem:s29+$0x10]  }
0xc7: {  	[tilespmem:s0+$0xFFFFFFD0] =	vst v12;
	v7 =	vld [tilespmem:s29+$0x20]  }
0xc8: {  	[tilespmem:s0+$0xFFFFFFE0] =	vst v13;
	v8 =	vld [tilespmem:s29+$0x30]  }
0xc9: {  	v9 =	vld [tilespmem:s29+$0xFFFFFFB0];
	[tilespmem:s0+$0xFFFFFFF0] =	vst v14;
	s29 =	sadd.s32 $0xA0, s29  }
0xca: {  	[tilespmem:s0+$0x0] =	vst v5  }
0xcb: {  	[tilespmem:s0+$0x10] =	vst v6  }
0xcc: {  	[tilespmem:s0+$0x20] =	vst v7  }
0xcd: {  	[tilespmem:s0+$0x30] =	vst v8  }
0xce: {  	[tilespmem:s0+$0xFFFFFFB0] =	vst v9  }
0xcf: {  	[tilespmem:s21], [sflag:$0x1] =	stream.indirect.gather [hbm4b:s4+s19], $0x10, s20, s19, $0xb8;
	[tilespmem:$0x1F690] =	vst v63  }
0xd0: {  	_ =	swait.ge [sflag:s22], $0x320  }
0xd1: {  	[sflag:s22] =	ssyncset.done $0x0  }
0xd2: {  	s0 =	simm.s32 $0x1BB50;
	[sflag:s22] =	ssyncadd.s32 $0xFFFFFCE0  }
0xd3: {  	s1 =	simm.s32 $0x1B830;
	v16 =	vld [tilespmem:s0+$0xFFFFFFF0]  }
0xd4: {  	v8 =	vld [tilespmem:s1+$0xFFFFFFF0]  }
0xd5: {  	v5 =	vld [tilespmem:s0+$0xFFFFFFE0]  }
0xd6: {  	v9 =	vld [tilespmem:s1+$0xFFFFFFE0]  }
0xd7: {  	v10 =	vld [tilespmem:s1+$0x0]  }
0xd8: {  	v6 =	vld [tilespmem:s0+$0x0]  }
0xd9: {  	v7 =	vld [tilespmem:s0+$0x10]  }
0xda: {  	v11 =	vld [tilespmem:s1+$0x10]  }
0xdb: {  	v12 =	vld.idx.msk [tilespmem:v16+s14+$0x0], $0xffff  }
0xdc: {  	v8 =	vld.idx.msk [tilespmem:v8+s3+$0x0], $0xffff;
	_ =	sdelay $0x1  }
0xdd: {  	v13 =	vld.idx.msk [tilespmem:v5+s14+$0x0], $0xffff  }
0xde: {  	s1 =	simm.s32 $0x1B870;
	v9 =	vld.idx.msk [tilespmem:v9+s3+$0x0], $0xffff  }
0xdf: {  	v17 =	vld [tilespmem:s1+$0x0]  }
0xe0: {  	v14 =	vld.idx.msk [tilespmem:v10+s3+$0x0], $0xffff;
	v8 =	vadd.f32 v12, v8  }
0xe1: {  	v12 =	vld.idx.msk [tilespmem:v6+s14+$0x0], $0xffff  }
0xe2: {  	v15 =	vld.idx.msk [tilespmem:v7+s14+$0x0], $0xffff;
	v10 =	vmul.f32 $2.000000030e-01, v8  }
0xe3: {  	v9 =	vadd.f32 v13, v9;
	v13 =	vld.idx.msk [tilespmem:v11+s3+$0x0], $0xffff  }
0xe4: {  	v10 =	vmax.f32 v8, v10  }
0xe5: {  	v18 =	vsub.f32 v10, v4  }
0xe6: {  	v14 =	vadd.f32 v12, v14  }
0xe7: {  	v19 =	vld [tilespmem:s1+$0xFFFFFFF0];
	v11 =	vmul.f32 $2.000000030e-01, v9;
	v18 =	vmul.f32 $1.442695020e+00, v18  }
0xe8: {  	s29 =	simm.s32 $0x1BB90;
	v20 =	vld [tilespmem:s1+$0xFFFFFFE0];
	v13 =	vadd.f32 v15, v13;
	v15 =	vmul.f32 $2.000000030e-01, v14  }
0xe9: {  	v8 =	vld [tilespmem:s29+$0xFFFFFFF0];
	v9 =	vmax.f32 v9, v11;
	(erf) = vpow2.f32 v18  }
0xea: {  	v11 =	vld [tilespmem:s29+$0x0];
	v9 =	vsub.f32 v9, v4;
	v14 =	vmax.f32 v14, v15  }
0xeb: {  	v12 =	vld.idx.msk [tilespmem:v17+s3+$0x0], $0xffff;
	v17 =	vmul.f32 $2.000000030e-01, v13;
	v14 =	vsub.f32 v14, v4  }
0xec: {  	v10 =	vld [tilespmem:s29+$0xFFFFFFE0];
	v21 =	vmul.f32 $1.442695020e+00, v9  }
0xed: {  	v22 =	vld [tilespmem:s1+$0x10];
	v13 =	vmax.f32 v13, v17;
	v14 =	vmul.f32 $1.442695020e+00, v14  }
0xee: {  	v9 =	vld [tilespmem:s29+$0x10];
	(erf) = vpow2.f32 v21;
	v13 =	vsub.f32 v13, v4  }
0xef: {  	(erf) = vpow2.f32 v14  }
0xf0: {  	v18 =	vld.idx.msk [tilespmem:v20+s3+$0x0], $0xffff;
	v20 =	vmul.f32 $1.442695020e+00, v13  }
0xf1: {  	v19 =	vld.idx.msk [tilespmem:v19+s3+$0x0], $0xffff  }
0xf2: {  	v63 =	vld.idx.msk [tilespmem:v8+s14+$0x0], $0xffff;
	v23 =	vpop (erf);
	(erf) = vpow2.f32 v20  }
0xf3: {  	v17 =	vld.idx.msk [tilespmem:v11+s14+$0x0], $0xffff  }
0xf4: {  	v15 =	vld.idx.msk [tilespmem:v10+s14+$0x0], $0xffff  }
0xf5: {  	s30 =	simm.s32 $0x1C190;
	v14 =	vld.idx.msk [tilespmem:v22+s3+$0x0], $0xffff  }
0xf6: {  	v13 =	vld.idx.msk [tilespmem:v9+s14+$0x0], $0xffff;
	[tilespmem:s30+$0xFFFFFFF0] =	vst v23  }
0xf7: {  	s31 =	simm.s32 $0x1C190;
	s0 =	simm.s32 $0x40;
	s1 =	simm.s32 $0x1B8B0;
	v19 =	vadd.f32 v63, v19;
	[tilespmem:v16+s23+$0x0] =	vst.idx.add.f32.msk $0xffff, v23;
	v16 =	vpop (erf)  }
.LBB2_23:
0xf8: {  	v20 =	vld [tilespmem:s1+$0x0];
	s0 =	sadd.s32 $0x40, s0;
	s29 =	sadd.s32 $0x40, s29;
	[tilespmem:s30+$0xFFFFFFE0] =	vst v16;
	s31 =	sadd.s32 $0x40, s31;
	v21 =	vpop (erf)  }
0xf9: {  	v15 =	vadd.f32 v15, v18;
	v22 =	vld [tilespmem:s1+$0xFFFFFFF0];
	p0 =	slt.u32 s0, $0x2C0;
	v24 =	vmul.f32 $2.000000030e-01, v19;
	[tilespmem:s30+$0x0] =	vst v21  }
0xfa: {  	v12 =	vadd.f32 v17, v12;
	[tilespmem:v5+s23+$0x0] =	vst.idx.add.f32.msk $0xffff, v16;
	v5 =	vmov v10  }
0xfb: {  	v16 =	vmul.f32 $2.000000030e-01, v15;
	v23 =	vld [tilespmem:s29+$0xFFFFFFF0];
	v17 =	vmax.f32 v19, v24;
	v18 =	vpop (erf)  }
0xfc: {  	v19 =	vmul.f32 $2.000000030e-01, v12;
	v13 =	vadd.f32 v13, v14;
	v10 =	vld [tilespmem:s29+$0xFFFFFFE0];
	v17 =	vsub.f32 v17, v4;
	[tilespmem:s30+$0x10] =	vst v18;
	s30 =	smov.u32 s31  }
0xfd: {  	v14 =	vmax.f32 v15, v16;
	[tilespmem:v6+s23+$0x0] =	vst.idx.add.f32.msk $0xffff, v21;
	v6 =	vmov v11  }
0xfe: {  	v14 =	vsub.f32 v14, v4;
	v11 =	vmax.f32 v12, v19;
	v15 =	vmul.f32 $1.442695020e+00, v17;
	[tilespmem:v7+s23+$0x0] =	vst.idx.add.f32.msk $0xffff, v18  }
0xff: {  	v12 =	vsub.f32 v11, v4;
	v17 =	vmul.f32 $2.000000030e-01, v13;
	v7 =	vmov v9;
	v16 =	vld [tilespmem:s1+$0xFFFFFFE0]  }
0x100: {  	v14 =	vmul.f32 $1.442695020e+00, v14;
	v11 =	vld [tilespmem:s29+$0x0];
	(erf) = vpow2.f32 v15  }
0x101: {  	v15 =	vmul.f32 $1.442695020e+00, v12;
	v12 =	vmax.f32 v13, v17;
	v9 =	vld [tilespmem:s29+$0x10]  }
0x102: {  	v13 =	vsub.f32 v12, v4;
	v19 =	vld [tilespmem:s1+$0x10];
	(erf) = vpow2.f32 v14  }
0x103: {  	v12 =	vld.idx.msk [tilespmem:v20+s3+$0x0], $0xffff;
	(erf) = vpow2.f32 v15  }
0x104: {  	v13 =	vmul.f32 $1.442695020e+00, v13;
	v20 =	vld.idx.msk [tilespmem:v23+s14+$0x0], $0xffff  }
0x105: {  	v21 =	vld.idx.msk [tilespmem:v22+s3+$0x0], $0xffff  }
0x106: {  	v15 =	vld.idx.msk [tilespmem:v10+s14+$0x0], $0xffff;
	(erf) = vpow2.f32 v13  }
.Ltmp10:
0x107: {  	v18 =	vld.idx.msk [tilespmem:v16+s3+$0x0], $0xffff;
	(pc) =	sbr.rel @p0 .LBB2_23-.Ltmp10, $4  }
0x108: {  	v17 =	vld.idx.msk [tilespmem:v11+s14+$0x0], $0xffff  }
0x109: {  	v13 =	vld.idx.msk [tilespmem:v9+s14+$0x0], $0xffff;
	v16 =	vpop (erf)  }
0x10a: {  	v14 =	vld.idx.msk [tilespmem:v19+s3+$0x0], $0xffff;
	[tilespmem:s31+$0xFFFFFFF0] =	vst v16  }
0x10b: {  	s1 =	sadd.s32 $0x40, s1;
	v19 =	vadd.f32 v20, v21;
	[tilespmem:v8+s23+$0x0] =	vst.idx.add.f32.msk $0xffff, v16;
	v16 =	vpop (erf);
	v8 =	vmov v23  }
0x10c: {  	v15 =	vadd.f32 v15, v18  }
0x10d: {  	v55 =	vmul.f32 $2.000000030e-01, v19;
	v12 =	vadd.f32 v17, v12  }
0x10e: {  	v56 =	vmul.f32 $2.000000030e-01, v15  }
0x10f: {  	v18 =	vmax.f32 v19, v55;
	v57 =	vmul.f32 $2.000000030e-01, v12  }
0x110: {  	v13 =	vadd.f32 v13, v14;
	v18 =	vsub.f32 v18, v4;
	v58 =	vmax.f32 v15, v56  }
0x111: {  	v14 =	vsub.f32 v58, v4  }
0x112: {  	v12 =	vmax.f32 v12, v57;
	v60 =	vmul.f32 $2.000000030e-01, v13;
	v59 =	vmul.f32 $1.442695020e+00, v18  }
0x113: {  	v12 =	vsub.f32 v12, v4  }
0x114: {  	v14 =	vmul.f32 $1.442695020e+00, v14;
	v13 =	vmax.f32 v13, v60;
	(erf) = vpow2.f32 v59  }
0x115: {  	v12 =	vmul.f32 $1.442695020e+00, v12;
	v13 =	vsub.f32 v13, v4  }
0x116: {  	(erf) = vpow2.f32 v14  }
0x117: {  	(erf) = vpow2.f32 v12;
	v61 =	vmul.f32 $1.442695020e+00, v13  }
0x118: {  	[tilespmem:s30+$0xFFFFFFE0] =	vst v16;
	v62 =	vpop (erf)  }
0x119: {  	[tilespmem:s30+$0x0] =	vst v62;
	(erf) = vpow2.f32 v61  }
0x11a: {  	[tilespmem:v5+s23+$0x0] =	vst.idx.add.f32.msk $0xffff, v16  }
0x11b: {  	[tilespmem:v6+s23+$0x0] =	vst.idx.add.f32.msk $0xffff, v62;
	v63 =	vpop (erf)  }
0x11c: {  	[tilespmem:s30+$0x10] =	vst v63  }
0x11d: {  	s0 =	sadd.s32 $0x40, s31;
	[tilespmem:v7+s23+$0x0] =	vst.idx.add.f32.msk $0xffff, v63;
	v5 =	vpop (erf)  }
0x11e: {  	[tilespmem:s0+$0xFFFFFFF0] =	vst v5  }
0x11f: {  	[tilespmem:v8+s23+$0x0] =	vst.idx.add.f32.msk $0xffff, v5;
	v5 =	vpop (erf)  }
0x120: {  	[tilespmem:s0+$0xFFFFFFE0] =	vst v5;
	v6 =	vpop (erf)  }
0x121: {  	[tilespmem:s0+$0x0] =	vst v6  }
0x122: {  	[tilespmem:v10+s23+$0x0] =	vst.idx.add.f32.msk $0xffff, v5;
	v5 =	vpop (erf)  }
0x123: {  	[tilespmem:s0+$0x10] =	vst v5  }
0x124: {  	s1 =	simm.s32 $0x1BB10;
	[tilespmem:v11+s23+$0x0] =	vst.idx.add.f32.msk $0xffff, v6  }
0x125: {  	s29 =	simm.s32 $0x2F0;
	s30 =	simm.s32 $0x1C470;
	s0 =	simm.s32 $0x1BE30;
	[tilespmem:v9+s23+$0x0] =	vst.idx.add.f32.msk $0xffff, v5  }
.LBB2_25:
0x126: {  	v5 =	vld [tilespmem:s1+$0x0]  }
0x127: {  	v6 =	vld [tilespmem:s0+$0x0];
	_ =	sdelay $0x6  }
0x128: {  	v5 =	vld.idx.msk [tilespmem:v5+s3+$0x0], $0xffff  }
0x129: {  	v7 =	vld.idx.msk [tilespmem:v6+s14+$0x0], $0xffff;
	_ =	sdelay $0x4  }
0x12a: {  	v5 =	vadd.f32 v7, v5;
	_ =	sdelay $0x1  }
0x12b: {  	v7 =	vmul.f32 $2.000000030e-01, v5;
	_ =	sdelay $0x1  }
0x12c: {  	v5 =	vmax.f32 v5, v7  }
0x12d: {  	v5 =	vsub.f32 v5, v4;
	_ =	sdelay $0x1  }
0x12e: {  	v5 =	vmul.f32 $1.442695020e+00, v5;
	_ =	sdelay $0x1  }
0x12f: {  	(erf) = vpow2.f32 v5;
	_ =	sdelay $0x4  }
0x130: {  	s29 =	sadd.s32 $0x10, s29  }
0x131: {  	p0 =	slt.u32 s29, $0x310  }
.Ltmp11:
0x132: {  	_ = 	snop;
	(pc) =	sbr.rel @p0 .LBB2_25-.Ltmp11, $4  }
0x133: {  	_ = 	snop  }
0x134: {  	v5 =	vpop (erf)  }
0x135: {  	[tilespmem:s30+$0x0] =	vst v5  }
0x136: {  	s0 =	sadd.s32 $0x10, s0;
	s1 =	sadd.s32 $0x10, s1;
	s30 =	sadd.s32 $0x10, s30;
	[tilespmem:v6+s23+$0x0] =	vst.idx.add.f32.msk $0xffff, v5  }
0x137: {  	v5 =	vadd.s32 $0xE, v2  }
0x138: {  	_ =	swait.ge [sflag:s18], $0x3200;
	v6 =	vadd.s32 $0x2, v2  }
0x139: {  	[sflag:s18] =	ssyncset.done $0x0  }
0x13a: {  	v8 =	vadd.s32 $0x4, v2;
	[sflag:s18] =	ssyncadd.s32 $0xFFFFCE00  }
0x13b: {  	v10 =	vld.idx.msk [tilespmem:v2+s24+$0x0], $0xffff  }
0x13c: {  	v13 =	vld.idx.msk [tilespmem:v5+s17+$0x0], $0xffff  }
0x13d: {  	v19 =	vadd.s32 $0xC, v2;
	v25 =	vadd.s32 $0x10, v2;
	v16 =	vld.idx.msk [tilespmem:v6+s24+$0x0], $0xffff  }
0x13e: {  	v7 =	vshll.u32 v5, $0x4;
	v27 =	vadd.s32 $0x8, v25;
	v5 =	vld.idx.msk [tilespmem:v5+s24+$0x0], $0xffff  }
0x13f: {  	v30 =	vadd.s32 $0xA, v25;
	v22 =	vld.idx.msk [tilespmem:v8+s24+$0x0], $0xffff  }
0x140: {  	v9 =	vshll.u32 v6, $0x4;
	v32 =	vadd.s32 $0xC, v25;
	v6 =	vld.idx.msk [tilespmem:v6+s17+$0x0], $0xffff  }
0x141: {  	v12 =	vshll.u32 v8, $0x4;
	v8 =	vld.idx.msk [tilespmem:v8+s17+$0x0], $0xffff  }
0x142: {  	v7 =	vor.u32 v0, v7;
	v24 =	vld.idx.msk [tilespmem:v19+s24+$0x0], $0xffff  }
0x143: {  	v11 =	vadd.s32 $0x6, v2;
	v9 =	vor.u32 v0, v9;
	v61 =	vld.idx.msk [tilespmem:v27+s24+$0x0], $0xffff  }
0x144: {  	v14 =	vadd.s32 $0x8, v2;
	v15 =	vshll.u32 v11, $0x4;
	v12 =	vor.u32 v0, v12;
	v62 =	vld.idx.msk [tilespmem:v30+s24+$0x0], $0xffff  }
0x145: {  	v17 =	vadd.s32 $0xA, v2;
	v18 =	vshll.u32 v14, $0x4;
	v15 =	vor.u32 v0, v15;
	v37 =	vld.idx.msk [tilespmem:v32+s24+$0x0], $0xffff  }
0x146: {  	v20 =	vshll.u32 v17, $0x4;
	v18 =	vor.u32 v0, v18;
	v31 =	vshll.u32 v27, $0x4;
	v27 =	vld.idx.msk [tilespmem:v27+s17+$0x0], $0xffff  }
0x147: {  	v20 =	vor.u32 v0, v20;
	v7 =	vld.idx.msk [tilespmem:v7+s21+$0x0], $0xffff  }
0x148: {  	v33 =	vshll.u32 v30, $0x4;
	v31 =	vor.u32 v0, v31;
	v9 =	vld.idx.msk [tilespmem:v9+s21+$0x0], $0xffff  }
0x149: {  	v21 =	vshll.u32 v19, $0x4;
	v33 =	vor.u32 v0, v33;
	v12 =	vld.idx.msk [tilespmem:v12+s21+$0x0], $0xffff  }
0x14a: {  	v21 =	vor.u32 v0, v21;
	v15 =	vld.idx.msk [tilespmem:v15+s21+$0x0], $0xffff  }
0x14b: {  	v18 =	vld.idx.msk [tilespmem:v18+s21+$0x0], $0xffff  }
0x14c: {  	v20 =	vld.idx.msk [tilespmem:v20+s21+$0x0], $0xffff  }
0x14d: {  	v31 =	vld.idx.msk [tilespmem:v31+s21+$0x0], $0xffff  }
0x14e: {  	v33 =	vld.idx.msk [tilespmem:v33+s21+$0x0], $0xffff  }
0x14f: {  	v23 =	vshll.u32 v2, $0x4;
	v13 =	vadd.s32 v3, v13;
	v5 =	vmul.f32 v5, v7;
	v7 =	vld.idx.msk [tilespmem:v21+s21+$0x0], $0xffff  }
0x150: {  	v23 =	vor.u32 v0, v23;
	v21 =	vld.idx.msk [tilespmem:v14+s24+$0x0], $0xffff  }
0x151: {  	v14 =	vld.idx.msk [tilespmem:v14+s17+$0x0], $0xffff  }
0x152: {  	v9 =	vmul.f32 v16, v9;
	v16 =	vld.idx.msk [tilespmem:v19+s17+$0x0], $0xffff  }
0x153: {  	v19 =	vld.idx.msk [tilespmem:v2+s17+$0x0], $0xffff  }
0x154: {  	[tilespmem:v13+s25+$0x0] =	vst.idx.add.f32.msk $0xffff, v5  }
0x155: {  	v8 =	vadd.s32 v3, v8;
	v5 =	vld.idx.msk [tilespmem:v23+s21+$0x0], $0xffff  }
0x156: {  	v6 =	vadd.s32 v3, v6;
	v13 =	vld.idx.msk [tilespmem:v11+s24+$0x0], $0xffff  }
0x157: {  	v12 =	vmul.f32 v22, v12;
	v22 =	vadd.s32 $0xE, v25;
	v11 =	vld.idx.msk [tilespmem:v11+s17+$0x0], $0xffff  }
0x158: {  	v23 =	vld.idx.msk [tilespmem:v17+s24+$0x0], $0xffff  }
0x159: {  	v17 =	vld.idx.msk [tilespmem:v17+s17+$0x0], $0xffff  }
0x15a: {  	[tilespmem:v8+s25+$0x0] =	vst.idx.add.f32.msk $0xffff, v12;
	v8 =	vadd.s32 $0x4, v25  }
0x15b: {  	[tilespmem:v6+s25+$0x0] =	vst.idx.add.f32.msk $0xffff, v9;
	v6 =	vshll.u32 v22, $0x4;
	v12 =	vadd.s32 $0x6, v25  }
0x15c: {  	v6 =	vor.u32 v0, v6;
	v26 =	vld.idx.msk [tilespmem:v22+s17+$0x0], $0xffff  }
0x15d: {  	v22 =	vld.idx.msk [tilespmem:v22+s24+$0x0], $0xffff  }
0x15e: {  	v28 =	vshll.u32 v12, $0x4;
	v63 =	vadd.s32 v3, v16;
	v16 =	vld.idx.msk [tilespmem:v25+s17+$0x0], $0xffff  }
0x15f: {  	v28 =	vor.u32 v0, v28;
	v35 =	vld.idx.msk [tilespmem:v8+s24+$0x0], $0xffff  }
0x160: {  	v11 =	vadd.s32 v3, v11;
	v60 =	vld.idx.msk [tilespmem:v12+s24+$0x0], $0xffff  }
0x161: {  	v6 =	vld.idx.msk [tilespmem:v6+s21+$0x0], $0xffff  }
0x162: {  	v13 =	vmul.f32 v13, v15;
	v15 =	vadd.s32 $0x2, v25;
	v39 =	vld.idx.msk [tilespmem:v8+s17+$0x0], $0xffff  }
0x163: {  	v36 =	vshll.u32 v25, $0x4;
	v40 =	vld.idx.msk [tilespmem:v12+s17+$0x0], $0xffff;
	v26 =	vadd.s32 v3, v26  }
0x164: {  	v36 =	vor.u32 v0, v36;
	v28 =	vld.idx.msk [tilespmem:v28+s21+$0x0], $0xffff  }
0x165: {  	v34 =	vshll.u32 v32, $0x4;
	[tilespmem:v11+s25+$0x0] =	vst.idx.add.f32.msk $0xffff, v13  }
0x166: {  	v34 =	vor.u32 v0, v34;
	v9 =	vshll.u32 v15, $0x4;
	v11 =	vld.idx.msk [tilespmem:v25+s24+$0x0], $0xffff;
	v6 =	vmul.f32 v22, v6  }
0x167: {  	v9 =	vor.u32 v0, v9;
	v13 =	vshll.u32 v8, $0x4;
	v29 =	vld.idx.msk [tilespmem:v15+s24+$0x0], $0xffff  }
0x168: {  	v13 =	vor.u32 v0, v13;
	[tilespmem:v26+s25+$0x0] =	vst.idx.add.f32.msk $0xffff, v6  }
0x169: {  	v5 =	vmul.f32 v10, v5;
	v10 =	vadd.s32 v3, v14;
	v6 =	vld.idx.msk [tilespmem:v36+s21+$0x0], $0xffff  }
0x16a: {  	v20 =	vmul.f32 v23, v20;
	v23 =	vadd.s32 v3, v17;
	v38 =	vld.idx.msk [tilespmem:v15+s17+$0x0], $0xffff  }
0x16b: {  	v22 =	vld.idx.msk [tilespmem:v34+s21+$0x0], $0xffff  }
0x16c: {  	v21 =	vmul.f32 v21, v18;
	v9 =	vld.idx.msk [tilespmem:v9+s21+$0x0], $0xffff  }
0x16d: {  	v24 =	vmul.f32 v24, v7;
	v13 =	vld.idx.msk [tilespmem:v13+s21+$0x0], $0xffff  }
0x16e: {  	[tilespmem:v10+s25+$0x0] =	vst.idx.add.f32.msk $0xffff, v21;
	v18 =	vmul.f32 v11, v6;
	v11 =	vadd.s32 v3, v19  }
0x16f: {  	v8 =	vmul.f32 v62, v33;
	[tilespmem:v23+s25+$0x0] =	vst.idx.add.f32.msk $0xffff, v20;
	v21 =	vadd.s32 v3, v38  }
0x170: {  	v12 =	vld.idx.msk [tilespmem:v30+s17+$0x0], $0xffff;
	v20 =	vadd.s32 v3, v40;
	v17 =	vmul.f32 v60, v28;
	v19 =	vadd.s32 v3, v39  }
0x171: {  	[tilespmem:v63+s25+$0x0] =	vst.idx.add.f32.msk $0xffff, v24;
	v10 =	vadd.s32 $0x10, v25;
	v7 =	vmul.f32 v37, v22;
	v14 =	vmul.f32 v29, v9  }
0x172: {  	s29 =	simm.s32 $0x10;
	v9 =	vadd.s32 v3, v27;
	v6 =	vmul.f32 v61, v31;
	v15 =	vmul.f32 v35, v13;
	v13 =	vld.idx.msk [tilespmem:v32+s17+$0x0], $0xffff  }
.LBB2_27:
0x173: {  	v22 =	vadd.s32 $0x2, v10;
	v23 =	vadd.s32 $0x4, v10;
	v24 =	vadd.s32 $0xE, v10;
	s29 =	sadd.s32 $0x10, s29;
	[tilespmem:v11+s25+$0x0] =	vst.idx.add.f32.msk $0xffff, v5;
	v5 =	vmovc v18  }
0x174: {  	v25 =	vadd.s32 $0x6, v10;
	v26 =	vadd.s32 $0x8, v10;
	v27 =	vadd.s32 $0xA, v10;
	p0 =	slt.u32 s29, $0x310;
	[tilespmem:v21+s25+$0x0] =	vst.idx.add.f32.msk $0xffff, v14  }
0x175: {  	v11 =	vshll.u32 v22, $0x4;
	v21 =	vadd.s32 $0xC, v10;
	v14 =	vshll.u32 v24, $0x4;
	[tilespmem:v19+s25+$0x0] =	vst.idx.add.f32.msk $0xffff, v15  }
0x176: {  	v18 =	vshll.u32 v25, $0x4;
	v15 =	vshll.u32 v23, $0x4;
	v14 =	vor.u32 v0, v14;
	[tilespmem:v20+s25+$0x0] =	vst.idx.add.f32.msk $0xffff, v17  }
0x177: {  	v19 =	vshll.u32 v26, $0x4;
	v28 =	vshll.u32 v21, $0x4;
	v20 =	vshll.u32 v27, $0x4;
	v17 =	vld.idx.msk [tilespmem:v10+s24+$0x0], $0xffff  }
0x178: {  	v29 =	vshll.u32 v10, $0x4;
	v30 =	vor.u32 v0, v11;
	v15 =	vor.u32 v0, v15;
	v31 =	vld.idx.msk [tilespmem:v24+s17+$0x0], $0xffff  }
0x179: {  	v18 =	vor.u32 v0, v18;
	v19 =	vor.u32 v0, v19;
	v20 =	vor.u32 v0, v20;
	v32 =	vld.idx.msk [tilespmem:v22+s24+$0x0], $0xffff  }
0x17a: {  	v33 =	vadd.s32 v3, v12;
	v29 =	vor.u32 v0, v29;
	v28 =	vor.u32 v0, v28;
	v24 =	vld.idx.msk [tilespmem:v24+s24+$0x0], $0xffff  }
0x17b: {  	v34 =	vadd.s32 v3, v13;
	v11 =	vadd.s32 v3, v16;
	v12 =	vld.idx.msk [tilespmem:v14+s21+$0x0], $0xffff  }
0x17c: {  	v13 =	vld.idx.msk [tilespmem:v23+s24+$0x0], $0xffff  }
0x17d: {  	v14 =	vld.idx.msk [tilespmem:v30+s21+$0x0], $0xffff  }
0x17e: {  	v16 =	vadd.s32 v3, v31;
	v15 =	vld.idx.msk [tilespmem:v15+s21+$0x0], $0xffff  }
0x17f: {  	v30 =	vld.idx.msk [tilespmem:v18+s21+$0x0], $0xffff  }
0x180: {  	v19 =	vld.idx.msk [tilespmem:v19+s21+$0x0], $0xffff  }
0x181: {  	v12 =	vmul.f32 v24, v12;
	v20 =	vld.idx.msk [tilespmem:v20+s21+$0x0], $0xffff  }
0x182: {  	v24 =	vld.idx.msk [tilespmem:v28+s21+$0x0], $0xffff  }
0x183: {  	v14 =	vmul.f32 v32, v14;
	[tilespmem:v16+s25+$0x0] =	vst.idx.add.f32.msk $0xffff, v12  }
0x184: {  	v15 =	vmul.f32 v13, v15;
	v12 =	vld.idx.msk [tilespmem:v29+s21+$0x0], $0xffff  }
0x185: {  	v13 =	vld.idx.msk [tilespmem:v25+s24+$0x0], $0xffff  }
0x186: {  	v16 =	vld.idx.msk [tilespmem:v26+s24+$0x0], $0xffff  }
0x187: {  	v28 =	vld.idx.msk [tilespmem:v27+s24+$0x0], $0xffff  }
0x188: {  	v29 =	vld.idx.msk [tilespmem:v21+s24+$0x0], $0xffff  }
0x189: {  	v22 =	vld.idx.msk [tilespmem:v22+s17+$0x0], $0xffff  }
0x18a: {  	v18 =	vmul.f32 v17, v12;
	v23 =	vld.idx.msk [tilespmem:v23+s17+$0x0], $0xffff  }
0x18b: {  	v17 =	vmul.f32 v13, v30;
	v25 =	vld.idx.msk [tilespmem:v25+s17+$0x0], $0xffff  }
0x18c: {  	v30 =	vmul.f32 v16, v19;
	v26 =	vld.idx.msk [tilespmem:v26+s17+$0x0], $0xffff  }
0x18d: {  	v12 =	vld.idx.msk [tilespmem:v27+s17+$0x0], $0xffff;
	v27 =	vmul.f32 v28, v20  }
.Ltmp12:
0x18e: {  	v24 =	vmul.f32 v29, v24;
	v13 =	vld.idx.msk [tilespmem:v21+s17+$0x0], $0xffff;
	(pc) =	sbr.rel @p0 .LBB2_27-.Ltmp12, $4  }
0x18f: {  	v21 =	vadd.s32 v3, v22;
	v16 =	vld.idx.msk [tilespmem:v10+s17+$0x0], $0xffff  }
0x190: {  	v19 =	vadd.s32 v3, v23;
	[tilespmem:v9+s25+$0x0] =	vst.idx.add.f32.msk $0xffff, v6;
	v6 =	vmov v30  }
0x191: {  	v20 =	vadd.s32 v3, v25;
	[tilespmem:v33+s25+$0x0] =	vst.idx.add.f32.msk $0xffff, v8;
	v8 =	vmov v27  }
0x192: {  	v10 =	vadd.s32 $0x10, v10;
	v9 =	vadd.s32 v3, v26;
	[tilespmem:v34+s25+$0x0] =	vst.idx.add.f32.msk $0xffff, v7;
	v7 =	vmov v24  }
0x193: {  	_ =	sdelay $0x3  }
0x194: {  	[tilespmem:v11+s25+$0x0] =	vst.idx.add.f32.msk $0xffff, v5;
	v5 =	vadd.s32 v3, v12  }
0x195: {  	[tilespmem:v21+s25+$0x0] =	vst.idx.add.f32.msk $0xffff, v14;
	v10 =	vadd.s32 v3, v13;
	s28 =	sadd.s32 $0x1, s28  }
0x196: {  	[tilespmem:v19+s25+$0x0] =	vst.idx.add.f32.msk $0xffff, v15;
	v63 =	vadd.s32 v3, v16;
	p0 =	sne.s32 s28, $0xC  }
.Ltmp13:
0x197: {  	[tilespmem:v20+s25+$0x0] =	vst.idx.add.f32.msk $0xffff, v17;
	(pc) =	sbr.rel @p0 .LBB2_20-.Ltmp13, $4  }
0x198: {  	[tilespmem:v9+s25+$0x0] =	vst.idx.add.f32.msk $0xffff, v6  }
0x199: {  	[tilespmem:v5+s25+$0x0] =	vst.idx.add.f32.msk $0xffff, v8  }
0x19a: {  	[tilespmem:v10+s25+$0x0] =	vst.idx.add.f32.msk $0xffff, v7  }
0x19b: {  	[tilespmem:v63+s25+$0x0] =	vst.idx.add.f32.msk $0xffff, v18  }
0x19c: {  	[hbm4b:s10+s3] =	stream.linear.scatter [tilespmem:s25], [sflag:$0x3], $0x14000, $0x38;
	[tilespmem:$0x1F690] =	vst v63  }
0x19d: {  	s26 =	sadd.s32 $0x1, s26;
	_ =	swait.ge [sflag:s13], $0x14000  }
0x19e: {  	p0 =	sne.s32 s26, s12;
	[sflag:s13] =	ssyncset.done $0x0  }
.Ltmp14:
0x19f: {  	[sflag:s13] =	ssyncadd.s32 $0xFFFEC000;
	(pc) =	sbr.rel @p0 .LBB2_1-.Ltmp14, $4  }
0x1a0: {  	[hbm4b:s11+s3] =	stream.linear.scatter [tilespmem:s23], [sflag:$0x3], $0x2800, $0x38;
	[tilespmem:$0x1F690] =	vst v63  }
0x1a1: {  	_ =	swait.ge [sflag:s13], $0x2800  }
0x1a2: {  	[sflag:s13] =	ssyncset.done $0x0  }
0x1a3: {  	[sflag:s13] =	ssyncadd.s32 $0xFFFFD800  }
0x1a4: {  	_ =	sfence.sel $0x180000  }
0x1a5: {  	[bflag:$0x0] =	sbarrier.arrive $0xFFFF  }
0x1a6: {  	_ =	strace $0x9000004A  }
0x1a7: {  	s0 =	stileid.u32;
	[bflag:$0x2] =	sbarrier.arrive $0xFFFF  }
0x1a8: {  	p0 =	sne.s32 s0, $0x0;
	s0 =	rddreg [dreg:$0x2]  }
0x1a9: {  	s0 =	sadd.s32 @!p0 $0x100000, s0  }
0x1aa: {  	[sflag:s0] =	ssyncadd.tile.s32 @!p0 $0x1;
	_ =	shalt  }
.Lfunc_end2:
_tile_overlayer_lowered:
.L_overlay_start_2:
0x1ab: {  	(tag) =	ssettag $0x2  }
0x1ac: {  	s0 =	rddreg [dreg:$0x0];
	s2 =	stileid.u32  }
0x1ad: {  	s1 =	rddreg [dreg:$0x1];
	p0 =	sne.s32 s2, $0x0  }
0x1ae: {  	s3 =	rddreg [dreg:$0x2];
	[bflag:$0x3] =	sbarrier.arrive $0xFFFF;
	s2 =	simm.s32 @!p0 $0x1C03  }
0x1af: {  	[timem:s3], [sflag:s2] =	dma.local @!p0 [hbm:s0], s1  }
0x1b0: {  	s0 =	simm.s32 @!p0 $0x3  }
0x1b1: {  	_ =	swait.ge @!p0 [sflag:s0], s1  }
0x1b2: {  	s1 =	ssub.s32 @!p0 $0x0, s1;
	[sflag:s0] =	ssyncset.done @!p0 $0x0  }
0x1b3: {  	[sflag:s0] =	ssyncadd.s32 @!p0 s1  }
0x1b4: {  	[bflag:$0x3] =	sbarrier.arrive $0xFFFF  }
0x1b5: {  	_ =	shalt  }

// kernel: kernel.7.cloned.1.call-start
scs
__scs_entry_jumppad:
0x0: {  	(pc) =	sbr.rel $0x88, $3  }
0x1: {  	(tag) =	ssettag $0x0;
	lr =	simm.s32 $0x1  }
0x2: {  	[smem:$0x3F91] =	sst lr;
	_ =	strace $0xD0000000  }
0x3: {  	_ = 	snop  }
0x4: {  	_ = 	snop  }
0x5: {  	_ = 	snop  }
0x6: {  	_ = 	snop  }
0x7: {  	_ = 	snop  }
__scs_overlays_trampoline_lowered:
0x8: {  	[smem:$0x3FA0] =	sst s0  }
0x9: {  	[smem:$0x3FA1] =	sst s1  }
0xa: {  	[smem:$0x3FA2] =	sst s2  }
0xb: {  	[smem:$0x3FA3] =	sst s3  }
0xc: {  	[smem:$0x3FA4] =	sst s4  }
0xd: {  	[smem:$0x3FA5] =	sst s5  }
0xe: {  	[smem:$0x3FA6] =	sst s6  }
0xf: {  	[smem:$0x3FA7] =	sst s7  }
0x10: {  	[smem:$0x3FA8] =	sst s8  }
0x11: {  	[smem:$0x3FA9] =	sst s9;
	s0 =	simm.s32 @!p0 $0x0  }
0x12: {  	s1 =	sld [smem:$0x3F8F];
	s0 =	simm.s32 @p0 $0x1  }
0x13: {  	[smem:$0x3FAA] =	sst s0;
	s0 =	simm.s32 @!p1 $0x0  }
0x14: {  	s2 =	sld [smem:$0x3F8E];
	s0 =	simm.s32 @p1 $0x1  }
0x15: {  	[smem:$0x3FAB] =	sst s0;
	s0 =	simm.s32 @!p2 $0x0  }
0x16: {  	s3 =	sld [smem:$0x3FDB];
	s0 =	simm.s32 @p2 $0x1  }
0x17: {  	s4 =	simm.s32 $0x1BF5;
	[smem:$0x3FAD] =	sst s0  }
0x18: {  	s0 =	sld [smem:$0x3F90];
	_ =	swait.ge [sflag:s4], $0x0  }
0x19: {  	s7 =	sld [smem:$0x3F91]  }
0x1a: {  	s8 =	sadd.s32 $0xFFFFE003, lr  }
0x1b: {  	s9 =	sadd.s32 $0xFFFFFEF7, lr;
	s5 =	simm.s32 $0xFFFFFFFF;
	p2 =	slt.u32 s8, $0xFFFFF086  }
0x1c: {  	p1 =	slt.u32 s9, $0xF7A;
	s5 =	simm.s32 @!p2 $0x0  }
0x1d: {  	s5 =	simm.s32 @p1 $0x1;
	p0 =	seq.s32 s7, s2  }
0x1e: {  	s7 =	smul.u32 @!p0 $0xF7A, s2;
	p2 =	seq.s32 @!p0 s5, $0x0  }
0x1f: {  	s9 =	smul.u32 $0xF7A, s1;
	s8 =	simm.s32 @!p0 $0x1BF5;
	p2 =	por !p2, p0  }
0x20: {  	[sflag:s8] =	ssyncset.s32 @!p0 $0xFFFFF086;
	s6 =	sadd.s32 @!p0 s3, s7;
	s7 =	simm.s32 @!p0 $0x108  }
0x21: {  	s3 =	sadd.s32 s3, s9;
	s6 =	sadd.s32 @!p0 $0x88, s6;
	s7 =	simm.s32 @p2 $0x1082  }
0x22: {  	[simem:s7], [sflag:s8] =	dma.local @!p0 [hbm:s6], $0xF7A  }
0x23: {  	s9 =	sor.u32 $0xD0000000, s2;
	s6 =	simm.s32 $0x108;
	_ =	swait.ge @!p0 [sflag:s8], $0x0  }
0x24: {  	s3 =	sadd.s32 $0x88, s3;
	s6 =	simm.s32 @!p1 $0x1082;
	[sflag:s4] =	ssyncset.s32 $0xFFFFF086  }
0x25: {  	[simem:s6], [sflag:s4] =	dma.local [hbm:s3], $0xF7A  }
0x26: {  	[smem:$0x3F91] =	sst s1;
	(tag) =	ssettag s2;
	_ =	strace s9  }
0x27: {  	s1 =	sld [smem:$0x3FA1]  }
0x28: {  	s2 =	sld [smem:$0x3FA2]  }
0x29: {  	s4 =	sld [smem:$0x3FA4]  }
0x2a: {  	p0 =	seq.s32 s5, $0x0;
	s5 =	sld [smem:$0x3FA5]  }
0x2b: {  	s6 =	sld [smem:$0x3FA6]  }
0x2c: {  	s7 =	sld [smem:$0x3FA7]  }
0x2d: {  	s3 =	simm.s32 $0x108;
	s8 =	sld [smem:$0x3FA8]  }
0x2e: {  	s3 =	simm.s32 @!p0 $0x1082;
	s9 =	sld [smem:$0x3FA9]  }
0x2f: {  	lr =	sadd.s32 s0, s3;
	s0 =	sld [smem:$0x3FA0]  }
0x30: {  	s3 =	sld [smem:$0x3FA3]  }
0x31: {  	[smem:$0x3FAC] =	sst s10  }
0x32: {  	s10 =	sld [smem:$0x3FAA];
	_ =	sdelay $0x3  }
0x33: {  	p0 =	seq.s32 s10, $0x1;
	s10 =	sld [smem:$0x3FAC];
	_ =	sdelay $0x3  }
0x34: {  	[smem:$0x3FAC] =	sst s10  }
0x35: {  	s10 =	sld [smem:$0x3FAB];
	_ =	sdelay $0x3  }
0x36: {  	p1 =	seq.s32 s10, $0x1;
	s10 =	sld [smem:$0x3FAC];
	_ =	sdelay $0x3  }
0x37: {  	[smem:$0x3FAC] =	sst s10  }
0x38: {  	s10 =	sld [smem:$0x3FAD]  }
0x39: {  	_ = 	snop;
	(pc) =	sbr.ind lr, $3  }
0x3a: {  	_ = 	snop  }
0x3b: {  	_ = 	snop  }
0x3c: {  	p2 =	seq.s32 s10, $0x1;
	s10 =	sld [smem:$0x3FAC]  }
0x3d: {  	_ =	shalt  }
0x3e: {  	_ =	shalt  }
0x3f: {  	_ =	shalt  }
0x40: {  	_ =	shalt  }
0x41: {  	_ =	shalt  }
0x42: {  	_ =	shalt  }
0x43: {  	_ =	shalt  }
0x44: {  	_ =	shalt  }
0x45: {  	_ =	shalt  }
0x46: {  	_ =	shalt  }
0x47: {  	_ =	shalt  }
0x48: {  	_ =	shalt  }
0x49: {  	_ =	shalt  }
0x4a: {  	_ =	shalt  }
0x4b: {  	_ =	shalt  }
0x4c: {  	_ =	shalt  }
0x4d: {  	_ =	shalt  }
0x4e: {  	_ =	shalt  }
0x4f: {  	_ =	shalt  }
0x50: {  	_ =	shalt  }
0x51: {  	_ =	shalt  }
0x52: {  	_ =	shalt  }
0x53: {  	_ =	shalt  }
0x54: {  	_ =	shalt  }
0x55: {  	_ =	shalt  }
0x56: {  	_ =	shalt  }
0x57: {  	_ =	shalt  }
0x58: {  	_ =	shalt  }
0x59: {  	_ =	shalt  }
0x5a: {  	_ =	shalt  }
0x5b: {  	_ =	shalt  }
0x5c: {  	_ =	shalt  }
0x5d: {  	_ =	shalt  }
0x5e: {  	_ =	shalt  }
0x5f: {  	_ =	shalt  }
0x60: {  	_ =	shalt  }
0x61: {  	_ =	shalt  }
0x62: {  	_ =	shalt  }
0x63: {  	_ =	shalt  }
0x64: {  	_ =	shalt  }
0x65: {  	_ =	shalt  }
0x66: {  	_ =	shalt  }
0x67: {  	_ =	shalt  }
0x68: {  	_ =	shalt  }
0x69: {  	_ =	shalt  }
0x6a: {  	_ =	shalt  }
0x6b: {  	_ =	shalt  }
0x6c: {  	_ =	shalt  }
0x6d: {  	_ =	shalt  }
0x6e: {  	_ =	shalt  }
0x6f: {  	_ =	shalt  }
0x70: {  	_ =	shalt  }
0x71: {  	_ =	shalt  }
0x72: {  	_ =	shalt  }
0x73: {  	_ =	shalt  }
0x74: {  	_ =	shalt  }
0x75: {  	_ =	shalt  }
0x76: {  	_ =	shalt  }
0x77: {  	_ =	shalt  }
0x78: {  	_ =	shalt  }
0x79: {  	_ =	shalt  }
0x7a: {  	_ =	shalt  }
0x7b: {  	_ =	shalt  }
0x7c: {  	_ =	shalt  }
0x7d: {  	_ =	shalt  }
0x7e: {  	_ =	shalt  }
0x7f: {  	_ =	shalt  }
0x80: {  	_ =	shalt  }
0x81: {  	_ =	shalt  }
0x82: {  	_ =	shalt  }
0x83: {  	_ =	shalt  }
0x84: {  	_ =	shalt  }
0x85: {  	_ =	shalt  }
0x86: {  	_ =	shalt  }
0x87: {  	_ =	shalt  }
.Lfunc_end0:
.L_simem_size_0:
called_computation_lowered:
.L_overlay_start_0:
0x88: {  	s2 =	sld [smem:$0x3FD9]  }
0x89: {  	s3 =	sld [smem:$0x3FFE];
	_ =	sdelay $0x1  }
0x8a: {  	s1 =	srdreg.scid  }
0x8b: {  	s0 =	sand.u32 $0x1, s1  }
0x8c: {  	s17 =	sshll.u32 s0, $0xA;
	s2 =	sadd.s32 s3, s2  }
0x8d: {  	s2 =	sadd.s32 s2, s17  }
0x8e: {  	[smem:$0x3FB8] =	sst s2  }
0x8f: {  	_ = 	snop  }
0x90: {  	s2 =	sld [smem:$0x3FD0];
	(tm) =	ssettm $0x1  }
0x91: {  	s18 =	sld [smem:$0x3FFB];
	_ =	sdelay $0x3  }
0x92: {  	_ =	strace s18  }
0x93: {  	s3 =	sld [smem:$0x3FFC];
	_ =	sdelay $0x3  }
0x94: {  	_ =	strace s3  }
0x95: {  	s3 =	sld [smem:$0x3FFD];
	_ =	sdelay $0x3  }
0x96: {  	_ =	strace s3  }
0x97: {  	_ =	strace $0x8FFFFFFF  }
0x98: {  	s19 =	sld [smem:$0x3FDB];
	_ =	sdelay $0x1  }
0x99: {  	s4 =	simm.s32 $_scs_section_size  }
0x9a: {  	s5 =	simm.s32 $_size__tile_overlayer_lowered;
	s6 =	simm.s32 $_tile_overlayer_lowered  }
0x9b: {  	s22 =	simm.s32 $0x1BFF;
	s21 =	sshll.u32 s6, $0x1;
	s3 =	sadd.s32 s4, s19  }
0x9c: {  	s7 =	simm.s32 $0x0;
	s20 =	sshll.u32 s5, $0x1;
	s5 =	sadd.s32 s21, s3  }
0x9d: {  	[timem:s7], [sflag:s22] =	dma.local [hbm:s5], s20  }
0x9e: {  	_ =	swait.ge [sflag:s22], s20  }
0x9f: {  	s4 =	ssub.s32 $0x0, s20;
	[sflag:s22] =	ssyncset.done $0x0  }
0xa0: {  	[sflag:s22] =	ssyncadd.s32 s4;
	_ =	sdelay $0x1  }
0xa1: {  	s23 =	simm.s32 $0x1B8B  }
0xa2: {  	_ =	swait.ge [sflag:s23], $0x1  }
0xa3: {  	[sflag:s23] =	ssyncset.done $0x0  }
0xa4: {  	s25 =	simm.s32 $0x1B8E;
	s24 =	sld [smem:$0x3FFE];
	[sflag:s23] =	ssyncadd.s32 $0xFFFFFFFF  }
0xa5: {  	s26 =	simm.s32 $execute0_lowered;
	[smem:$0x3FD2] =	sst s25  }
0xa6: {  	s5 =	sshll.u32 s26, $0x1;
	_ =	strace $0x80000046;
	[dreg:$0x1] =	wrdreg $0xFFFFFFFF  }
0xa7: {  	s28 =	simm.s32 $_size_execute0_lowered;
	s3 =	sadd.s32 s3, s5;
	[dreg:$0x0] =	wrdreg $0x0  }
0xa8: {  	s5 =	sshll.u32 s28, $0x1;
	[dreg:$0x2] =	wrdreg s3  }
0xa9: {  	[dreg:$0x3] =	wrdreg s5  }
0xaa: {  	[dreg:$0x4] =	wrdreg $0xC0  }
0xab: {  	_ =	task [dreg:s7], $0x5FFFF  }
0xac: {  	[dreg:$0x1] =	wrdreg $0xFFFFFFFF  }
0xad: {  	[dreg:$0x0] =	wrdreg $0x60  }
0xae: {  	[dreg:$0x2] =	wrdreg s24  }
0xaf: {  	[dreg:$0x3] =	wrdreg s2  }
0xb0: {  	[dreg:$0x4] =	wrdreg $0x9  }
0xb1: {  	_ =	task.clear_ibuf [dreg:s7], $0x5FFFF;
	_ =	strace $0x90000046  }
0xb2: {  	s29 =	simm.s32 $0x9;
	_ =	strace $0x80000048  }
0xb3: {  	_ =	swait.ge [sflag:s29], $0x1  }
0xb4: {  	[sflag:s29] =	ssyncadd.s32 $0xFFFFFFFF  }
0xb5: {  	_ =	strace $0x90000048  }
0xb6: {  	_ =	sfence  }
0xb7: {  	s30 =	sld [smem:$0x0];
	_ =	sdelay $0x2  }
0xb8: {  	s31 =	sshll.u32 s1, $0xD;
	s1 =	sshrl.u32 s1, $0x2  }
0xb9: {  	s3 =	sand.u32 $0x4000, s31;
	s1 =	sadd.s32 s1, s30  }
0xba: {  	s0 =	sor.u32 s3, s0;
	s1 =	sshll.u32 s1, $0x11  }
0xbb: {  	s0 =	sor.u32 s1, s0  }
0xbc: {  	s0 =	sadd.s32 $0x8F2B, s0  }
0xbd: {  	[sflag:s0] =	ssyncadd.remote.s32 $0x1  }
0xbe: {  	_ =	sfence.sel $0xFFFF  }
0xbf: {  	[dreg:$0x0] =	wrdreg $0xFFFFFFFF;
	(pc) =	sbr.abs _section_cstart, $3  }
0xc0: {  	[dreg:$0x1] =	wrdreg $0xFFFFFFFF  }
0xc1: {  	_ =	task.clear_ibuf [dreg:s7], $0x2FFFF;
	_ =	strace $0x9FFFFFFF  }
0xc2: {  	(tm) =	ssettm $0x7FFFFFFF  }
0xc3: {  	_ =	shalt  }
tec
execute0_lowered:
.L_overlay_start_1:
0x0: {  	(tag) =	ssettag $0x1  }
0x1: {  	s3 =	stileid.u32;
	s0 =	rddreg [dreg:$0x0]  }
0x2: {  	s1 =	srdreg.scid;
	s8 =	rddreg [dreg:$0x1]  }
0x3: {  	s13 =	simm.s32 $0x3;
	s14 =	simm.s32 $0x2800;
	s15 =	simm.s32 $0x5000  }
0x4: {  	s16 =	simm.s32 $0x1B810;
	s17 =	simm.s32 $0x1BB30;
	s18 =	simm.s32 $0x1  }
0x5: {  	s19 =	simm.s32 $0x320;
	s20 =	simm.s32 $0x1BE50;
	s22 =	simm.s32 $0x2  }
0x6: {  	s23 =	simm.s32 $0x19010;
	s24 =	simm.s32 $0x1C170;
	s9 =	sshrl.u32 s3, $0x1  }
0x7: {  	s25 =	simm.s32 $0x5010;
	s2 =	sshll.u32 s3, $0x1;
	s7 =	smul.u32 $0x50000, s9  }
0x8: {  	s1 =	sand.u32 $0x1, s1;
	s2 =	sand.u32 $0x2, s2;
	s12 =	smul.u32 $0xA000, s9  }
0x9: {  	s3 =	sadd.s32 $0xA5400, s0;
	s9 =	smul.u32 $0x9C40, s9;
	s6 =	sor.u32 s1, s2  }
0xa: {  	s5 =	sadd.s32 $0x2C00, s0;
	s2 =	simm.s32 $0x0;
	s21 =	smul.u32 $0x2800, s6  }
0xb: {  	s1 =	ssub.s32 $0x2, s1;
	[smem:$0x7FF] =	sst s2;
	s10 =	smul.u32 $0x14000, s6  }
0xc: {  	s30 =	sshrl.u32 s1, $0x1;
	s31 =	sshll.u32 s6, $0x1;
	_ =	strace $0x80000047  }
0xd: {  	s1 =	ssub.s32 s1, s30;
	s8 =	sadd.s32 s8, s31;
	s4 =	sshrl.u32 s21, $0x3  }
0xe: {  	s7 =	sadd.s32 s7, s10;
	s26 =	sadd.s32 s12, s21;
	s12 =	smax.u32 s1, $0x1  }
0xf: {  	v0 =	vmov s21;
	s21 =	simm.s32 $0x1C490;
	s11 =	sadd.s32 s4, s0;
	s4 =	sadd.s32 $0xCA00, s0  }
0x10: {  	v3 =	vlaneseq.u32;
	s7 =	sshrl.u32 s7, $0x3;
	s29 =	sshrl.u32 s26, $0x3;
	s26 =	simm.s32 $0x0  }
0x11: {  	v1 =	vand.u32 $0x7, v3;
	s28 =	sadd.s32 s7, s0;
	s0 =	sadd.s32 s29, s0;
	s6 =	sadd.s32 $0xA2C00, s11  }
0x12: {  	v2 =	vimm.f32 $0.0e+00;
	v3 =	vshrl.u32 v3, $0x3;
	v4 =	vmul.u32 $0x2800, v1;
	s7 =	sadd.s32 $0xA4000, s11;
	s10 =	sadd.s32 $0x16800, s28;
	s11 =	sadd.s32 $0x66800, s0  }
.LBB2_1:
0x13: {  	[tilespmem:s2], [sflag:$0x3] =	stream.linear.gather [hbm4b:s6+s2], $0x2800, $0x38;
	[tilespmem:$0x1F690] =	vst v63  }
0x14: {  	_ =	swait.ge [sflag:s13], $0x2800  }
0x15: {  	[sflag:s13] =	ssyncset.done $0x0  }
0x16: {  	[sflag:s13] =	ssyncadd.s32 $0xFFFFD800  }
0x17: {  	[tilespmem:s14], [sflag:$0x3] =	stream.linear.gather [hbm4b:s7+s2], $0x2800, $0x38;
	[tilespmem:$0x1F690] =	vst v63  }
0x18: {  	_ =	swait.ge [sflag:s13], $0x2800  }
0x19: {  	[sflag:s13] =	ssyncset.done $0x0  }
0x1a: {  	[sflag:s13] =	ssyncadd.s32 $0xFFFFD800  }
0x1b: {  	[tilespmem:s15], [sflag:$0x3] =	stream.linear.gather [hbm4b:s8+s2], $0x10, $0x38;
	[tilespmem:$0x1F690] =	vst v63  }
0x1c: {  	_ =	swait.ge [sflag:s13], $0x10  }
0x1d: {  	[sflag:s13] =	ssyncset.done $0x0  }
0x1e: {  	s0 =	simm.s32 $0x5050;
	[sflag:s13] =	ssyncadd.s32 $0xFFFFFFF0  }
0x1f: {  	[tilespmem:s0+$0xFFFFFFC0] =	vst v2  }
0x20: {  	[tilespmem:s0+$0x30] =	vst v2  }
0x21: {  	[tilespmem:s0+$0x20] =	vst v2  }
0x22: {  	[tilespmem:s0+$0x10] =	vst v2  }
0x23: {  	[tilespmem:s0+$0x0] =	vst v2  }
0x24: {  	[tilespmem:s0+$0xFFFFFFF0] =	vst v2  }
0x25: {  	s28 =	simm.s32 $0x0;
	[tilespmem:s0+$0xFFFFFFE0] =	vst v2  }
.LBB2_2:
0x26: {  	s28 =	sadd.s32 $0x80, s28;
	[tilespmem:s0+$0xFFFFFFD0] =	vst v2;
	s0 =	sadd.s32 $0x80, s0;
	s1 =	simm.s32 $0x7880  }
0x27: {  	[tilespmem:s0+$0xFFFFFFC0] =	vst v2;
	p0 =	slt.u32 s28, $0x2780  }
0x28: {  	[tilespmem:s0+$0x30] =	vst v2  }
.Ltmp0:
0x29: {  	[tilespmem:s0+$0x20] =	vst v2;
	(pc) =	sbr.rel @p0 .LBB2_2-.Ltmp0, $4  }
0x2a: {  	[tilespmem:s0+$0x10] =	vst v2  }
0x2b: {  	[tilespmem:s0+$0x0] =	vst v2  }
0x2c: {  	[tilespmem:s0+$0xFFFFFFF0] =	vst v2  }
0x2d: {  	[tilespmem:s0+$0xFFFFFFE0] =	vst v2  }
0x2e: {  	[tilespmem:s0+$0xFFFFFFD0] =	vst v2  }
0x2f: {  	[tilespmem:s1+$0xFFFFFF90] =	vst v2  }
0x30: {  	[tilespmem:s1+$0x0] =	vst v2  }
0x31: {  	[tilespmem:s1+$0xFFFFFFF0] =	vst v2  }
0x32: {  	[tilespmem:s1+$0xFFFFFFE0] =	vst v2  }
0x33: {  	[tilespmem:s1+$0xFFFFFFD0] =	vst v2  }
0x34: {  	[tilespmem:s1+$0xFFFFFFC0] =	vst v2  }
0x35: {  	s28 =	simm.s32 $0x0;
	s0 =	simm.s32 $0xA080;
	[tilespmem:s1+$0xFFFFFFB0] =	vst v2  }
.LBB2_4:
0x36: {  	s28 =	sadd.s32 $0x80, s28;
	[tilespmem:s1+$0xFFFFFFA0] =	vst v2;
	s1 =	sadd.s32 $0x80, s1  }
0x37: {  	[tilespmem:s1+$0xFFFFFF90] =	vst v2;
	p0 =	slt.u32 s28, $0x2780  }
0x38: {  	[tilespmem:s1+$0x0] =	vst v2  }
.Ltmp1:
0x39: {  	[tilespmem:s1+$0xFFFFFFF0] =	vst v2;
	(pc) =	sbr.rel @p0 .LBB2_4-.Ltmp1, $4  }
0x3a: {  	[tilespmem:s1+$0xFFFFFFE0] =	vst v2  }
0x3b: {  	[tilespmem:s1+$0xFFFFFFD0] =	vst v2  }
0x3c: {  	[tilespmem:s1+$0xFFFFFFC0] =	vst v2  }
0x3d: {  	[tilespmem:s1+$0xFFFFFFB0] =	vst v2  }
0x3e: {  	[tilespmem:s1+$0xFFFFFFA0] =	vst v2  }
0x3f: {  	[tilespmem:s0+$0xFFFFFF90] =	vst v2  }
0x40: {  	[tilespmem:s0+$0x0] =	vst v2  }
0x41: {  	[tilespmem:s0+$0xFFFFFFF0] =	vst v2  }
0x42: {  	[tilespmem:s0+$0xFFFFFFE0] =	vst v2  }
0x43: {  	[tilespmem:s0+$0xFFFFFFD0] =	vst v2  }
0x44: {  	[tilespmem:s0+$0xFFFFFFC0] =	vst v2  }
0x45: {  	s28 =	simm.s32 $0x0;
	[tilespmem:s0+$0xFFFFFFB0] =	vst v2  }
.LBB2_6:
0x46: {  	s28 =	sadd.s32 $0x80, s28;
	[tilespmem:s0+$0xFFFFFFA0] =	vst v2;
	s0 =	sadd.s32 $0x80, s0;
	s1 =	simm.s32 $0xC880  }
0x47: {  	[tilespmem:s0+$0xFFFFFF90] =	vst v2;
	p0 =	slt.u32 s28, $0x2780  }
0x48: {  	[tilespmem:s0+$0x0] =	vst v2  }
.Ltmp2:
0x49: {  	[tilespmem:s0+$0xFFFFFFF0] =	vst v2;
	(pc) =	sbr.rel @p0 .LBB2_6-.Ltmp2, $4  }
0x4a: {  	[tilespmem:s0+$0xFFFFFFE0] =	vst v2  }
0x4b: {  	[tilespmem:s0+$0xFFFFFFD0] =	vst v2  }
0x4c: {  	[tilespmem:s0+$0xFFFFFFC0] =	vst v2  }
0x4d: {  	[tilespmem:s0+$0xFFFFFFB0] =	vst v2  }
0x4e: {  	[tilespmem:s0+$0xFFFFFFA0] =	vst v2  }
0x4f: {  	[tilespmem:s1+$0xFFFFFF90] =	vst v2  }
0x50: {  	[tilespmem:s1+$0x0] =	vst v2  }
0x51: {  	[tilespmem:s1+$0xFFFFFFF0] =	vst v2  }
0x52: {  	[tilespmem:s1+$0xFFFFFFE0] =	vst v2  }
0x53: {  	[tilespmem:s1+$0xFFFFFFD0] =	vst v2  }
0x54: {  	[tilespmem:s1+$0xFFFFFFC0] =	vst v2  }
0x55: {  	s28 =	simm.s32 $0x0;
	s0 =	simm.s32 $0xF080;
	[tilespmem:s1+$0xFFFFFFB0] =	vst v2  }
.LBB2_8:
0x56: {  	s28 =	sadd.s32 $0x80, s28;
	[tilespmem:s1+$0xFFFFFFA0] =	vst v2;
	s1 =	sadd.s32 $0x80, s1  }
0x57: {  	[tilespmem:s1+$0xFFFFFF90] =	vst v2;
	p0 =	slt.u32 s28, $0x2780  }
0x58: {  	[tilespmem:s1+$0x0] =	vst v2  }
.Ltmp3:
0x59: {  	[tilespmem:s1+$0xFFFFFFF0] =	vst v2;
	(pc) =	sbr.rel @p0 .LBB2_8-.Ltmp3, $4  }
0x5a: {  	[tilespmem:s1+$0xFFFFFFE0] =	vst v2  }
0x5b: {  	[tilespmem:s1+$0xFFFFFFD0] =	vst v2  }
0x5c: {  	[tilespmem:s1+$0xFFFFFFC0] =	vst v2  }
0x5d: {  	[tilespmem:s1+$0xFFFFFFB0] =	vst v2  }
0x5e: {  	[tilespmem:s1+$0xFFFFFFA0] =	vst v2  }
0x5f: {  	[tilespmem:s0+$0xFFFFFF90] =	vst v2  }
0x60: {  	[tilespmem:s0+$0x0] =	vst v2  }
0x61: {  	[tilespmem:s0+$0xFFFFFFF0] =	vst v2  }
0x62: {  	[tilespmem:s0+$0xFFFFFFE0] =	vst v2  }
0x63: {  	[tilespmem:s0+$0xFFFFFFD0] =	vst v2  }
0x64: {  	[tilespmem:s0+$0xFFFFFFC0] =	vst v2  }
0x65: {  	s28 =	simm.s32 $0x0;
	[tilespmem:s0+$0xFFFFFFB0] =	vst v2  }
.LBB2_10:
0x66: {  	s28 =	sadd.s32 $0x80, s28;
	[tilespmem:s0+$0xFFFFFFA0] =	vst v2;
	s0 =	sadd.s32 $0x80, s0;
	s1 =	simm.s32 $0x11880  }
0x67: {  	[tilespmem:s0+$0xFFFFFF90] =	vst v2;
	p0 =	slt.u32 s28, $0x2780  }
0x68: {  	[tilespmem:s0+$0x0] =	vst v2  }
.Ltmp4:
0x69: {  	[tilespmem:s0+$0xFFFFFFF0] =	vst v2;
	(pc) =	sbr.rel @p0 .LBB2_10-.Ltmp4, $4  }
0x6a: {  	[tilespmem:s0+$0xFFFFFFE0] =	vst v2  }
0x6b: {  	[tilespmem:s0+$0xFFFFFFD0] =	vst v2  }
0x6c: {  	[tilespmem:s0+$0xFFFFFFC0] =	vst v2  }
0x6d: {  	[tilespmem:s0+$0xFFFFFFB0] =	vst v2  }
0x6e: {  	[tilespmem:s0+$0xFFFFFFA0] =	vst v2  }
0x6f: {  	[tilespmem:s1+$0xFFFFFF90] =	vst v2  }
0x70: {  	[tilespmem:s1+$0x0] =	vst v2  }
0x71: {  	[tilespmem:s1+$0xFFFFFFF0] =	vst v2  }
0x72: {  	[tilespmem:s1+$0xFFFFFFE0] =	vst v2  }
0x73: {  	[tilespmem:s1+$0xFFFFFFD0] =	vst v2  }
0x74: {  	[tilespmem:s1+$0xFFFFFFC0] =	vst v2  }
0x75: {  	s28 =	simm.s32 $0x0;
	s0 =	simm.s32 $0x14080;
	[tilespmem:s1+$0xFFFFFFB0] =	vst v2  }
.LBB2_12:
0x76: {  	s28 =	sadd.s32 $0x80, s28;
	[tilespmem:s1+$0xFFFFFFA0] =	vst v2;
	s1 =	sadd.s32 $0x80, s1  }
0x77: {  	[tilespmem:s1+$0xFFFFFF90] =	vst v2;
	p0 =	slt.u32 s28, $0x2780  }
0x78: {  	[tilespmem:s1+$0x0] =	vst v2  }
.Ltmp5:
0x79: {  	[tilespmem:s1+$0xFFFFFFF0] =	vst v2;
	(pc) =	sbr.rel @p0 .LBB2_12-.Ltmp5, $4  }
0x7a: {  	[tilespmem:s1+$0xFFFFFFE0] =	vst v2  }
0x7b: {  	[tilespmem:s1+$0xFFFFFFD0] =	vst v2  }
0x7c: {  	[tilespmem:s1+$0xFFFFFFC0] =	vst v2  }
0x7d: {  	[tilespmem:s1+$0xFFFFFFB0] =	vst v2  }
0x7e: {  	[tilespmem:s1+$0xFFFFFFA0] =	vst v2  }
0x7f: {  	[tilespmem:s0+$0xFFFFFF90] =	vst v2  }
0x80: {  	[tilespmem:s0+$0x0] =	vst v2  }
0x81: {  	[tilespmem:s0+$0xFFFFFFF0] =	vst v2  }
0x82: {  	[tilespmem:s0+$0xFFFFFFE0] =	vst v2  }
0x83: {  	[tilespmem:s0+$0xFFFFFFD0] =	vst v2  }
0x84: {  	[tilespmem:s0+$0xFFFFFFC0] =	vst v2  }
0x85: {  	s28 =	simm.s32 $0x0;
	[tilespmem:s0+$0xFFFFFFB0] =	vst v2  }
.LBB2_14:
0x86: {  	s28 =	sadd.s32 $0x80, s28;
	[tilespmem:s0+$0xFFFFFFA0] =	vst v2;
	s0 =	sadd.s32 $0x80, s0;
	s1 =	simm.s32 $0x16880  }
0x87: {  	[tilespmem:s0+$0xFFFFFF90] =	vst v2;
	p0 =	slt.u32 s28, $0x2780  }
0x88: {  	[tilespmem:s0+$0x0] =	vst v2  }
.Ltmp6:
0x89: {  	[tilespmem:s0+$0xFFFFFFF0] =	vst v2;
	(pc) =	sbr.rel @p0 .LBB2_14-.Ltmp6, $4  }
0x8a: {  	[tilespmem:s0+$0xFFFFFFE0] =	vst v2  }
0x8b: {  	[tilespmem:s0+$0xFFFFFFD0] =	vst v2  }
0x8c: {  	[tilespmem:s0+$0xFFFFFFC0] =	vst v2  }
0x8d: {  	[tilespmem:s0+$0xFFFFFFB0] =	vst v2  }
0x8e: {  	[tilespmem:s0+$0xFFFFFFA0] =	vst v2  }
0x8f: {  	[tilespmem:s1+$0xFFFFFF90] =	vst v2  }
0x90: {  	[tilespmem:s1+$0x0] =	vst v2  }
0x91: {  	[tilespmem:s1+$0xFFFFFFF0] =	vst v2  }
0x92: {  	[tilespmem:s1+$0xFFFFFFE0] =	vst v2  }
0x93: {  	[tilespmem:s1+$0xFFFFFFD0] =	vst v2  }
0x94: {  	[tilespmem:s1+$0xFFFFFFC0] =	vst v2  }
0x95: {  	s28 =	simm.s32 $0x0;
	s0 =	simm.s32 $0x19050;
	[tilespmem:s1+$0xFFFFFFB0] =	vst v2  }
.LBB2_16:
0x96: {  	s28 =	sadd.s32 $0x80, s28;
	[tilespmem:s1+$0xFFFFFFA0] =	vst v2;
	s1 =	sadd.s32 $0x80, s1  }
0x97: {  	[tilespmem:s1+$0xFFFFFF90] =	vst v2;
	p0 =	slt.u32 s28, $0x2780  }
0x98: {  	[tilespmem:s1+$0x0] =	vst v2  }
.Ltmp7:
0x99: {  	[tilespmem:s1+$0xFFFFFFF0] =	vst v2;
	(pc) =	sbr.rel @p0 .LBB2_16-.Ltmp7, $4  }
0x9a: {  	[tilespmem:s1+$0xFFFFFFE0] =	vst v2  }
0x9b: {  	[tilespmem:s1+$0xFFFFFFD0] =	vst v2  }
0x9c: {  	[tilespmem:s1+$0xFFFFFFC0] =	vst v2  }
0x9d: {  	[tilespmem:s1+$0xFFFFFFB0] =	vst v2  }
0x9e: {  	[tilespmem:s1+$0xFFFFFFA0] =	vst v2  }
0x9f: {  	[tilespmem:s0+$0xFFFFFFC0] =	vst v2  }
0xa0: {  	[tilespmem:s0+$0x30] =	vst v2  }
0xa1: {  	[tilespmem:s0+$0x20] =	vst v2  }
0xa2: {  	[tilespmem:s0+$0x10] =	vst v2  }
0xa3: {  	[tilespmem:s0+$0x0] =	vst v2  }
0xa4: {  	[tilespmem:s0+$0xFFFFFFF0] =	vst v2  }
0xa5: {  	s1 =	simm.s32 $0x0;
	[tilespmem:s0+$0xFFFFFFE0] =	vst v2  }
.LBB2_18:
0xa6: {  	s1 =	sadd.s32 $0x80, s1;
	[tilespmem:s0+$0xFFFFFFD0] =	vst v2;
	s0 =	sadd.s32 $0x80, s0  }
0xa7: {  	[tilespmem:s0+$0xFFFFFFC0] =	vst v2;
	p0 =	slt.u32 s1, $0x2780  }
0xa8: {  	[tilespmem:s0+$0x30] =	vst v2  }
.Ltmp8:
0xa9: {  	[tilespmem:s0+$0x20] =	vst v2;
	(pc) =	sbr.rel @p0 .LBB2_18-.Ltmp8, $4  }
0xaa: {  	[tilespmem:s0+$0x10] =	vst v2  }
0xab: {  	[tilespmem:s0+$0x0] =	vst v2  }
0xac: {  	[tilespmem:s0+$0xFFFFFFF0] =	vst v2  }
0xad: {  	[tilespmem:s0+$0xFFFFFFE0] =	vst v2  }
0xae: {  	[tilespmem:s0+$0xFFFFFFD0] =	vst v2  }
0xaf: {  	s28 =	simm.s32 $0x0;
	v5 =	vld [tilespmem:$0x5000]  }
.LBB2_20:
0xb0: {  	s0 =	smul.u32 $0x320, s28;
	_ =	sdelay $0x1  }
0xb1: {  	s0 =	sadd.s32 s9, s0  }
0xb2: {  	s0 =	sshrl.u32 s0, $0x3  }
0xb3: {  	s1 =	sadd.s32 s4, s0  }
0xb4: {  	[tilespmem:s16], [sflag:$0x1] =	stream.linear.gather [hbm4b:s1+s2], $0x320, $0x38;
	[tilespmem:$0x1F690] =	vst v63  }
0xb5: {  	s0 =	sadd.s32 s5, s0  }
0xb6: {  	[tilespmem:s17], [sflag:$0x2] =	stream.linear.gather [hbm4b:s0+s2], $0x320, $0x38;
	[tilespmem:$0x1F690] =	vst v63  }
0xb7: {  	_ =	swait.ge [sflag:s18], $0x320  }
0xb8: {  	[sflag:s18] =	ssyncset.done $0x0  }
0xb9: {  	s29 =	simm.s32 $0x1B860;
	[sflag:s18] =	ssyncadd.s32 $0xFFFFFCE0  }
0xba: {  	v7 =	vld [tilespmem:s29+$0x40]  }
0xbb: {  	v8 =	vld [tilespmem:s29+$0xFFFFFFC0]  }
0xbc: {  	v9 =	vld [tilespmem:s29+$0xFFFFFFD0]  }
0xbd: {  	v10 =	vld [tilespmem:s29+$0xFFFFFFE0]  }
0xbe: {  	v11 =	vld [tilespmem:s29+$0xFFFFFFF0]  }
0xbf: {  	s0 =	simm.s32 $0x1BEA0;
	v6 =	vld [tilespmem:s29+$0x0];
	v12 =	vadd.s32 v0, v7  }
0xc0: {  	v8 =	vadd.s32 v0, v8;
	v7 =	vld [tilespmem:s29+$0x10];
	[tilespmem:s0+$0x40] =	vst v12  }
0xc1: {  	v9 =	vadd.s32 v0, v9;
	[tilespmem:s0+$0xFFFFFFC0] =	vst v8;
	v8 =	vld [tilespmem:s29+$0x20]  }
0xc2: {  	v63 =	vadd.s32 v0, v10;
	[tilespmem:s0+$0xFFFFFFD0] =	vst v9;
	v9 =	vld [tilespmem:s29+$0x30]  }
0xc3: {  	s1 =	simm.s32 $0x0;
	v10 =	vld [tilespmem:s29+$0xFFFFFFB0];
	v11 =	vadd.s32 v0, v11;
	[tilespmem:s0+$0xFFFFFFE0] =	vst v63;
	s29 =	simm.s32 $0x1B900  }
.LBB2_21:
0xc4: {  	v12 =	vld [tilespmem:s29+$0x40];
	s1 =	sadd.s32 $0xA0, s1;
	[tilespmem:s0+$0xFFFFFFF0] =	vst v11;
	v6 =	vadd.s32 v0, v6  }
0xc5: {  	v11 =	vld [tilespmem:s29+$0xFFFFFFC0];
	p0 =	slt.u32 s1, $0x280;
	[tilespmem:s0+$0x0] =	vst v6;
	v6 =	vadd.s32 v0, v7  }
0xc6: {  	v13 =	vld [tilespmem:s29+$0xFFFFFFD0];
	[tilespmem:s0+$0x10] =	vst v6;
	v6 =	vadd.s32 v0, v8  }
0xc7: {  	v14 =	vld [tilespmem:s29+$0xFFFFFFE0];
	[tilespmem:s0+$0x20] =	vst v6;
	v6 =	vadd.s32 v0, v9  }
0xc8: {  	v15 =	vld [tilespmem:s29+$0xFFFFFFF0];
	v7 =	vadd.s32 v0, v10;
	[tilespmem:s0+$0x30] =	vst v6  }
.Ltmp9:
0xc9: {  	v6 =	vld [tilespmem:s29+$0x0];
	v8 =	vadd.s32 v0, v12;
	[tilespmem:s0+$0xFFFFFFB0] =	vst v7;
	s0 =	sadd.s32 $0xA0, s0;
	(pc) =	sbr.rel @p0 .LBB2_21-.Ltmp9, $4  }
0xca: {  	v9 =	vadd.s32 v0, v11;
	v7 =	vld [tilespmem:s29+$0x10];
	[tilespmem:s0+$0x40] =	vst v8  }
0xcb: {  	[tilespmem:s0+$0xFFFFFFC0] =	vst v9;
	v9 =	vadd.s32 v0, v13;
	v8 =	vld [tilespmem:s29+$0x20]  }
0xcc: {  	[tilespmem:s0+$0xFFFFFFD0] =	vst v9;
	v11 =	vadd.s32 v0, v14;
	v9 =	vld [tilespmem:s29+$0x30]  }
0xcd: {  	v10 =	vld [tilespmem:s29+$0xFFFFFFB0];
	[tilespmem:s0+$0xFFFFFFE0] =	vst v11;
	v11 =	vadd.s32 v0, v15;
	s29 =	sadd.s32 $0xA0, s29  }
0xce: {  	[tilespmem:s0+$0xFFFFFFF0] =	vst v11;
	v6 =	vadd.s32 v0, v6  }
0xcf: {  	[tilespmem:s0+$0x0] =	vst v6;
	v6 =	vadd.s32 v0, v7  }
0xd0: {  	[tilespmem:s0+$0x10] =	vst v6;
	v6 =	vadd.s32 v0, v8  }
0xd1: {  	[tilespmem:s0+$0x20] =	vst v6;
	v6 =	vadd.s32 v0, v9  }
0xd2: {  	v7 =	vadd.s32 v0, v10;
	[tilespmem:s0+$0x30] =	vst v6  }
0xd3: {  	[tilespmem:s0+$0xFFFFFFB0] =	vst v7  }
0xd4: {  	[tilespmem:s21], [sflag:$0x1] =	stream.indirect.gather [hbm4b:s3+s19], $0x10, s20, s19, $0xb8;
	[tilespmem:$0x1F690] =	vst v63  }
0xd5: {  	_ =	swait.ge [sflag:s22], $0x320  }
0xd6: {  	[sflag:s22] =	ssyncset.done $0x0  }
0xd7: {  	s0 =	simm.s32 $0x1BB50;
	[sflag:s22] =	ssyncadd.s32 $0xFFFFFCE0  }
0xd8: {  	s1 =	simm.s32 $0x1B830;
	v17 =	vld [tilespmem:s0+$0xFFFFFFF0]  }
0xd9: {  	v9 =	vld [tilespmem:s1+$0xFFFFFFF0]  }
0xda: {  	v6 =	vld [tilespmem:s0+$0xFFFFFFE0]  }
0xdb: {  	v10 =	vld [tilespmem:s1+$0xFFFFFFE0]  }
0xdc: {  	v11 =	vld [tilespmem:s1+$0x0]  }
0xdd: {  	v7 =	vld [tilespmem:s0+$0x0]  }
0xde: {  	v8 =	vld [tilespmem:s0+$0x10]  }
0xdf: {  	v12 =	vld [tilespmem:s1+$0x10]  }
0xe0: {  	v13 =	vld.idx.msk [tilespmem:v17+s14+$0x0], $0xffff  }
0xe1: {  	v9 =	vld.idx.msk [tilespmem:v9+s2+$0x0], $0xffff;
	_ =	sdelay $0x1  }
0xe2: {  	v14 =	vld.idx.msk [tilespmem:v6+s14+$0x0], $0xffff  }
0xe3: {  	s1 =	simm.s32 $0x1B870;
	v10 =	vld.idx.msk [tilespmem:v10+s2+$0x0], $0xffff  }
0xe4: {  	v18 =	vld [tilespmem:s1+$0x0]  }
0xe5: {  	v15 =	vld.idx.msk [tilespmem:v11+s2+$0x0], $0xffff;
	v9 =	vadd.f32 v13, v9  }
0xe6: {  	v13 =	vld.idx.msk [tilespmem:v7+s14+$0x0], $0xffff  }
0xe7: {  	v16 =	vld.idx.msk [tilespmem:v8+s14+$0x0], $0xffff;
	v11 =	vmul.f32 $2.000000030e-01, v9  }
0xe8: {  	v10 =	vadd.f32 v14, v10;
	v14 =	vld.idx.msk [tilespmem:v12+s2+$0x0], $0xffff  }
0xe9: {  	v11 =	vmax.f32 v9, v11  }
0xea: {  	v19 =	vsub.f32 v11, v5  }
0xeb: {  	v15 =	vadd.f32 v13, v15  }
0xec: {  	v20 =	vld [tilespmem:s1+$0xFFFFFFF0];
	v12 =	vmul.f32 $2.000000030e-01, v10;
	v19 =	vmul.f32 $1.442695020e+00, v19  }
0xed: {  	s29 =	simm.s32 $0x1BB90;
	v21 =	vld [tilespmem:s1+$0xFFFFFFE0];
	v14 =	vadd.f32 v16, v14;
	v16 =	vmul.f32 $2.000000030e-01, v15  }
0xee: {  	v9 =	vld [tilespmem:s29+$0xFFFFFFF0];
	v10 =	vmax.f32 v10, v12;
	(erf) = vpow2.f32 v19  }
0xef: {  	v12 =	vld [tilespmem:s29+$0x0];
	v10 =	vsub.f32 v10, v5;
	v15 =	vmax.f32 v15, v16  }
0xf0: {  	v13 =	vld.idx.msk [tilespmem:v18+s2+$0x0], $0xffff;
	v18 =	vmul.f32 $2.000000030e-01, v14;
	v15 =	vsub.f32 v15, v5  }
0xf1: {  	v11 =	vld [tilespmem:s29+$0xFFFFFFE0];
	v22 =	vmul.f32 $1.442695020e+00, v10  }
0xf2: {  	v23 =	vld [tilespmem:s1+$0x10];
	v14 =	vmax.f32 v14, v18;
	v15 =	vmul.f32 $1.442695020e+00, v15  }
0xf3: {  	v10 =	vld [tilespmem:s29+$0x10];
	(erf) = vpow2.f32 v22;
	v14 =	vsub.f32 v14, v5  }
0xf4: {  	(erf) = vpow2.f32 v15  }
0xf5: {  	v19 =	vld.idx.msk [tilespmem:v21+s2+$0x0], $0xffff;
	v21 =	vmul.f32 $1.442695020e+00, v14  }
0xf6: {  	v20 =	vld.idx.msk [tilespmem:v20+s2+$0x0], $0xffff  }
0xf7: {  	v22 =	vld.idx.msk [tilespmem:v9+s14+$0x0], $0xffff;
	v24 =	vpop (erf);
	(erf) = vpow2.f32 v21  }
0xf8: {  	v18 =	vld.idx.msk [tilespmem:v12+s14+$0x0], $0xffff  }
0xf9: {  	v16 =	vld.idx.msk [tilespmem:v11+s14+$0x0], $0xffff  }
0xfa: {  	s30 =	simm.s32 $0x1C190;
	v15 =	vld.idx.msk [tilespmem:v23+s2+$0x0], $0xffff  }
0xfb: {  	v14 =	vld.idx.msk [tilespmem:v10+s14+$0x0], $0xffff;
	[tilespmem:s30+$0xFFFFFFF0] =	vst v24  }
0xfc: {  	s31 =	simm.s32 $0x1C190;
	s0 =	simm.s32 $0x1B8B0;
	s1 =	simm.s32 $0x40;
	v20 =	vadd.f32 v22, v20;
	[tilespmem:v17+s23+$0x0] =	vst.idx.add.f32.msk $0xffff, v24;
	v17 =	vpop (erf)  }
.LBB2_23:
0xfd: {  	v21 =	vld [tilespmem:s0+$0x0];
	s1 =	sadd.s32 $0x40, s1;
	s29 =	sadd.s32 $0x40, s29;
	[tilespmem:s30+$0xFFFFFFE0] =	vst v17;
	s31 =	sadd.s32 $0x40, s31;
	v22 =	vpop (erf)  }
0xfe: {  	v16 =	vadd.f32 v16, v19;
	v23 =	vld [tilespmem:s0+$0xFFFFFFF0];
	p0 =	slt.u32 s1, $0x2C0;
	v25 =	vmul.f32 $2.000000030e-01, v20;
	[tilespmem:s30+$0x0] =	vst v22  }
0xff: {  	v13 =	vadd.f32 v18, v13;
	[tilespmem:v6+s23+$0x0] =	vst.idx.add.f32.msk $0xffff, v17;
	v6 =	vmov v11  }
0x100: {  	v17 =	vmul.f32 $2.000000030e-01, v16;
	v24 =	vld [tilespmem:s29+$0xFFFFFFF0];
	v18 =	vmax.f32 v20, v25;
	v19 =	vpop (erf)  }
0x101: {  	v20 =	vmul.f32 $2.000000030e-01, v13;
	v14 =	vadd.f32 v14, v15;
	v11 =	vld [tilespmem:s29+$0xFFFFFFE0];
	v18 =	vsub.f32 v18, v5;
	[tilespmem:s30+$0x10] =	vst v19;
	s30 =	smov.u32 s31  }
0x102: {  	v15 =	vmax.f32 v16, v17;
	[tilespmem:v7+s23+$0x0] =	vst.idx.add.f32.msk $0xffff, v22;
	v7 =	vmov v12  }
0x103: {  	v15 =	vsub.f32 v15, v5;
	v12 =	vmax.f32 v13, v20;
	v16 =	vmul.f32 $1.442695020e+00, v18;
	[tilespmem:v8+s23+$0x0] =	vst.idx.add.f32.msk $0xffff, v19  }
0x104: {  	v13 =	vsub.f32 v12, v5;
	v18 =	vmul.f32 $2.000000030e-01, v14;
	v8 =	vmov v10;
	v17 =	vld [tilespmem:s0+$0xFFFFFFE0]  }
0x105: {  	v15 =	vmul.f32 $1.442695020e+00, v15;
	v12 =	vld [tilespmem:s29+$0x0];
	(erf) = vpow2.f32 v16  }
0x106: {  	v16 =	vmul.f32 $1.442695020e+00, v13;
	v13 =	vmax.f32 v14, v18;
	v10 =	vld [tilespmem:s29+$0x10]  }
0x107: {  	v14 =	vsub.f32 v13, v5;
	v20 =	vld [tilespmem:s0+$0x10];
	(erf) = vpow2.f32 v15  }
0x108: {  	v13 =	vld.idx.msk [tilespmem:v21+s2+$0x0], $0xffff;
	(erf) = vpow2.f32 v16  }
0x109: {  	v14 =	vmul.f32 $1.442695020e+00, v14;
	v21 =	vld.idx.msk [tilespmem:v24+s14+$0x0], $0xffff  }
0x10a: {  	v22 =	vld.idx.msk [tilespmem:v23+s2+$0x0], $0xffff  }
0x10b: {  	v16 =	vld.idx.msk [tilespmem:v11+s14+$0x0], $0xffff;
	(erf) = vpow2.f32 v14  }
.Ltmp10:
0x10c: {  	v19 =	vld.idx.msk [tilespmem:v17+s2+$0x0], $0xffff;
	(pc) =	sbr.rel @p0 .LBB2_23-.Ltmp10, $4  }
0x10d: {  	v18 =	vld.idx.msk [tilespmem:v12+s14+$0x0], $0xffff  }
0x10e: {  	v14 =	vld.idx.msk [tilespmem:v10+s14+$0x0], $0xffff;
	v17 =	vpop (erf)  }
0x10f: {  	v15 =	vld.idx.msk [tilespmem:v20+s2+$0x0], $0xffff;
	[tilespmem:s31+$0xFFFFFFF0] =	vst v17  }
0x110: {  	s0 =	sadd.s32 $0x40, s0;
	v20 =	vadd.f32 v21, v22;
	[tilespmem:v9+s23+$0x0] =	vst.idx.add.f32.msk $0xffff, v17;
	v17 =	vpop (erf);
	v9 =	vmov v24  }
0x111: {  	v16 =	vadd.f32 v16, v19  }
0x112: {  	v55 =	vmul.f32 $2.000000030e-01, v20;
	v13 =	vadd.f32 v18, v13  }
0x113: {  	v56 =	vmul.f32 $2.000000030e-01, v16  }
0x114: {  	v19 =	vmax.f32 v20, v55;
	v57 =	vmul.f32 $2.000000030e-01, v13  }
0x115: {  	v14 =	vadd.f32 v14, v15;
	v19 =	vsub.f32 v19, v5;
	v58 =	vmax.f32 v16, v56  }
0x116: {  	v15 =	vsub.f32 v58, v5  }
0x117: {  	v13 =	vmax.f32 v13, v57;
	v60 =	vmul.f32 $2.000000030e-01, v14;
	v59 =	vmul.f32 $1.442695020e+00, v19  }
0x118: {  	v13 =	vsub.f32 v13, v5  }
0x119: {  	v15 =	vmul.f32 $1.442695020e+00, v15;
	v14 =	vmax.f32 v14, v60;
	(erf) = vpow2.f32 v59  }
0x11a: {  	v13 =	vmul.f32 $1.442695020e+00, v13;
	v14 =	vsub.f32 v14, v5  }
0x11b: {  	(erf) = vpow2.f32 v15  }
0x11c: {  	(erf) = vpow2.f32 v13;
	v61 =	vmul.f32 $1.442695020e+00, v14  }
0x11d: {  	[tilespmem:s30+$0xFFFFFFE0] =	vst v17;
	v62 =	vpop (erf)  }
0x11e: {  	[tilespmem:s30+$0x0] =	vst v62;
	(erf) = vpow2.f32 v61  }
0x11f: {  	[tilespmem:v6+s23+$0x0] =	vst.idx.add.f32.msk $0xffff, v17  }
0x120: {  	[tilespmem:v7+s23+$0x0] =	vst.idx.add.f32.msk $0xffff, v62;
	v63 =	vpop (erf)  }
0x121: {  	[tilespmem:s30+$0x10] =	vst v63  }
0x122: {  	s0 =	sadd.s32 $0x40, s31;
	[tilespmem:v8+s23+$0x0] =	vst.idx.add.f32.msk $0xffff, v63;
	v6 =	vpop (erf)  }
0x123: {  	[tilespmem:s0+$0xFFFFFFF0] =	vst v6  }
0x124: {  	[tilespmem:v9+s23+$0x0] =	vst.idx.add.f32.msk $0xffff, v6;
	v6 =	vpop (erf)  }
0x125: {  	[tilespmem:s0+$0xFFFFFFE0] =	vst v6;
	v7 =	vpop (erf)  }
0x126: {  	[tilespmem:s0+$0x0] =	vst v7  }
0x127: {  	[tilespmem:v11+s23+$0x0] =	vst.idx.add.f32.msk $0xffff, v6;
	v6 =	vpop (erf)  }
0x128: {  	[tilespmem:s0+$0x10] =	vst v6  }
0x129: {  	s1 =	simm.s32 $0x1BB10;
	[tilespmem:v12+s23+$0x0] =	vst.idx.add.f32.msk $0xffff, v7  }
0x12a: {  	s29 =	simm.s32 $0x2F0;
	s30 =	simm.s32 $0x1C470;
	s0 =	simm.s32 $0x1BE30;
	[tilespmem:v10+s23+$0x0] =	vst.idx.add.f32.msk $0xffff, v6  }
.LBB2_25:
0x12b: {  	v6 =	vld [tilespmem:s1+$0x0]  }
0x12c: {  	v7 =	vld [tilespmem:s0+$0x0];
	_ =	sdelay $0x6  }
0x12d: {  	v6 =	vld.idx.msk [tilespmem:v6+s2+$0x0], $0xffff  }
0x12e: {  	v8 =	vld.idx.msk [tilespmem:v7+s14+$0x0], $0xffff;
	_ =	sdelay $0x4  }
0x12f: {  	v6 =	vadd.f32 v8, v6;
	_ =	sdelay $0x1  }
0x130: {  	v8 =	vmul.f32 $2.000000030e-01, v6;
	_ =	sdelay $0x1  }
0x131: {  	v6 =	vmax.f32 v6, v8  }
0x132: {  	v6 =	vsub.f32 v6, v5;
	_ =	sdelay $0x1  }
0x133: {  	v6 =	vmul.f32 $1.442695020e+00, v6;
	_ =	sdelay $0x1  }
0x134: {  	(erf) = vpow2.f32 v6;
	_ =	sdelay $0x4  }
0x135: {  	s29 =	sadd.s32 $0x10, s29  }
0x136: {  	p0 =	slt.u32 s29, $0x310  }
.Ltmp11:
0x137: {  	_ = 	snop;
	(pc) =	sbr.rel @p0 .LBB2_25-.Ltmp11, $4  }
0x138: {  	_ = 	snop  }
0x139: {  	v6 =	vpop (erf)  }
0x13a: {  	[tilespmem:s30+$0x0] =	vst v6  }
0x13b: {  	s0 =	sadd.s32 $0x10, s0;
	s1 =	sadd.s32 $0x10, s1;
	s30 =	sadd.s32 $0x10, s30;
	[tilespmem:v7+s23+$0x0] =	vst.idx.add.f32.msk $0xffff, v6  }
0x13c: {  	v6 =	vadd.s32 $0xE, v3  }
0x13d: {  	_ =	swait.ge [sflag:s18], $0x3200;
	v7 =	vadd.s32 $0x2, v3  }
0x13e: {  	[sflag:s18] =	ssyncset.done $0x0  }
0x13f: {  	v9 =	vadd.s32 $0x4, v3;
	[sflag:s18] =	ssyncadd.s32 $0xFFFFCE00  }
0x140: {  	v11 =	vld.idx.msk [tilespmem:v3+s24+$0x0], $0xffff  }
0x141: {  	v14 =	vld.idx.msk [tilespmem:v6+s17+$0x0], $0xffff  }
0x142: {  	v18 =	vadd.s32 $0xA, v3;
	v17 =	vld.idx.msk [tilespmem:v7+s24+$0x0], $0xffff  }
0x143: {  	v20 =	vadd.s32 $0xC, v3;
	v8 =	vshll.u32 v6, $0x4;
	v6 =	vld.idx.msk [tilespmem:v6+s24+$0x0], $0xffff  }
0x144: {  	v26 =	vadd.s32 $0x10, v3;
	v23 =	vld.idx.msk [tilespmem:v9+s24+$0x0], $0xffff  }
0x145: {  	v10 =	vshll.u32 v7, $0x4;
	v28 =	vadd.s32 $0x8, v26;
	v7 =	vld.idx.msk [tilespmem:v7+s17+$0x0], $0xffff  }
0x146: {  	v13 =	vshll.u32 v9, $0x4;
	v31 =	vadd.s32 $0xA, v26;
	v9 =	vld.idx.msk [tilespmem:v9+s17+$0x0], $0xffff  }
0x147: {  	v33 =	vadd.s32 $0xC, v26;
	v58 =	vld.idx.msk [tilespmem:v18+s24+$0x0], $0xffff  }
0x148: {  	v25 =	vld.idx.msk [tilespmem:v20+s24+$0x0], $0xffff  }
0x149: {  	v21 =	vshll.u32 v18, $0x4;
	v8 =	vor.u32 v1, v8;
	v18 =	vld.idx.msk [tilespmem:v18+s17+$0x0], $0xffff  }
0x14a: {  	v12 =	vadd.s32 $0x6, v3;
	v10 =	vor.u32 v1, v10;
	v60 =	vld.idx.msk [tilespmem:v28+s24+$0x0], $0xffff  }
0x14b: {  	v15 =	vadd.s32 $0x8, v3;
	v16 =	vshll.u32 v12, $0x4;
	v13 =	vor.u32 v1, v13;
	v61 =	vld.idx.msk [tilespmem:v31+s24+$0x0], $0xffff  }
0x14c: {  	v19 =	vshll.u32 v15, $0x4;
	v16 =	vor.u32 v1, v16;
	v38 =	vld.idx.msk [tilespmem:v33+s24+$0x0], $0xffff  }
0x14d: {  	v19 =	vor.u32 v1, v19;
	v32 =	vshll.u32 v28, $0x4;
	v28 =	vld.idx.msk [tilespmem:v28+s17+$0x0], $0xffff  }
0x14e: {  	v21 =	vor.u32 v1, v21;
	v8 =	vld.idx.msk [tilespmem:v8+s21+$0x0], $0xffff  }
0x14f: {  	v34 =	vshll.u32 v31, $0x4;
	v32 =	vor.u32 v1, v32;
	v10 =	vld.idx.msk [tilespmem:v10+s21+$0x0], $0xffff  }
0x150: {  	v22 =	vshll.u32 v20, $0x4;
	v34 =	vor.u32 v1, v34;
	v13 =	vld.idx.msk [tilespmem:v13+s21+$0x0], $0xffff  }
0x151: {  	v22 =	vor.u32 v1, v22;
	v16 =	vld.idx.msk [tilespmem:v16+s21+$0x0], $0xffff  }
0x152: {  	v19 =	vld.idx.msk [tilespmem:v19+s21+$0x0], $0xffff  }
0x153: {  	v21 =	vld.idx.msk [tilespmem:v21+s21+$0x0], $0xffff  }
0x154: {  	v32 =	vld.idx.msk [tilespmem:v32+s21+$0x0], $0xffff  }
0x155: {  	v34 =	vld.idx.msk [tilespmem:v34+s21+$0x0], $0xffff  }
0x156: {  	v24 =	vshll.u32 v3, $0x4;
	v14 =	vadd.s32 v4, v14;
	v6 =	vmul.f32 v6, v8;
	v8 =	vld.idx.msk [tilespmem:v22+s21+$0x0], $0xffff  }
0x157: {  	v24 =	vor.u32 v1, v24;
	v22 =	vld.idx.msk [tilespmem:v15+s24+$0x0], $0xffff  }
0x158: {  	v15 =	vld.idx.msk [tilespmem:v15+s17+$0x0], $0xffff  }
0x159: {  	v10 =	vmul.f32 v17, v10;
	v17 =	vld.idx.msk [tilespmem:v20+s17+$0x0], $0xffff  }
0x15a: {  	v9 =	vadd.s32 v4, v9;
	v20 =	vld.idx.msk [tilespmem:v3+s17+$0x0], $0xffff  }
0x15b: {  	v7 =	vadd.s32 v4, v7;
	[tilespmem:v14+s25+$0x0] =	vst.idx.add.f32.msk $0xffff, v6  }
0x15c: {  	v62 =	vadd.s32 v4, v18;
	v6 =	vld.idx.msk [tilespmem:v24+s21+$0x0], $0xffff  }
0x15d: {  	v13 =	vmul.f32 v23, v13;
	v23 =	vadd.s32 $0xE, v26;
	v14 =	vld.idx.msk [tilespmem:v12+s24+$0x0], $0xffff  }
0x15e: {  	v12 =	vld.idx.msk [tilespmem:v12+s17+$0x0], $0xffff  }
0x15f: {  	v21 =	vmul.f32 v58, v21;
	[tilespmem:v9+s25+$0x0] =	vst.idx.add.f32.msk $0xffff, v13;
	v9 =	vadd.s32 $0x4, v26  }
0x160: {  	[tilespmem:v7+s25+$0x0] =	vst.idx.add.f32.msk $0xffff, v10;
	v7 =	vshll.u32 v23, $0x4;
	v13 =	vadd.s32 $0x6, v26  }
0x161: {  	[tilespmem:v62+s25+$0x0] =	vst.idx.add.f32.msk $0xffff, v21;
	v7 =	vor.u32 v1, v7  }
0x162: {  	v27 =	vld.idx.msk [tilespmem:v23+s17+$0x0], $0xffff  }
0x163: {  	v29 =	vshll.u32 v13, $0x4;
	v23 =	vld.idx.msk [tilespmem:v23+s24+$0x0], $0xffff  }
0x164: {  	v29 =	vor.u32 v1, v29;
	v36 =	vld.idx.msk [tilespmem:v9+s24+$0x0], $0xffff  }
0x165: {  	v12 =	vadd.s32 v4, v12;
	v59 =	vld.idx.msk [tilespmem:v13+s24+$0x0], $0xffff  }
0x166: {  	v7 =	vld.idx.msk [tilespmem:v7+s21+$0x0], $0xffff  }
0x167: {  	v14 =	vmul.f32 v14, v16;
	v16 =	vadd.s32 $0x2, v26;
	v40 =	vld.idx.msk [tilespmem:v9+s17+$0x0], $0xffff  }
0x168: {  	v37 =	vshll.u32 v26, $0x4;
	v41 =	vld.idx.msk [tilespmem:v13+s17+$0x0], $0xffff;
	v27 =	vadd.s32 v4, v27  }
0x169: {  	v37 =	vor.u32 v1, v37;
	v29 =	vld.idx.msk [tilespmem:v29+s21+$0x0], $0xffff  }
0x16a: {  	v35 =	vshll.u32 v33, $0x4;
	[tilespmem:v12+s25+$0x0] =	vst.idx.add.f32.msk $0xffff, v14  }
0x16b: {  	v35 =	vor.u32 v1, v35;
	v10 =	vshll.u32 v16, $0x4;
	v12 =	vld.idx.msk [tilespmem:v26+s24+$0x0], $0xffff;
	v7 =	vmul.f32 v23, v7  }
0x16c: {  	v10 =	vor.u32 v1, v10;
	v14 =	vshll.u32 v9, $0x4;
	v30 =	vld.idx.msk [tilespmem:v16+s24+$0x0], $0xffff  }
0x16d: {  	v14 =	vor.u32 v1, v14;
	[tilespmem:v27+s25+$0x0] =	vst.idx.add.f32.msk $0xffff, v7  }
0x16e: {  	v7 =	vld.idx.msk [tilespmem:v37+s21+$0x0], $0xffff  }
0x16f: {  	v6 =	vmul.f32 v11, v6;
	v11 =	vadd.s32 v4, v15;
	v39 =	vld.idx.msk [tilespmem:v16+s17+$0x0], $0xffff  }
0x170: {  	v23 =	vld.idx.msk [tilespmem:v35+s21+$0x0], $0xffff  }
0x171: {  	v63 =	vadd.s32 v4, v17;
	v10 =	vld.idx.msk [tilespmem:v10+s21+$0x0], $0xffff  }
0x172: {  	v22 =	vmul.f32 v22, v19;
	v14 =	vld.idx.msk [tilespmem:v14+s21+$0x0], $0xffff  }
0x173: {  	v25 =	vmul.f32 v25, v8;
	v17 =	vld.idx.msk [tilespmem:v26+s17+$0x0], $0xffff;
	v19 =	vmul.f32 v12, v7;
	v12 =	vadd.s32 v4, v20  }
0x174: {  	v9 =	vmul.f32 v61, v34;
	[tilespmem:v11+s25+$0x0] =	vst.idx.add.f32.msk $0xffff, v22;
	v22 =	vadd.s32 v4, v39  }
0x175: {  	v13 =	vld.idx.msk [tilespmem:v31+s17+$0x0], $0xffff;
	v21 =	vadd.s32 v4, v41;
	v18 =	vmul.f32 v59, v29;
	v20 =	vadd.s32 v4, v40  }
0x176: {  	[tilespmem:v63+s25+$0x0] =	vst.idx.add.f32.msk $0xffff, v25;
	v11 =	vadd.s32 $0x10, v26;
	v8 =	vmul.f32 v38, v23;
	v15 =	vmul.f32 v30, v10  }
0x177: {  	s29 =	simm.s32 $0x10;
	v10 =	vadd.s32 v4, v28;
	v7 =	vmul.f32 v60, v32;
	v16 =	vmul.f32 v36, v14;
	v14 =	vld.idx.msk [tilespmem:v33+s17+$0x0], $0xffff  }
.LBB2_27:
0x178: {  	v23 =	vadd.s32 $0x2, v11;
	v24 =	vadd.s32 $0x4, v11;
	v25 =	vadd.s32 $0xE, v11;
	s29 =	sadd.s32 $0x10, s29;
	[tilespmem:v12+s25+$0x0] =	vst.idx.add.f32.msk $0xffff, v6;
	v6 =	vmovc v19  }
0x179: {  	v26 =	vadd.s32 $0x6, v11;
	v27 =	vadd.s32 $0x8, v11;
	v28 =	vadd.s32 $0xA, v11;
	p0 =	slt.u32 s29, $0x310;
	[tilespmem:v22+s25+$0x0] =	vst.idx.add.f32.msk $0xffff, v15  }
0x17a: {  	v12 =	vshll.u32 v23, $0x4;
	v22 =	vadd.s32 $0xC, v11;
	v15 =	vshll.u32 v25, $0x4;
	[tilespmem:v20+s25+$0x0] =	vst.idx.add.f32.msk $0xffff, v16  }
0x17b: {  	v19 =	vshll.u32 v26, $0x4;
	v16 =	vshll.u32 v24, $0x4;
	v15 =	vor.u32 v1, v15;
	[tilespmem:v21+s25+$0x0] =	vst.idx.add.f32.msk $0xffff, v18  }
0x17c: {  	v20 =	vshll.u32 v27, $0x4;
	v29 =	vshll.u32 v22, $0x4;
	v21 =	vshll.u32 v28, $0x4;
	v18 =	vld.idx.msk [tilespmem:v11+s24+$0x0], $0xffff  }
0x17d: {  	v30 =	vshll.u32 v11, $0x4;
	v31 =	vor.u32 v1, v12;
	v16 =	vor.u32 v1, v16;
	v32 =	vld.idx.msk [tilespmem:v25+s17+$0x0], $0xffff  }
0x17e: {  	v19 =	vor.u32 v1, v19;
	v20 =	vor.u32 v1, v20;
	v21 =	vor.u32 v1, v21;
	v33 =	vld.idx.msk [tilespmem:v23+s24+$0x0], $0xffff  }
0x17f: {  	v34 =	vadd.s32 v4, v13;
	v30 =	vor.u32 v1, v30;
	v29 =	vor.u32 v1, v29;
	v25 =	vld.idx.msk [tilespmem:v25+s24+$0x0], $0xffff  }
0x180: {  	v35 =	vadd.s32 v4, v14;
	v12 =	vadd.s32 v4, v17;
	v13 =	vld.idx.msk [tilespmem:v15+s21+$0x0], $0xffff  }
0x181: {  	v14 =	vld.idx.msk [tilespmem:v24+s24+$0x0], $0xffff  }
0x182: {  	v15 =	vld.idx.msk [tilespmem:v31+s21+$0x0], $0xffff  }
0x183: {  	v17 =	vadd.s32 v4, v32;
	v16 =	vld.idx.msk [tilespmem:v16+s21+$0x0], $0xffff  }
0x184: {  	v31 =	vld.idx.msk [tilespmem:v19+s21+$0x0], $0xffff  }
0x185: {  	v20 =	vld.idx.msk [tilespmem:v20+s21+$0x0], $0xffff  }
0x186: {  	v13 =	vmul.f32 v25, v13;
	v21 =	vld.idx.msk [tilespmem:v21+s21+$0x0], $0xffff  }
0x187: {  	v25 =	vld.idx.msk [tilespmem:v29+s21+$0x0], $0xffff  }
0x188: {  	v15 =	vmul.f32 v33, v15;
	[tilespmem:v17+s25+$0x0] =	vst.idx.add.f32.msk $0xffff, v13  }
0x189: {  	v16 =	vmul.f32 v14, v16;
	v13 =	vld.idx.msk [tilespmem:v30+s21+$0x0], $0xffff  }
0x18a: {  	v14 =	vld.idx.msk [tilespmem:v26+s24+$0x0], $0xffff  }
0x18b: {  	v17 =	vld.idx.msk [tilespmem:v27+s24+$0x0], $0xffff  }
0x18c: {  	v29 =	vld.idx.msk [tilespmem:v28+s24+$0x0], $0xffff  }
0x18d: {  	v30 =	vld.idx.msk [tilespmem:v22+s24+$0x0], $0xffff  }
0x18e: {  	v23 =	vld.idx.msk [tilespmem:v23+s17+$0x0], $0xffff  }
0x18f: {  	v19 =	vmul.f32 v18, v13;
	v24 =	vld.idx.msk [tilespmem:v24+s17+$0x0], $0xffff  }
0x190: {  	v18 =	vmul.f32 v14, v31;
	v26 =	vld.idx.msk [tilespmem:v26+s17+$0x0], $0xffff  }
0x191: {  	v31 =	vmul.f32 v17, v20;
	v27 =	vld.idx.msk [tilespmem:v27+s17+$0x0], $0xffff  }
0x192: {  	v13 =	vld.idx.msk [tilespmem:v28+s17+$0x0], $0xffff;
	v28 =	vmul.f32 v29, v21  }
.Ltmp12:
0x193: {  	v25 =	vmul.f32 v30, v25;
	v14 =	vld.idx.msk [tilespmem:v22+s17+$0x0], $0xffff;
	(pc) =	sbr.rel @p0 .LBB2_27-.Ltmp12, $4  }
0x194: {  	v22 =	vadd.s32 v4, v23;
	v17 =	vld.idx.msk [tilespmem:v11+s17+$0x0], $0xffff  }
0x195: {  	v20 =	vadd.s32 v4, v24;
	[tilespmem:v10+s25+$0x0] =	vst.idx.add.f32.msk $0xffff, v7;
	v7 =	vmov v31  }
0x196: {  	v21 =	vadd.s32 v4, v26;
	[tilespmem:v34+s25+$0x0] =	vst.idx.add.f32.msk $0xffff, v9;
	v9 =	vmov v28  }
0x197: {  	v11 =	vadd.s32 $0x10, v11;
	v10 =	vadd.s32 v4, v27;
	[tilespmem:v35+s25+$0x0] =	vst.idx.add.f32.msk $0xffff, v8;
	v8 =	vmov v25  }
0x198: {  	_ =	sdelay $0x3  }
0x199: {  	[tilespmem:v12+s25+$0x0] =	vst.idx.add.f32.msk $0xffff, v6;
	v6 =	vadd.s32 v4, v13  }
0x19a: {  	[tilespmem:v22+s25+$0x0] =	vst.idx.add.f32.msk $0xffff, v15;
	v11 =	vadd.s32 v4, v14;
	s28 =	sadd.s32 $0x1, s28  }
0x19b: {  	[tilespmem:v20+s25+$0x0] =	vst.idx.add.f32.msk $0xffff, v16;
	v63 =	vadd.s32 v4, v17;
	p0 =	sne.s32 s28, $0x32  }
.Ltmp13:
0x19c: {  	[tilespmem:v21+s25+$0x0] =	vst.idx.add.f32.msk $0xffff, v18;
	(pc) =	sbr.rel @p0 .LBB2_20-.Ltmp13, $4  }
0x19d: {  	[tilespmem:v10+s25+$0x0] =	vst.idx.add.f32.msk $0xffff, v7  }
0x19e: {  	[tilespmem:v6+s25+$0x0] =	vst.idx.add.f32.msk $0xffff, v9  }
0x19f: {  	[tilespmem:v11+s25+$0x0] =	vst.idx.add.f32.msk $0xffff, v8  }
0x1a0: {  	[tilespmem:v63+s25+$0x0] =	vst.idx.add.f32.msk $0xffff, v19  }
0x1a1: {  	[hbm4b:s10+s2] =	stream.linear.scatter [tilespmem:s25], [sflag:$0x3], $0x14000, $0x38;
	[tilespmem:$0x1F690] =	vst v63  }
0x1a2: {  	s26 =	sadd.s32 $0x1, s26;
	_ =	swait.ge [sflag:s13], $0x14000  }
0x1a3: {  	p0 =	sne.s32 s26, s12;
	[sflag:s13] =	ssyncset.done $0x0  }
.Ltmp14:
0x1a4: {  	[sflag:s13] =	ssyncadd.s32 $0xFFFEC000;
	(pc) =	sbr.rel @p0 .LBB2_1-.Ltmp14, $4  }
0x1a5: {  	[hbm4b:s11+s2] =	stream.linear.scatter [tilespmem:s23], [sflag:$0x3], $0x2800, $0x38;
	[tilespmem:$0x1F690] =	vst v63  }
0x1a6: {  	_ =	swait.ge [sflag:s13], $0x2800  }
0x1a7: {  	[sflag:s13] =	ssyncset.done $0x0  }
0x1a8: {  	[sflag:s13] =	ssyncadd.s32 $0xFFFFD800  }
0x1a9: {  	_ =	sfence.sel $0x180000  }
0x1aa: {  	[bflag:$0x0] =	sbarrier.arrive $0xFFFF  }
0x1ab: {  	_ =	strace $0x90000047  }
0x1ac: {  	s0 =	stileid.u32;
	[bflag:$0x2] =	sbarrier.arrive $0xFFFF  }
0x1ad: {  	p0 =	sne.s32 s0, $0x0;
	s0 =	rddreg [dreg:$0x2]  }
0x1ae: {  	s0 =	sadd.s32 @!p0 $0x100000, s0  }
0x1af: {  	[sflag:s0] =	ssyncadd.tile.s32 @!p0 $0x1;
	_ =	shalt  }
.Lfunc_end2:
_tile_overlayer_lowered:
.L_overlay_start_2:
0x1b0: {  	(tag) =	ssettag $0x2  }
0x1b1: {  	s0 =	rddreg [dreg:$0x0];
	s2 =	stileid.u32  }
0x1b2: {  	s1 =	rddreg [dreg:$0x1];
	p0 =	sne.s32 s2, $0x0  }
0x1b3: {  	s3 =	rddreg [dreg:$0x2];
	[bflag:$0x3] =	sbarrier.arrive $0xFFFF;
	s2 =	simm.s32 @!p0 $0x1C03  }
0x1b4: {  	[timem:s3], [sflag:s2] =	dma.local @!p0 [hbm:s0], s1  }
0x1b5: {  	s0 =	simm.s32 @!p0 $0x3  }
0x1b6: {  	_ =	swait.ge @!p0 [sflag:s0], s1  }
0x1b7: {  	s1 =	ssub.s32 @!p0 $0x0, s1;
	[sflag:s0] =	ssyncset.done @!p0 $0x0  }
0x1b8: {  	[sflag:s0] =	ssyncadd.s32 @!p0 s1  }
0x1b9: {  	[bflag:$0x3] =	sbarrier.arrive $0xFFFF  }
0x1ba: {  	_ =	shalt  }

</sc_bundles>
